<compile_context>
chip_gen: v7x
topology: tpu7x:2x2x1
jax: 0.10.2.dev20260603
libtpu: 0.0.44.dev20260713+nightly
codegen_flags: <defaults>
</compile_context>

<pallas_src>
import jax
import jax.numpy as jnp
from jax import lax
from jax.experimental import pallas as pl
from jax.experimental.pallas import tpu as pltpu
from jax.experimental.pallas import tpu_sc as plsc

NSC = 2
NT = 16
EBLK = 128
ZR = 128


def _sc_aggregate(n_pad, n_eblocks, num_tables, with_deg):
    nacc = n_pad + 16
    bpt = n_eblocks // NT
    rpt = n_pad // NT
    assert n_eblocks % NT == 0 and bpt % 8 == 0
    assert n_pad % NT == 0 and rpt % ZR == 0
    passes = num_tables // NSC
    assert num_tables % NSC == 0

    mesh = plsc.VectorSubcoreMesh(core_axis_name="c", subcore_axis_name="s",
                                  num_cores=NSC, num_subcores=NT)

    def body(*refs):
        tables = refs[:num_tables]
        srcb_h, dstb_h, z128, ones128 = refs[num_tables:num_tables + 4]
        outs = refs[num_tables + 4:2 * num_tables + 4]
        rest = refs[2 * num_tables + 4:]
        if with_deg:
            deg0, deg1 = rest[0], rest[1]
            rest = rest[2:]
        (acc, srcb, dstb, rows, sem) = rest

        cid = lax.axis_index("c")
        sid = lax.axis_index("s")
        sb = 8

        def zero_acc():
            for k in range(rpt // ZR):
                zs = pl.ds(pl.multiple_of(sid * rpt + k * ZR, 8), ZR)
                pltpu.sync_copy(z128, acc.at[zs])

        def edge_loop(tbl, base, nblk):
            def stage(s, carry):
                eoff = pl.multiple_of(base + s * sb, 8)
                if tbl is not None:
                    pltpu.sync_copy(srcb_h.at[pl.ds(eoff, sb)], srcb)
                pltpu.sync_copy(dstb_h.at[pl.ds(eoff, sb)], dstb)

                def step(j, carry2):
                    if tbl is not None:
                        pltpu.async_copy(tbl.at[srcb.at[j]], rows, sem).wait()
                    pltpu.sync_copy(rows, acc.at[dstb.at[j]], add=True)
                    return carry2
                lax.fori_loop(0, sb, step, 0)
                return carry
            lax.fori_loop(0, nblk // sb, stage, 0)

        rs = pl.ds(pl.multiple_of(sid * rpt, 8), rpt)
        for p in range(passes):
            zero_acc()
            plsc.subcore_barrier()
            for c in range(NSC):
                t = p * NSC + c

                @pl.when(cid == c)
                def _(t=t):
                    edge_loop(tables[t], sid * bpt, bpt)
            plsc.subcore_barrier()
            for c in range(NSC):
                t = p * NSC + c

                @pl.when(cid == c)
                def _(t=t):
                    pltpu.sync_copy(acc.at[rs], outs[t].at[rs])

        if with_deg:
            zero_acc()
            pltpu.sync_copy(ones128, rows)
            plsc.subcore_barrier()
            half = n_eblocks // NSC
            edge_loop(None, cid * half + sid * (half // NT), half // NT)
            plsc.subcore_barrier()

            @pl.when(cid == 0)
            def _():
                pltpu.sync_copy(acc.at[rs], deg0.at[rs])

            @pl.when(cid == 1)
            def _():
                pltpu.sync_copy(acc.at[rs], deg1.at[rs])

    out_type = tuple(
        [jax.ShapeDtypeStruct((n_pad, 128), jnp.float32)]
        * (num_tables + (2 if with_deg else 0)))
    return pl.kernel(
        body,
        out_type=out_type,
        mesh=mesh,
        scratch_types=[
            pltpu.VMEM_SHARED((nacc, 128), jnp.float32),
            pltpu.VMEM((8, 128), jnp.int32),
            pltpu.VMEM((8, 128), jnp.int32),
            pltpu.VMEM((EBLK, 128), jnp.float32),
            pltpu.SemaphoreType.DMA,
        ],
    )


def _tc_layer1(n_pad, d_in, h_out, bm):
    nb = n_pad // bm
    nchunk = h_out // 128

    def body(a0, a1, d0, d1, x, wl, wr, b, *outs):
        invd = 1.0 / jnp.clip(d0[:, 0:1] + d1[:, 0:1], 1.0, None)
        aggm = jnp.concatenate([a0[...], a1[...]], axis=1) * invd
        h = lax.dot_general(aggm, wl[...], (((1,), (1,)), ((), ())))
        h = h + lax.dot_general(x[...], wr[...], (((1,), (1,)), ((), ())))
        h = jnp.maximum(h + b[...], 0.0)
        for c in range(nchunk):
            outs[c][...] = h[:, c * 128:(c + 1) * 128]

    return pl.pallas_call(
        body,
        grid=(nb,),
        in_specs=[
            pl.BlockSpec((bm, 128), lambda m: (m, 0)),
            pl.BlockSpec((bm, 128), lambda m: (m, 0)),
            pl.BlockSpec((bm, 128), lambda m: (m, 0)),
            pl.BlockSpec((bm, 128), lambda m: (m, 0)),
            pl.BlockSpec((bm, d_in), lambda m: (m, 0)),
            pl.BlockSpec((h_out, d_in), lambda m: (0, 0)),
            pl.BlockSpec((h_out, d_in), lambda m: (0, 0)),
            pl.BlockSpec((1, h_out), lambda m: (0, 0)),
        ],
        out_specs=[pl.BlockSpec((bm, 128), lambda m: (m, 0))] * nchunk,
        out_shape=[jax.ShapeDtypeStruct((n_pad, 128), jnp.float32)] * nchunk,
    )


def _tc_layer2_head(n_pad, h_dim, n_cls, n_graphs, bm):
    nb = n_pad // bm

    def body(a0, a1, a2, a3, d0, d1, h0, h1, h2, h3, bt, wl, wr, b2, wc, bc2,
             out, pooled, cnt):
        m = pl.program_id(0)
        invd = 1.0 / jnp.clip(d0[:, 0:1] + d1[:, 0:1], 1.0, None)
        aggm = jnp.concatenate(
            [a0[...], a1[...], a2[...], a3[...]], axis=1) * invd
        hh = jnp.concatenate([h0[...], h1[...], h2[...], h3[...]], axis=1)
        z = lax.dot_general(aggm, wl[...], (((1,), (1,)), ((), ())))
        z = z + lax.dot_general(hh, wr[...], (((1,), (1,)), ((), ())))
        z = jnp.maximum(z + b2[...], 0.0)
        onehot = (bt[...] == lax.broadcasted_iota(
            jnp.int32, (bm, n_graphs), 1)).astype(jnp.float32)
        ps = lax.dot_general(onehot, z, (((0,), (0,)), ((), ())))
        cs = lax.dot_general(onehot, jnp.ones((bm, 128), jnp.float32),
                             (((0,), (0,)), ((), ())))

        @pl.when(m == 0)
        def _():
            pooled[...] = ps
            cnt[...] = cs

        @pl.when(m > 0)
        def _():
            pooled[...] += ps
            cnt[...] += cs

        @pl.when(m == nb - 1)
        def _():
            pm = pooled[...] / jnp.clip(cnt[...][:, 0:1], 1.0, None)
            out[...] = lax.dot_general(
                pm, wc[...], (((1,), (1,)), ((), ()))) + bc2[...]

    return pl.pallas_call(
        body,
        grid=(nb,),
        in_specs=(
            [pl.BlockSpec((bm, 128), lambda m: (m, 0))] * 4
            + [pl.BlockSpec((bm, 128), lambda m: (m, 0))] * 2
            + [pl.BlockSpec((bm, 128), lambda m: (m, 0))] * 4
            + [
                pl.BlockSpec((bm, 1), lambda m: (m, 0)),
                pl.BlockSpec((h_dim, h_dim), lambda m: (0, 0)),
                pl.BlockSpec((h_dim, h_dim), lambda m: (0, 0)),
                pl.BlockSpec((1, h_dim), lambda m: (0, 0)),
                pl.BlockSpec((n_cls, h_dim), lambda m: (0, 0)),
                pl.BlockSpec((1, n_cls), lambda m: (0, 0)),
            ]),
        out_specs=pl.BlockSpec((n_graphs, n_cls), lambda m: (0, 0)),
        out_shape=jax.ShapeDtypeStruct((n_graphs, n_cls), jnp.float32),
        scratch_shapes=[
            pltpu.VMEM((n_graphs, h_dim), jnp.float32),
            pltpu.VMEM((n_graphs, 128), jnp.float32),
        ],
    )


def kernel(x, edge_index, batch, Wl1, bl1, Wr1, Wl2, bl2, Wr2, Wc, bc):
    n, d = x.shape
    h = Wl1.shape[0]
    c_cls = Wc.shape[0]
    g = 64
    e = edge_index.shape[1]

    npad = ((n + NT * ZR - 1) // (NT * ZR)) * (NT * ZR)
    epad = ((e + NT * 8 * EBLK - 1) // (NT * 8 * EBLK)) * (NT * 8 * EBLK)

    src = edge_index[0].astype(jnp.int32)
    dst = edge_index[1].astype(jnp.int32)
    src = jnp.concatenate([src, jnp.zeros((epad - e,), jnp.int32)])
    dst = jnp.concatenate([dst, jnp.full((epad - e,), npad, jnp.int32)])
    src2d = src.reshape(epad // EBLK, EBLK)
    dst2d = dst.reshape(epad // EBLK, EBLK)

    z128 = jnp.zeros((ZR, 128), jnp.float32)
    ones128 = jnp.ones((EBLK, 128), jnp.float32)

    xc0 = x[:, 0:128]
    xc1 = x[:, 128:256]
    agg0, agg1, deg0, deg1 = _sc_aggregate(npad, epad // EBLK, 2, True)(
        xc0, xc1, src2d, dst2d, z128, ones128)

    xp = jnp.pad(x, ((0, npad - n), (0, 0)))
    h1c = _tc_layer1(npad, d, h, npad // 10)(
        agg0, agg1, deg0, deg1, xp, Wl1, Wr1, bl1.reshape(1, h))

    a2 = _sc_aggregate(npad, epad // EBLK, 4, False)(
        h1c[0], h1c[1], h1c[2], h1c[3], src2d, dst2d, z128, ones128)

    batch2d = jnp.pad(batch.astype(jnp.int32), (0, npad - n),
                      constant_values=g).reshape(npad, 1)
    out = _tc_layer2_head(npad, h, c_cls, g, npad // 10)(
        a2[0], a2[1], a2[2], a2[3], deg0, deg1, h1c[0], h1c[1], h1c[2],
        h1c[3], batch2d, Wl2, Wr2, bl2.reshape(1, h), Wc,
        bc.reshape(1, c_cls))
    return out

# --- scband reference (transcript-rebuilt; emitter-appended) ---
"""Pipeline reference for scband-homo-sage-90091234001076 (READ-ONLY COPY).

The authoritative reference and input builder live on the scoring server;
editing this copy changes nothing except your own understanding.
"""

import jax, jax.numpy as jnp
import numpy as np

N = 10000
E = 160000
D = 256
H = 512
C = 128
G = 64


def setup_inputs(seed: int = 0) -> dict:
    key = jax.random.key(seed)
    ks = jax.random.split(key, 12)
    x = jax.random.normal(ks[0], (N, D), dtype=jnp.float32)
    edge_index = jax.random.randint(ks[1], (2, E), 0, N, dtype=jnp.int64)
    batch = jnp.sort(jax.random.randint(ks[2], (N,), 0, G, dtype=jnp.int64))
    # SAGEConv layer 1: lin_l (neighbor agg, with bias), lin_r (root, no bias)
    Wl1 = jax.random.normal(ks[3], (H, D), dtype=jnp.float32) * 0.05
    bl1 = jnp.zeros((H,), dtype=jnp.float32)
    Wr1 = jax.random.normal(ks[4], (H, D), dtype=jnp.float32) * 0.05
    # SAGEConv layer 2
    Wl2 = jax.random.normal(ks[5], (H, H), dtype=jnp.float32) * 0.05
    bl2 = jnp.zeros((H,), dtype=jnp.float32)
    Wr2 = jax.random.normal(ks[6], (H, H), dtype=jnp.float32) * 0.05
    # Classifier Linear(H, C)
    Wc = jax.random.normal(ks[7], (C, H), dtype=jnp.float32) * 0.05
    bc = jnp.zeros((C,), dtype=jnp.float32)
    return {"x": x, "edge_index": edge_index, "batch": batch,
            "Wl1": Wl1, "bl1": bl1, "Wr1": Wr1,
            "Wl2": Wl2, "bl2": bl2, "Wr2": Wr2,
            "Wc": Wc, "bc": bc}


def _sage_conv(x, edge_index, Wl, bl, Wr, num_nodes):
    src = edge_index[0]
    dst = edge_index[1]
    msg = x[src]  # gather source node features
    agg_sum = jax.ops.segment_sum(msg, dst, num_segments=num_nodes)
    deg = jax.ops.segment_sum(jnp.ones((msg.shape[0],), x.dtype), dst, num_segments=num_nodes)
    agg = agg_sum / jnp.clip(deg, 1.0)[:, None]  # mean aggregation
    return agg @ Wl.T + bl + x @ Wr.T


def reference(x, edge_index, batch, Wl1, bl1, Wr1, Wl2, bl2, Wr2, Wc, bc):
    h = _sage_conv(x, edge_index, Wl1, bl1, Wr1, N)
    h = jax.nn.relu(h)
    # feat_dropout p=0.0 (eval): identity
    h = _sage_conv(h, edge_index, Wl2, bl2, Wr2, N)
    h = jax.nn.relu(h)
    # global_mean_pool over batch segment ids
    pooled_sum = jax.ops.segment_sum(h, batch, num_segments=G)
    counts = jax.ops.segment_sum(jnp.ones((N,), h.dtype), batch, num_segments=G)
    pooled = pooled_sum / jnp.clip(counts, 1.0)[:, None]
    out = pooled @ Wc.T + bc
    return out

if __name__ == "__main__":
    import jax
    _d = setup_inputs()
    print(jax.jit(kernel)(*tuple(_d.values())))

</pallas_src>

<mosaic_0001>
#map = affine_map<(d0, d1) -> (0, 0)>
module attributes {stable_mosaic.version = 14 : i64} {
  func.func @body(%arg0: i32, %arg1: i32, %arg2: memref<10000x128xf32, #tpu.memory_space<hbm>>, %arg3: memref<10000x128xf32, #tpu.memory_space<hbm>>, %arg4: memref<1280x128xi32, #tpu.memory_space<hbm>>, %arg5: memref<1280x128xi32, #tpu.memory_space<hbm>>, %arg6: memref<128x128xf32, #tpu.memory_space<hbm>>, %arg7: memref<128x128xf32, #tpu.memory_space<hbm>>, %arg8: memref<10240x128xf32, #tpu.memory_space<hbm>>, %arg9: memref<10240x128xf32, #tpu.memory_space<hbm>>, %arg10: memref<10240x128xf32, #tpu.memory_space<hbm>>, %arg11: memref<10240x128xf32, #tpu.memory_space<hbm>>, %arg12: memref<10256x128xf32, #tpu.memory_space<vmem_shared>>, %arg13: memref<8x128xi32, #tpu.memory_space<vmem>>, %arg14: memref<8x128xi32, #tpu.memory_space<vmem>>, %arg15: memref<128x128xf32, #tpu.memory_space<vmem>>, %arg16: memref<!tpu.dma_semaphore, #tpu.memory_space<semaphore_mem>>) attributes {dimension_semantics = [#tpu.dimension_semantics<core_parallel>, #tpu.dimension_semantics<subcore_parallel>], iteration_bounds = array<i64: 2, 16>, scalar_prefetch = 0 : i64, scratch_operands = 5 : i64, tpu.core_type = #tpu.core_type<sc_vector_subcore>, window_params = [{transform_indices = #map}, {transform_indices = #map}, {transform_indices = #map}, {transform_indices = #map}, {transform_indices = #map}, {transform_indices = #map}, {transform_indices = #map}, {transform_indices = #map}, {transform_indices = #map}, {transform_indices = #map}]} {
    %mul3A = arith.constant 640 : i32
    %mul3A_0 = arith.muli %arg1, %mul3A : i32
    %multiple_of3A = tpu.assume_multiple %mul3A_0, 8 : i32
    %mul3A_1 = arith.constant 640 : i32
    %mul3A_2 = arith.muli %arg1, %mul3A_1 : i32
    %add3A = arith.constant 0 : i32
    %add3A_3 = arith.addi %mul3A_2, %add3A : i32
    %multiple_of3A_4 = tpu.assume_multiple %add3A_3, 8 : i32
    "tpu.region"() ({
      %run_scoped3A = tpu.sem_alloc : memref<!tpu.dma_semaphore, #tpu.memory_space<semaphore_mem>>
      %dma_start3A = arith.constant 0 : i32
      %dma_start3A_90 = tpu.memref_slice %arg12[%multiple_of3A_4, %dma_start3A] : memref<10256x128xf32, #tpu.memory_space<vmem_shared>> -> memref<128x128xf32, #tpu.memory_space<vmem_shared>>
      tpu.enqueue_dma source(%arg6 : memref<128x128xf32, #tpu.memory_space<hbm>>) target(%dma_start3A_90 : memref<128x128xf32, #tpu.memory_space<vmem_shared>>) target_semaphore(%run_scoped3A : memref<!tpu.dma_semaphore, #tpu.memory_space<semaphore_mem>>)
      %dma_wait3A = arith.constant 0 : i32
      %dma_wait3A_91 = tpu.memref_slice %arg12[%multiple_of3A_4, %dma_wait3A] : memref<10256x128xf32, #tpu.memory_space<vmem_shared>> -> memref<128x128xf32, #tpu.memory_space<vmem_shared>>
      tpu.wait_dma2 semaphore(%run_scoped3A : memref<!tpu.dma_semaphore, #tpu.memory_space<semaphore_mem>>) src(%arg6 : memref<128x128xf32, #tpu.memory_space<hbm>>) dst(%dma_wait3A_91 : memref<128x128xf32, #tpu.memory_space<vmem_shared>>)
      tpu.yield
    }) : () -> ()
    %mul3A_5 = arith.constant 640 : i32
    %mul3A_6 = arith.muli %arg1, %mul3A_5 : i32
    %add3A_7 = arith.constant 128 : i32
    %add3A_8 = arith.addi %mul3A_6, %add3A_7 : i32
    %multiple_of3A_9 = tpu.assume_multiple %add3A_8, 8 : i32
    "tpu.region"() ({
      %run_scoped3A = tpu.sem_alloc : memref<!tpu.dma_semaphore, #tpu.memory_space<semaphore_mem>>
      %dma_start3A = arith.constant 0 : i32
      %dma_start3A_90 = tpu.memref_slice %arg12[%multiple_of3A_9, %dma_start3A] : memref<10256x128xf32, #tpu.memory_space<vmem_shared>> -> memref<128x128xf32, #tpu.memory_space<vmem_shared>>
      tpu.enqueue_dma source(%arg6 : memref<128x128xf32, #tpu.memory_space<hbm>>) target(%dma_start3A_90 : memref<128x128xf32, #tpu.memory_space<vmem_shared>>) target_semaphore(%run_scoped3A : memref<!tpu.dma_semaphore, #tpu.memory_space<semaphore_mem>>)
      %dma_wait3A = arith.constant 0 : i32
      %dma_wait3A_91 = tpu.memref_slice %arg12[%multiple_of3A_9, %dma_wait3A] : memref<10256x128xf32, #tpu.memory_space<vmem_shared>> -> memref<128x128xf32, #tpu.memory_space<vmem_shared>>
      tpu.wait_dma2 semaphore(%run_scoped3A : memref<!tpu.dma_semaphore, #tpu.memory_space<semaphore_mem>>) src(%arg6 : memref<128x128xf32, #tpu.memory_space<hbm>>) dst(%dma_wait3A_91 : memref<128x128xf32, #tpu.memory_space<vmem_shared>>)
      tpu.yield
    }) : () -> ()
    %mul3A_10 = arith.constant 640 : i32
    %mul3A_11 = arith.muli %arg1, %mul3A_10 : i32
    %add3A_12 = arith.constant 256 : i32
    %add3A_13 = arith.addi %mul3A_11, %add3A_12 : i32
    %multiple_of3A_14 = tpu.assume_multiple %add3A_13, 8 : i32
    "tpu.region"() ({
      %run_scoped3A = tpu.sem_alloc : memref<!tpu.dma_semaphore, #tpu.memory_space<semaphore_mem>>
      %dma_start3A = arith.constant 0 : i32
      %dma_start3A_90 = tpu.memref_slice %arg12[%multiple_of3A_14, %dma_start3A] : memref<10256x128xf32, #tpu.memory_space<vmem_shared>> -> memref<128x128xf32, #tpu.memory_space<vmem_shared>>
      tpu.enqueue_dma source(%arg6 : memref<128x128xf32, #tpu.memory_space<hbm>>) target(%dma_start3A_90 : memref<128x128xf32, #tpu.memory_space<vmem_shared>>) target_semaphore(%run_scoped3A : memref<!tpu.dma_semaphore, #tpu.memory_space<semaphore_mem>>)
      %dma_wait3A = arith.constant 0 : i32
      %dma_wait3A_91 = tpu.memref_slice %arg12[%multiple_of3A_14, %dma_wait3A] : memref<10256x128xf32, #tpu.memory_space<vmem_shared>> -> memref<128x128xf32, #tpu.memory_space<vmem_shared>>
      tpu.wait_dma2 semaphore(%run_scoped3A : memref<!tpu.dma_semaphore, #tpu.memory_space<semaphore_mem>>) src(%arg6 : memref<128x128xf32, #tpu.memory_space<hbm>>) dst(%dma_wait3A_91 : memref<128x128xf32, #tpu.memory_space<vmem_shared>>)
      tpu.yield
    }) : () -> ()
    %mul3A_15 = arith.constant 640 : i32
    %mul3A_16 = arith.muli %arg1, %mul3A_15 : i32
    %add3A_17 = arith.constant 384 : i32
    %add3A_18 = arith.addi %mul3A_16, %add3A_17 : i32
    %multiple_of3A_19 = tpu.assume_multiple %add3A_18, 8 : i32
    "tpu.region"() ({
      %run_scoped3A = tpu.sem_alloc : memref<!tpu.dma_semaphore, #tpu.memory_space<semaphore_mem>>
      %dma_start3A = arith.constant 0 : i32
      %dma_start3A_90 = tpu.memref_slice %arg12[%multiple_of3A_19, %dma_start3A] : memref<10256x128xf32, #tpu.memory_space<vmem_shared>> -> memref<128x128xf32, #tpu.memory_space<vmem_shared>>
      tpu.enqueue_dma source(%arg6 : memref<128x128xf32, #tpu.memory_space<hbm>>) target(%dma_start3A_90 : memref<128x128xf32, #tpu.memory_space<vmem_shared>>) target_semaphore(%run_scoped3A : memref<!tpu.dma_semaphore, #tpu.memory_space<semaphore_mem>>)
      %dma_wait3A = arith.constant 0 : i32
      %dma_wait3A_91 = tpu.memref_slice %arg12[%multiple_of3A_19, %dma_wait3A] : memref<10256x128xf32, #tpu.memory_space<vmem_shared>> -> memref<128x128xf32, #tpu.memory_space<vmem_shared>>
      tpu.wait_dma2 semaphore(%run_scoped3A : memref<!tpu.dma_semaphore, #tpu.memory_space<semaphore_mem>>) src(%arg6 : memref<128x128xf32, #tpu.memory_space<hbm>>) dst(%dma_wait3A_91 : memref<128x128xf32, #tpu.memory_space<vmem_shared>>)
      tpu.yield
    }) : () -> ()
    %mul3A_20 = arith.constant 640 : i32
    %mul3A_21 = arith.muli %arg1, %mul3A_20 : i32
    %add3A_22 = arith.constant 512 : i32
    %add3A_23 = arith.addi %mul3A_21, %add3A_22 : i32
    %multiple_of3A_24 = tpu.assume_multiple %add3A_23, 8 : i32
    "tpu.region"() ({
      %run_scoped3A = tpu.sem_alloc : memref<!tpu.dma_semaphore, #tpu.memory_space<semaphore_mem>>
      %dma_start3A = arith.constant 0 : i32
      %dma_start3A_90 = tpu.memref_slice %arg12[%multiple_of3A_24, %dma_start3A] : memref<10256x128xf32, #tpu.memory_space<vmem_shared>> -> memref<128x128xf32, #tpu.memory_space<vmem_shared>>
      tpu.enqueue_dma source(%arg6 : memref<128x128xf32, #tpu.memory_space<hbm>>) target(%dma_start3A_90 : memref<128x128xf32, #tpu.memory_space<vmem_shared>>) target_semaphore(%run_scoped3A : memref<!tpu.dma_semaphore, #tpu.memory_space<semaphore_mem>>)
      %dma_wait3A = arith.constant 0 : i32
      %dma_wait3A_91 = tpu.memref_slice %arg12[%multiple_of3A_24, %dma_wait3A] : memref<10256x128xf32, #tpu.memory_space<vmem_shared>> -> memref<128x128xf32, #tpu.memory_space<vmem_shared>>
      tpu.wait_dma2 semaphore(%run_scoped3A : memref<!tpu.dma_semaphore, #tpu.memory_space<semaphore_mem>>) src(%arg6 : memref<128x128xf32, #tpu.memory_space<hbm>>) dst(%dma_wait3A_91 : memref<128x128xf32, #tpu.memory_space<vmem_shared>>)
      tpu.yield
    }) : () -> ()
    %barrier3A = arith.constant 0 : index
    tpu.barrier barrier_id(%barrier3A)
    %eq3A = arith.constant 0 : i32
    %eq3A_25 = arith.cmpi eq, %arg0, %eq3A : i32
    %convert_element_type3A = arith.extui %eq3A_25 : i1 to i32
    %cond3A = arith.constant 0 : i32
    %cond3A_26 = arith.cmpi ne, %convert_element_type3A, %cond3A : i32
    scf.if %cond3A_26 {
      %mul3A_90 = arith.constant 80 : i32
      %mul3A_91 = arith.muli %arg1, %mul3A_90 : i32
      %scan3A_92 = arith.constant 0 : i32
      %scan3A_93 = arith.constant 0 : i32
      %scan3A_94 = arith.constant 10 : i32
      %scan3A_95 = arith.addi %scan3A_93, %scan3A_94 : i32
      %scan3A_96 = arith.constant 1 : i32
      scf.for %scan3A_98 = %scan3A_93 to %scan3A_95 step %scan3A_96  : i32 {
        %mul3A_99 = arith.constant 8 : i32
        %mul3A_100 = arith.muli %scan3A_98, %mul3A_99 : i32
        %add3A_101 = arith.addi %mul3A_91, %mul3A_100 : i32
        %multiple_of3A_102 = tpu.assume_multiple %add3A_101, 8 : i32
        "tpu.region"() ({
          %run_scoped3A = tpu.sem_alloc : memref<!tpu.dma_semaphore, #tpu.memory_space<semaphore_mem>>
          %dma_start3A = arith.constant 0 : i32
          %dma_start3A_109 = tpu.memref_slice %arg4[%multiple_of3A_102, %dma_start3A] : memref<1280x128xi32, #tpu.memory_space<hbm>> -> memref<8x128xi32, #tpu.memory_space<hbm>>
          %dma_start3A_110 = arith.constant 0 : i32
          %dma_start3A_111 = tpu.memref_slice %arg4[%multiple_of3A_102, %dma_start3A_110] : memref<1280x128xi32, #tpu.memory_space<hbm>> -> memref<8x128xi32, #tpu.memory_space<hbm>>
          tpu.enqueue_dma source(%dma_start3A_111 : memref<8x128xi32, #tpu.memory_space<hbm>>) target(%arg13 : memref<8x128xi32, #tpu.memory_space<vmem>>) target_semaphore(%run_scoped3A : memref<!tpu.dma_semaphore, #tpu.memory_space<semaphore_mem>>)
          %dma_wait3A = arith.constant 0 : i32
          %dma_wait3A_112 = tpu.memref_slice %arg4[%multiple_of3A_102, %dma_wait3A] : memref<1280x128xi32, #tpu.memory_space<hbm>> -> memref<8x128xi32, #tpu.memory_space<hbm>>
          %dma_wait3A_113 = arith.constant 0 : i32
          %dma_wait3A_114 = tpu.memref_slice %arg4[%multiple_of3A_102, %dma_wait3A_113] : memref<1280x128xi32, #tpu.memory_space<hbm>> -> memref<8x128xi32, #tpu.memory_space<hbm>>
          tpu.wait_dma2 semaphore(%run_scoped3A : memref<!tpu.dma_semaphore, #tpu.memory_space<semaphore_mem>>) src(%dma_wait3A_114 : memref<8x128xi32, #tpu.memory_space<hbm>>) dst(%arg13 : memref<8x128xi32, #tpu.memory_space<vmem>>)
          tpu.yield
        }) : () -> ()
        "tpu.region"() ({
          %run_scoped3A = tpu.sem_alloc : memref<!tpu.dma_semaphore, #tpu.memory_space<semaphore_mem>>
          %dma_start3A = arith.constant 0 : i32
          %dma_start3A_109 = tpu.memref_slice %arg5[%multiple_of3A_102, %dma_start3A] : memref<1280x128xi32, #tpu.memory_space<hbm>> -> memref<8x128xi32, #tpu.memory_space<hbm>>
          %dma_start3A_110 = arith.constant 0 : i32
          %dma_start3A_111 = tpu.memref_slice %arg5[%multiple_of3A_102, %dma_start3A_110] : memref<1280x128xi32, #tpu.memory_space<hbm>> -> memref<8x128xi32, #tpu.memory_space<hbm>>
          tpu.enqueue_dma source(%dma_start3A_111 : memref<8x128xi32, #tpu.memory_space<hbm>>) target(%arg14 : memref<8x128xi32, #tpu.memory_space<vmem>>) target_semaphore(%run_scoped3A : memref<!tpu.dma_semaphore, #tpu.memory_space<semaphore_mem>>)
          %dma_wait3A = arith.constant 0 : i32
          %dma_wait3A_112 = tpu.memref_slice %arg5[%multiple_of3A_102, %dma_wait3A] : memref<1280x128xi32, #tpu.memory_space<hbm>> -> memref<8x128xi32, #tpu.memory_space<hbm>>
          %dma_wait3A_113 = arith.constant 0 : i32
          %dma_wait3A_114 = tpu.memref_slice %arg5[%multiple_of3A_102, %dma_wait3A_113] : memref<1280x128xi32, #tpu.memory_space<hbm>> -> memref<8x128xi32, #tpu.memory_space<hbm>>
          tpu.wait_dma2 semaphore(%run_scoped3A : memref<!tpu.dma_semaphore, #tpu.memory_space<semaphore_mem>>) src(%dma_wait3A_114 : memref<8x128xi32, #tpu.memory_space<hbm>>) dst(%arg14 : memref<8x128xi32, #tpu.memory_space<vmem>>)
          tpu.yield
        }) : () -> ()
        %scan3A_103 = arith.constant 0 : i32
        %scan3A_104 = arith.constant 0 : i32
        %scan3A_105 = arith.constant 8 : i32
        %scan3A_106 = arith.addi %scan3A_104, %scan3A_105 : i32
        %scan3A_107 = arith.constant 1 : i32
        scf.for %scan3A_109 = %scan3A_104 to %scan3A_106 step %scan3A_107  : i32 {
          %dma_start3A = arith.constant 0 : i32
          %dma_start3A_110 = tpu.memref_slice %arg13[%scan3A_109, %dma_start3A] : memref<8x128xi32, #tpu.memory_space<vmem>> -> memref<1x128xi32, #tpu.memory_space<vmem>>
          %dma_start3A_111 = tpu.memref_squeeze %dma_start3A_110 : memref<1x128xi32, #tpu.memory_space<vmem>> -> memref<128xi32, #tpu.memory_space<vmem>>
          %dma_start3A_112 = arith.constant 0 : i32
          %dma_start3A_113 = arith.constant 0 : i32
          %dma_start3A_114 = tpu.memref_slice %arg2[%dma_start3A_112, %dma_start3A_113] : memref<10000x128xf32, #tpu.memory_space<hbm>> -> memref<10000x128xf32, #tpu.memory_space<hbm>>
          tpu.enqueue_indirect_dma source(%dma_start3A_114 : memref<10000x128xf32, #tpu.memory_space<hbm>>) target(%arg15 : memref<128x128xf32, #tpu.memory_space<vmem>>) offsets(%dma_start3A_111 : memref<128xi32, #tpu.memory_space<vmem>>) semaphore(%arg16 : memref<!tpu.dma_semaphore, #tpu.memory_space<semaphore_mem>>)
          %dma_wait3A = arith.constant 0 : i32
          %dma_wait3A_115 = tpu.memref_slice %arg13[%scan3A_109, %dma_wait3A] : memref<8x128xi32, #tpu.memory_space<vmem>> -> memref<1x128xi32, #tpu.memory_space<vmem>>
          %dma_wait3A_116 = tpu.memref_squeeze %dma_wait3A_115 : memref<1x128xi32, #tpu.memory_space<vmem>> -> memref<128xi32, #tpu.memory_space<vmem>>
          %dma_wait3A_117 = arith.constant 0 : i32
          %dma_wait3A_118 = arith.constant 0 : i32
          %dma_wait3A_119 = tpu.memref_slice %arg2[%dma_wait3A_117, %dma_wait3A_118] : memref<10000x128xf32, #tpu.memory_space<hbm>> -> memref<10000x128xf32, #tpu.memory_space<hbm>>
          tpu.wait_indirect_dma semaphore(%arg16 : memref<!tpu.dma_semaphore, #tpu.memory_space<semaphore_mem>>) src(%dma_wait3A_119 : memref<10000x128xf32, #tpu.memory_space<hbm>>) dst(%arg15 : memref<128x128xf32, #tpu.memory_space<vmem>>)
          "tpu.region"() ({
            %run_scoped3A = tpu.sem_alloc : memref<!tpu.dma_semaphore, #tpu.memory_space<semaphore_mem>>
            %dma_start3A_120 = arith.constant 0 : i32
            %dma_start3A_121 = tpu.memref_slice %arg14[%scan3A_109, %dma_start3A_120] : memref<8x128xi32, #tpu.memory_space<vmem>> -> memref<1x128xi32, #tpu.memory_space<vmem>>
            %dma_start3A_122 = tpu.memref_squeeze %dma_start3A_121 : memref<1x128xi32, #tpu.memory_space<vmem>> -> memref<128xi32, #tpu.memory_space<vmem>>
            %dma_start3A_123 = arith.constant 0 : i32
            %dma_start3A_124 = arith.constant 0 : i32
            %dma_start3A_125 = tpu.memref_slice %arg12[%dma_start3A_123, %dma_start3A_124] : memref<10256x128xf32, #tpu.memory_space<vmem_shared>> -> memref<10256x128xf32, #tpu.memory_space<vmem_shared>>
            tpu.enqueue_indirect_dma source(%arg15 : memref<128x128xf32, #tpu.memory_space<vmem>>) target(%dma_start3A_125 : memref<10256x128xf32, #tpu.memory_space<vmem_shared>>) offsets(%dma_start3A_122 : memref<128xi32, #tpu.memory_space<vmem>>) semaphore(%run_scoped3A : memref<!tpu.dma_semaphore, #tpu.memory_space<semaphore_mem>>) {add = true}
            %dma_wait3A_126 = arith.constant 0 : i32
            %dma_wait3A_127 = tpu.memref_slice %arg14[%scan3A_109, %dma_wait3A_126] : memref<8x128xi32, #tpu.memory_space<vmem>> -> memref<1x128xi32, #tpu.memory_space<vmem>>
            %dma_wait3A_128 = tpu.memref_squeeze %dma_wait3A_127 : memref<1x128xi32, #tpu.memory_space<vmem>> -> memref<128xi32, #tpu.memory_space<vmem>>
            %dma_wait3A_129 = arith.constant 0 : i32
            %dma_wait3A_130 = arith.constant 0 : i32
            %dma_wait3A_131 = tpu.memref_slice %arg12[%dma_wait3A_129, %dma_wait3A_130] : memref<10256x128xf32, #tpu.memory_space<vmem_shared>> -> memref<10256x128xf32, #tpu.memory_space<vmem_shared>>
            tpu.wait_indirect_dma semaphore(%run_scoped3A : memref<!tpu.dma_semaphore, #tpu.memory_space<semaphore_mem>>) src(%arg15 : memref<128x128xf32, #tpu.memory_space<vmem>>) dst(%dma_wait3A_131 : memref<10256x128xf32, #tpu.memory_space<vmem_shared>>)
            tpu.yield
          }) : () -> ()
        }
        %scan3A_108 = arith.constant 8 : i32
      }
      %scan3A_97 = arith.constant 10 : i32
    } else {
    }
    %eq3A_27 = arith.constant 1 : i32
    %eq3A_28 = arith.cmpi eq, %arg0, %eq3A_27 : i32
    %convert_element_type3A_29 = arith.extui %eq3A_28 : i1 to i32
    %cond3A_30 = arith.constant 0 : i32
    %cond3A_31 = arith.cmpi ne, %convert_element_type3A_29, %cond3A_30 : i32
    scf.if %cond3A_31 {
      %mul3A_90 = arith.constant 80 : i32
      %mul3A_91 = arith.muli %arg1, %mul3A_90 : i32
      %scan3A_92 = arith.constant 0 : i32
      %scan3A_93 = arith.constant 0 : i32
      %scan3A_94 = arith.constant 10 : i32
      %scan3A_95 = arith.addi %scan3A_93, %scan3A_94 : i32
      %scan3A_96 = arith.constant 1 : i32
      scf.for %scan3A_98 = %scan3A_93 to %scan3A_95 step %scan3A_96  : i32 {
        %mul3A_99 = arith.constant 8 : i32
        %mul3A_100 = arith.muli %scan3A_98, %mul3A_99 : i32
        %add3A_101 = arith.addi %mul3A_91, %mul3A_100 : i32
        %multiple_of3A_102 = tpu.assume_multiple %add3A_101, 8 : i32
        "tpu.region"() ({
          %run_scoped3A = tpu.sem_alloc : memref<!tpu.dma_semaphore, #tpu.memory_space<semaphore_mem>>
          %dma_start3A = arith.constant 0 : i32
          %dma_start3A_109 = tpu.memref_slice %arg4[%multiple_of3A_102, %dma_start3A] : memref<1280x128xi32, #tpu.memory_space<hbm>> -> memref<8x128xi32, #tpu.memory_space<hbm>>
          %dma_start3A_110 = arith.constant 0 : i32
          %dma_start3A_111 = tpu.memref_slice %arg4[%multiple_of3A_102, %dma_start3A_110] : memref<1280x128xi32, #tpu.memory_space<hbm>> -> memref<8x128xi32, #tpu.memory_space<hbm>>
          tpu.enqueue_dma source(%dma_start3A_111 : memref<8x128xi32, #tpu.memory_space<hbm>>) target(%arg13 : memref<8x128xi32, #tpu.memory_space<vmem>>) target_semaphore(%run_scoped3A : memref<!tpu.dma_semaphore, #tpu.memory_space<semaphore_mem>>)
          %dma_wait3A = arith.constant 0 : i32
          %dma_wait3A_112 = tpu.memref_slice %arg4[%multiple_of3A_102, %dma_wait3A] : memref<1280x128xi32, #tpu.memory_space<hbm>> -> memref<8x128xi32, #tpu.memory_space<hbm>>
          %dma_wait3A_113 = arith.constant 0 : i32
          %dma_wait3A_114 = tpu.memref_slice %arg4[%multiple_of3A_102, %dma_wait3A_113] : memref<1280x128xi32, #tpu.memory_space<hbm>> -> memref<8x128xi32, #tpu.memory_space<hbm>>
          tpu.wait_dma2 semaphore(%run_scoped3A : memref<!tpu.dma_semaphore, #tpu.memory_space<semaphore_mem>>) src(%dma_wait3A_114 : memref<8x128xi32, #tpu.memory_space<hbm>>) dst(%arg13 : memref<8x128xi32, #tpu.memory_space<vmem>>)
          tpu.yield
        }) : () -> ()
        "tpu.region"() ({
          %run_scoped3A = tpu.sem_alloc : memref<!tpu.dma_semaphore, #tpu.memory_space<semaphore_mem>>
          %dma_start3A = arith.constant 0 : i32
          %dma_start3A_109 = tpu.memref_slice %arg5[%multiple_of3A_102, %dma_start3A] : memref<1280x128xi32, #tpu.memory_space<hbm>> -> memref<8x128xi32, #tpu.memory_space<hbm>>
          %dma_start3A_110 = arith.constant 0 : i32
          %dma_start3A_111 = tpu.memref_slice %arg5[%multiple_of3A_102, %dma_start3A_110] : memref<1280x128xi32, #tpu.memory_space<hbm>> -> memref<8x128xi32, #tpu.memory_space<hbm>>
          tpu.enqueue_dma source(%dma_start3A_111 : memref<8x128xi32, #tpu.memory_space<hbm>>) target(%arg14 : memref<8x128xi32, #tpu.memory_space<vmem>>) target_semaphore(%run_scoped3A : memref<!tpu.dma_semaphore, #tpu.memory_space<semaphore_mem>>)
          %dma_wait3A = arith.constant 0 : i32
          %dma_wait3A_112 = tpu.memref_slice %arg5[%multiple_of3A_102, %dma_wait3A] : memref<1280x128xi32, #tpu.memory_space<hbm>> -> memref<8x128xi32, #tpu.memory_space<hbm>>
          %dma_wait3A_113 = arith.constant 0 : i32
          %dma_wait3A_114 = tpu.memref_slice %arg5[%multiple_of3A_102, %dma_wait3A_113] : memref<1280x128xi32, #tpu.memory_space<hbm>> -> memref<8x128xi32, #tpu.memory_space<hbm>>
          tpu.wait_dma2 semaphore(%run_scoped3A : memref<!tpu.dma_semaphore, #tpu.memory_space<semaphore_mem>>) src(%dma_wait3A_114 : memref<8x128xi32, #tpu.memory_space<hbm>>) dst(%arg14 : memref<8x128xi32, #tpu.memory_space<vmem>>)
          tpu.yield
        }) : () -> ()
        %scan3A_103 = arith.constant 0 : i32
        %scan3A_104 = arith.constant 0 : i32
        %scan3A_105 = arith.constant 8 : i32
        %scan3A_106 = arith.addi %scan3A_104, %scan3A_105 : i32
        %scan3A_107 = arith.constant 1 : i32
        scf.for %scan3A_109 = %scan3A_104 to %scan3A_106 step %scan3A_107  : i32 {
          %dma_start3A = arith.constant 0 : i32
          %dma_start3A_110 = tpu.memref_slice %arg13[%scan3A_109, %dma_start3A] : memref<8x128xi32, #tpu.memory_space<vmem>> -> memref<1x128xi32, #tpu.memory_space<vmem>>
          %dma_start3A_111 = tpu.memref_squeeze %dma_start3A_110 : memref<1x128xi32, #tpu.memory_space<vmem>> -> memref<128xi32, #tpu.memory_space<vmem>>
          %dma_start3A_112 = arith.constant 0 : i32
          %dma_start3A_113 = arith.constant 0 : i32
          %dma_start3A_114 = tpu.memref_slice %arg3[%dma_start3A_112, %dma_start3A_113] : memref<10000x128xf32, #tpu.memory_space<hbm>> -> memref<10000x128xf32, #tpu.memory_space<hbm>>
          tpu.enqueue_indirect_dma source(%dma_start3A_114 : memref<10000x128xf32, #tpu.memory_space<hbm>>) target(%arg15 : memref<128x128xf32, #tpu.memory_space<vmem>>) offsets(%dma_start3A_111 : memref<128xi32, #tpu.memory_space<vmem>>) semaphore(%arg16 : memref<!tpu.dma_semaphore, #tpu.memory_space<semaphore_mem>>)
          %dma_wait3A = arith.constant 0 : i32
          %dma_wait3A_115 = tpu.memref_slice %arg13[%scan3A_109, %dma_wait3A] : memref<8x128xi32, #tpu.memory_space<vmem>> -> memref<1x128xi32, #tpu.memory_space<vmem>>
          %dma_wait3A_116 = tpu.memref_squeeze %dma_wait3A_115 : memref<1x128xi32, #tpu.memory_space<vmem>> -> memref<128xi32, #tpu.memory_space<vmem>>
          %dma_wait3A_117 = arith.constant 0 : i32
          %dma_wait3A_118 = arith.constant 0 : i32
          %dma_wait3A_119 = tpu.memref_slice %arg3[%dma_wait3A_117, %dma_wait3A_118] : memref<10000x128xf32, #tpu.memory_space<hbm>> -> memref<10000x128xf32, #tpu.memory_space<hbm>>
          tpu.wait_indirect_dma semaphore(%arg16 : memref<!tpu.dma_semaphore, #tpu.memory_space<semaphore_mem>>) src(%dma_wait3A_119 : memref<10000x128xf32, #tpu.memory_space<hbm>>) dst(%arg15 : memref<128x128xf32, #tpu.memory_space<vmem>>)
          "tpu.region"() ({
            %run_scoped3A = tpu.sem_alloc : memref<!tpu.dma_semaphore, #tpu.memory_space<semaphore_mem>>
            %dma_start3A_120 = arith.constant 0 : i32
            %dma_start3A_121 = tpu.memref_slice %arg14[%scan3A_109, %dma_start3A_120] : memref<8x128xi32, #tpu.memory_space<vmem>> -> memref<1x128xi32, #tpu.memory_space<vmem>>
            %dma_start3A_122 = tpu.memref_squeeze %dma_start3A_121 : memref<1x128xi32, #tpu.memory_space<vmem>> -> memref<128xi32, #tpu.memory_space<vmem>>
            %dma_start3A_123 = arith.constant 0 : i32
            %dma_start3A_124 = arith.constant 0 : i32
            %dma_start3A_125 = tpu.memref_slice %arg12[%dma_start3A_123, %dma_start3A_124] : memref<10256x128xf32, #tpu.memory_space<vmem_shared>> -> memref<10256x128xf32, #tpu.memory_space<vmem_shared>>
            tpu.enqueue_indirect_dma source(%arg15 : memref<128x128xf32, #tpu.memory_space<vmem>>) target(%dma_start3A_125 : memref<10256x128xf32, #tpu.memory_space<vmem_shared>>) offsets(%dma_start3A_122 : memref<128xi32, #tpu.memory_space<vmem>>) semaphore(%run_scoped3A : memref<!tpu.dma_semaphore, #tpu.memory_space<semaphore_mem>>) {add = true}
            %dma_wait3A_126 = arith.constant 0 : i32
            %dma_wait3A_127 = tpu.memref_slice %arg14[%scan3A_109, %dma_wait3A_126] : memref<8x128xi32, #tpu.memory_space<vmem>> -> memref<1x128xi32, #tpu.memory_space<vmem>>
            %dma_wait3A_128 = tpu.memref_squeeze %dma_wait3A_127 : memref<1x128xi32, #tpu.memory_space<vmem>> -> memref<128xi32, #tpu.memory_space<vmem>>
            %dma_wait3A_129 = arith.constant 0 : i32
            %dma_wait3A_130 = arith.constant 0 : i32
            %dma_wait3A_131 = tpu.memref_slice %arg12[%dma_wait3A_129, %dma_wait3A_130] : memref<10256x128xf32, #tpu.memory_space<vmem_shared>> -> memref<10256x128xf32, #tpu.memory_space<vmem_shared>>
            tpu.wait_indirect_dma semaphore(%run_scoped3A : memref<!tpu.dma_semaphore, #tpu.memory_space<semaphore_mem>>) src(%arg15 : memref<128x128xf32, #tpu.memory_space<vmem>>) dst(%dma_wait3A_131 : memref<10256x128xf32, #tpu.memory_space<vmem_shared>>)
            tpu.yield
          }) : () -> ()
        }
        %scan3A_108 = arith.constant 8 : i32
      }
      %scan3A_97 = arith.constant 10 : i32
    } else {
    }
    %barrier3A_32 = arith.constant 0 : index
    tpu.barrier barrier_id(%barrier3A_32)
    %eq3A_33 = arith.constant 0 : i32
    %eq3A_34 = arith.cmpi eq, %arg0, %eq3A_33 : i32
    %convert_element_type3A_35 = arith.extui %eq3A_34 : i1 to i32
    %cond3A_36 = arith.constant 0 : i32
    %cond3A_37 = arith.cmpi ne, %convert_element_type3A_35, %cond3A_36 : i32
    scf.if %cond3A_37 {
      "tpu.region"() ({
        %run_scoped3A = tpu.sem_alloc : memref<!tpu.dma_semaphore, #tpu.memory_space<semaphore_mem>>
        %dma_start3A = arith.constant 0 : i32
        %dma_start3A_90 = tpu.memref_slice %arg8[%multiple_of3A, %dma_start3A] : memref<10240x128xf32, #tpu.memory_space<hbm>> -> memref<640x128xf32, #tpu.memory_space<hbm>>
        %dma_start3A_91 = arith.constant 0 : i32
        %dma_start3A_92 = tpu.memref_slice %arg12[%multiple_of3A, %dma_start3A_91] : memref<10256x128xf32, #tpu.memory_space<vmem_shared>> -> memref<640x128xf32, #tpu.memory_space<vmem_shared>>
        tpu.enqueue_dma source(%dma_start3A_92 : memref<640x128xf32, #tpu.memory_space<vmem_shared>>) target(%dma_start3A_90 : memref<640x128xf32, #tpu.memory_space<hbm>>) target_semaphore(%run_scoped3A : memref<!tpu.dma_semaphore, #tpu.memory_space<semaphore_mem>>)
        %dma_wait3A = arith.constant 0 : i32
        %dma_wait3A_93 = tpu.memref_slice %arg8[%multiple_of3A, %dma_wait3A] : memref<10240x128xf32, #tpu.memory_space<hbm>> -> memref<640x128xf32, #tpu.memory_space<hbm>>
        %dma_wait3A_94 = arith.constant 0 : i32
        %dma_wait3A_95 = tpu.memref_slice %arg12[%multiple_of3A, %dma_wait3A_94] : memref<10256x128xf32, #tpu.memory_space<vmem_shared>> -> memref<640x128xf32, #tpu.memory_space<vmem_shared>>
        tpu.wait_dma2 semaphore(%run_scoped3A : memref<!tpu.dma_semaphore, #tpu.memory_space<semaphore_mem>>) src(%dma_wait3A_95 : memref<640x128xf32, #tpu.memory_space<vmem_shared>>) dst(%dma_wait3A_93 : memref<640x128xf32, #tpu.memory_space<hbm>>)
        tpu.yield
      }) : () -> ()
    } else {
    }
    %eq3A_38 = arith.constant 1 : i32
    %eq3A_39 = arith.cmpi eq, %arg0, %eq3A_38 : i32
    %convert_element_type3A_40 = arith.extui %eq3A_39 : i1 to i32
    %cond3A_41 = arith.constant 0 : i32
    %cond3A_42 = arith.cmpi ne, %convert_element_type3A_40, %cond3A_41 : i32
    scf.if %cond3A_42 {
      "tpu.region"() ({
        %run_scoped3A = tpu.sem_alloc : memref<!tpu.dma_semaphore, #tpu.memory_space<semaphore_mem>>
        %dma_start3A = arith.constant 0 : i32
        %dma_start3A_90 = tpu.memref_slice %arg9[%multiple_of3A, %dma_start3A] : memref<10240x128xf32, #tpu.memory_space<hbm>> -> memref<640x128xf32, #tpu.memory_space<hbm>>
        %dma_start3A_91 = arith.constant 0 : i32
        %dma_start3A_92 = tpu.memref_slice %arg12[%multiple_of3A, %dma_start3A_91] : memref<10256x128xf32, #tpu.memory_space<vmem_shared>> -> memref<640x128xf32, #tpu.memory_space<vmem_shared>>
        tpu.enqueue_dma source(%dma_start3A_92 : memref<640x128xf32, #tpu.memory_space<vmem_shared>>) target(%dma_start3A_90 : memref<640x128xf32, #tpu.memory_space<hbm>>) target_semaphore(%run_scoped3A : memref<!tpu.dma_semaphore, #tpu.memory_space<semaphore_mem>>)
        %dma_wait3A = arith.constant 0 : i32
        %dma_wait3A_93 = tpu.memref_slice %arg9[%multiple_of3A, %dma_wait3A] : memref<10240x128xf32, #tpu.memory_space<hbm>> -> memref<640x128xf32, #tpu.memory_space<hbm>>
        %dma_wait3A_94 = arith.constant 0 : i32
        %dma_wait3A_95 = tpu.memref_slice %arg12[%multiple_of3A, %dma_wait3A_94] : memref<10256x128xf32, #tpu.memory_space<vmem_shared>> -> memref<640x128xf32, #tpu.memory_space<vmem_shared>>
        tpu.wait_dma2 semaphore(%run_scoped3A : memref<!tpu.dma_semaphore, #tpu.memory_space<semaphore_mem>>) src(%dma_wait3A_95 : memref<640x128xf32, #tpu.memory_space<vmem_shared>>) dst(%dma_wait3A_93 : memref<640x128xf32, #tpu.memory_space<hbm>>)
        tpu.yield
      }) : () -> ()
    } else {
    }
    %mul3A_43 = arith.constant 640 : i32
    %mul3A_44 = arith.muli %arg1, %mul3A_43 : i32
    %add3A_45 = arith.constant 0 : i32
    %add3A_46 = arith.addi %mul3A_44, %add3A_45 : i32
    %multiple_of3A_47 = tpu.assume_multiple %add3A_46, 8 : i32
    "tpu.region"() ({
      %run_scoped3A = tpu.sem_alloc : memref<!tpu.dma_semaphore, #tpu.memory_space<semaphore_mem>>
      %dma_start3A = arith.constant 0 : i32
      %dma_start3A_90 = tpu.memref_slice %arg12[%multiple_of3A_47, %dma_start3A] : memref<10256x128xf32, #tpu.memory_space<vmem_shared>> -> memref<128x128xf32, #tpu.memory_space<vmem_shared>>
      tpu.enqueue_dma source(%arg6 : memref<128x128xf32, #tpu.memory_space<hbm>>) target(%dma_start3A_90 : memref<128x128xf32, #tpu.memory_space<vmem_shared>>) target_semaphore(%run_scoped3A : memref<!tpu.dma_semaphore, #tpu.memory_space<semaphore_mem>>)
      %dma_wait3A = arith.constant 0 : i32
      %dma_wait3A_91 = tpu.memref_slice %arg12[%multiple_of3A_47, %dma_wait3A] : memref<10256x128xf32, #tpu.memory_space<vmem_shared>> -> memref<128x128xf32, #tpu.memory_space<vmem_shared>>
      tpu.wait_dma2 semaphore(%run_scoped3A : memref<!tpu.dma_semaphore, #tpu.memory_space<semaphore_mem>>) src(%arg6 : memref<128x128xf32, #tpu.memory_space<hbm>>) dst(%dma_wait3A_91 : memref<128x128xf32, #tpu.memory_space<vmem_shared>>)
      tpu.yield
    }) : () -> ()
    %mul3A_48 = arith.constant 640 : i32
    %mul3A_49 = arith.muli %arg1, %mul3A_48 : i32
    %add3A_50 = arith.constant 128 : i32
    %add3A_51 = arith.addi %mul3A_49, %add3A_50 : i32
    %multiple_of3A_52 = tpu.assume_multiple %add3A_51, 8 : i32
    "tpu.region"() ({
      %run_scoped3A = tpu.sem_alloc : memref<!tpu.dma_semaphore, #tpu.memory_space<semaphore_mem>>
      %dma_start3A = arith.constant 0 : i32
      %dma_start3A_90 = tpu.memref_slice %arg12[%multiple_of3A_52, %dma_start3A] : memref<10256x128xf32, #tpu.memory_space<vmem_shared>> -> memref<128x128xf32, #tpu.memory_space<vmem_shared>>
      tpu.enqueue_dma source(%arg6 : memref<128x128xf32, #tpu.memory_space<hbm>>) target(%dma_start3A_90 : memref<128x128xf32, #tpu.memory_space<vmem_shared>>) target_semaphore(%run_scoped3A : memref<!tpu.dma_semaphore, #tpu.memory_space<semaphore_mem>>)
      %dma_wait3A = arith.constant 0 : i32
      %dma_wait3A_91 = tpu.memref_slice %arg12[%multiple_of3A_52, %dma_wait3A] : memref<10256x128xf32, #tpu.memory_space<vmem_shared>> -> memref<128x128xf32, #tpu.memory_space<vmem_shared>>
      tpu.wait_dma2 semaphore(%run_scoped3A : memref<!tpu.dma_semaphore, #tpu.memory_space<semaphore_mem>>) src(%arg6 : memref<128x128xf32, #tpu.memory_space<hbm>>) dst(%dma_wait3A_91 : memref<128x128xf32, #tpu.memory_space<vmem_shared>>)
      tpu.yield
    }) : () -> ()
    %mul3A_53 = arith.constant 640 : i32
    %mul3A_54 = arith.muli %arg1, %mul3A_53 : i32
    %add3A_55 = arith.constant 256 : i32
    %add3A_56 = arith.addi %mul3A_54, %add3A_55 : i32
    %multiple_of3A_57 = tpu.assume_multiple %add3A_56, 8 : i32
    "tpu.region"() ({
      %run_scoped3A = tpu.sem_alloc : memref<!tpu.dma_semaphore, #tpu.memory_space<semaphore_mem>>
      %dma_start3A = arith.constant 0 : i32
      %dma_start3A_90 = tpu.memref_slice %arg12[%multiple_of3A_57, %dma_start3A] : memref<10256x128xf32, #tpu.memory_space<vmem_shared>> -> memref<128x128xf32, #tpu.memory_space<vmem_shared>>
      tpu.enqueue_dma source(%arg6 : memref<128x128xf32, #tpu.memory_space<hbm>>) target(%dma_start3A_90 : memref<128x128xf32, #tpu.memory_space<vmem_shared>>) target_semaphore(%run_scoped3A : memref<!tpu.dma_semaphore, #tpu.memory_space<semaphore_mem>>)
      %dma_wait3A = arith.constant 0 : i32
      %dma_wait3A_91 = tpu.memref_slice %arg12[%multiple_of3A_57, %dma_wait3A] : memref<10256x128xf32, #tpu.memory_space<vmem_shared>> -> memref<128x128xf32, #tpu.memory_space<vmem_shared>>
      tpu.wait_dma2 semaphore(%run_scoped3A : memref<!tpu.dma_semaphore, #tpu.memory_space<semaphore_mem>>) src(%arg6 : memref<128x128xf32, #tpu.memory_space<hbm>>) dst(%dma_wait3A_91 : memref<128x128xf32, #tpu.memory_space<vmem_shared>>)
      tpu.yield
    }) : () -> ()
    %mul3A_58 = arith.constant 640 : i32
    %mul3A_59 = arith.muli %arg1, %mul3A_58 : i32
    %add3A_60 = arith.constant 384 : i32
    %add3A_61 = arith.addi %mul3A_59, %add3A_60 : i32
    %multiple_of3A_62 = tpu.assume_multiple %add3A_61, 8 : i32
    "tpu.region"() ({
      %run_scoped3A = tpu.sem_alloc : memref<!tpu.dma_semaphore, #tpu.memory_space<semaphore_mem>>
      %dma_start3A = arith.constant 0 : i32
      %dma_start3A_90 = tpu.memref_slice %arg12[%multiple_of3A_62, %dma_start3A] : memref<10256x128xf32, #tpu.memory_space<vmem_shared>> -> memref<128x128xf32, #tpu.memory_space<vmem_shared>>
      tpu.enqueue_dma source(%arg6 : memref<128x128xf32, #tpu.memory_space<hbm>>) target(%dma_start3A_90 : memref<128x128xf32, #tpu.memory_space<vmem_shared>>) target_semaphore(%run_scoped3A : memref<!tpu.dma_semaphore, #tpu.memory_space<semaphore_mem>>)
      %dma_wait3A = arith.constant 0 : i32
      %dma_wait3A_91 = tpu.memref_slice %arg12[%multiple_of3A_62, %dma_wait3A] : memref<10256x128xf32, #tpu.memory_space<vmem_shared>> -> memref<128x128xf32, #tpu.memory_space<vmem_shared>>
      tpu.wait_dma2 semaphore(%run_scoped3A : memref<!tpu.dma_semaphore, #tpu.memory_space<semaphore_mem>>) src(%arg6 : memref<128x128xf32, #tpu.memory_space<hbm>>) dst(%dma_wait3A_91 : memref<128x128xf32, #tpu.memory_space<vmem_shared>>)
      tpu.yield
    }) : () -> ()
    %mul3A_63 = arith.constant 640 : i32
    %mul3A_64 = arith.muli %arg1, %mul3A_63 : i32
    %add3A_65 = arith.constant 512 : i32
    %add3A_66 = arith.addi %mul3A_64, %add3A_65 : i32
    %multiple_of3A_67 = tpu.assume_multiple %add3A_66, 8 : i32
    "tpu.region"() ({
      %run_scoped3A = tpu.sem_alloc : memref<!tpu.dma_semaphore, #tpu.memory_space<semaphore_mem>>
      %dma_start3A = arith.constant 0 : i32
      %dma_start3A_90 = tpu.memref_slice %arg12[%multiple_of3A_67, %dma_start3A] : memref<10256x128xf32, #tpu.memory_space<vmem_shared>> -> memref<128x128xf32, #tpu.memory_space<vmem_shared>>
      tpu.enqueue_dma source(%arg6 : memref<128x128xf32, #tpu.memory_space<hbm>>) target(%dma_start3A_90 : memref<128x128xf32, #tpu.memory_space<vmem_shared>>) target_semaphore(%run_scoped3A : memref<!tpu.dma_semaphore, #tpu.memory_space<semaphore_mem>>)
      %dma_wait3A = arith.constant 0 : i32
      %dma_wait3A_91 = tpu.memref_slice %arg12[%multiple_of3A_67, %dma_wait3A] : memref<10256x128xf32, #tpu.memory_space<vmem_shared>> -> memref<128x128xf32, #tpu.memory_space<vmem_shared>>
      tpu.wait_dma2 semaphore(%run_scoped3A : memref<!tpu.dma_semaphore, #tpu.memory_space<semaphore_mem>>) src(%arg6 : memref<128x128xf32, #tpu.memory_space<hbm>>) dst(%dma_wait3A_91 : memref<128x128xf32, #tpu.memory_space<vmem_shared>>)
      tpu.yield
    }) : () -> ()
    "tpu.region"() ({
      %run_scoped3A = tpu.sem_alloc : memref<!tpu.dma_semaphore, #tpu.memory_space<semaphore_mem>>
      tpu.enqueue_dma source(%arg7 : memref<128x128xf32, #tpu.memory_space<hbm>>) target(%arg15 : memref<128x128xf32, #tpu.memory_space<vmem>>) target_semaphore(%run_scoped3A : memref<!tpu.dma_semaphore, #tpu.memory_space<semaphore_mem>>)
      tpu.wait_dma2 semaphore(%run_scoped3A : memref<!tpu.dma_semaphore, #tpu.memory_space<semaphore_mem>>) src(%arg7 : memref<128x128xf32, #tpu.memory_space<hbm>>) dst(%arg15 : memref<128x128xf32, #tpu.memory_space<vmem>>)
      tpu.yield
    }) : () -> ()
    %barrier3A_68 = arith.constant 0 : index
    tpu.barrier barrier_id(%barrier3A_68)
    %mul3A_69 = arith.constant 640 : i32
    %mul3A_70 = arith.muli %arg0, %mul3A_69 : i32
    %mul3A_71 = arith.constant 40 : i32
    %mul3A_72 = arith.muli %arg1, %mul3A_71 : i32
    %add3A_73 = arith.addi %mul3A_70, %mul3A_72 : i32
    %scan3A = arith.constant 0 : i32
    %scan3A_74 = arith.constant 0 : i32
    %scan3A_75 = arith.constant 5 : i32
    %scan3A_76 = arith.addi %scan3A_74, %scan3A_75 : i32
    %scan3A_77 = arith.constant 1 : i32
    scf.for %scan3A_90 = %scan3A_74 to %scan3A_76 step %scan3A_77  : i32 {
      %mul3A_91 = arith.constant 8 : i32
      %mul3A_92 = arith.muli %scan3A_90, %mul3A_91 : i32
      %add3A_93 = arith.addi %add3A_73, %mul3A_92 : i32
      %multiple_of3A_94 = tpu.assume_multiple %add3A_93, 8 : i32
      "tpu.region"() ({
        %run_scoped3A = tpu.sem_alloc : memref<!tpu.dma_semaphore, #tpu.memory_space<semaphore_mem>>
        %dma_start3A = arith.constant 0 : i32
        %dma_start3A_101 = tpu.memref_slice %arg5[%multiple_of3A_94, %dma_start3A] : memref<1280x128xi32, #tpu.memory_space<hbm>> -> memref<8x128xi32, #tpu.memory_space<hbm>>
        %dma_start3A_102 = arith.constant 0 : i32
        %dma_start3A_103 = tpu.memref_slice %arg5[%multiple_of3A_94, %dma_start3A_102] : memref<1280x128xi32, #tpu.memory_space<hbm>> -> memref<8x128xi32, #tpu.memory_space<hbm>>
        tpu.enqueue_dma source(%dma_start3A_103 : memref<8x128xi32, #tpu.memory_space<hbm>>) target(%arg14 : memref<8x128xi32, #tpu.memory_space<vmem>>) target_semaphore(%run_scoped3A : memref<!tpu.dma_semaphore, #tpu.memory_space<semaphore_mem>>)
        %dma_wait3A = arith.constant 0 : i32
        %dma_wait3A_104 = tpu.memref_slice %arg5[%multiple_of3A_94, %dma_wait3A] : memref<1280x128xi32, #tpu.memory_space<hbm>> -> memref<8x128xi32, #tpu.memory_space<hbm>>
        %dma_wait3A_105 = arith.constant 0 : i32
        %dma_wait3A_106 = tpu.memref_slice %arg5[%multiple_of3A_94, %dma_wait3A_105] : memref<1280x128xi32, #tpu.memory_space<hbm>> -> memref<8x128xi32, #tpu.memory_space<hbm>>
        tpu.wait_dma2 semaphore(%run_scoped3A : memref<!tpu.dma_semaphore, #tpu.memory_space<semaphore_mem>>) src(%dma_wait3A_106 : memref<8x128xi32, #tpu.memory_space<hbm>>) dst(%arg14 : memref<8x128xi32, #tpu.memory_space<vmem>>)
        tpu.yield
      }) : () -> ()
      %scan3A_95 = arith.constant 0 : i32
      %scan3A_96 = arith.constant 0 : i32
      %scan3A_97 = arith.constant 8 : i32
      %scan3A_98 = arith.addi %scan3A_96, %scan3A_97 : i32
      %scan3A_99 = arith.constant 1 : i32
      scf.for %scan3A_101 = %scan3A_96 to %scan3A_98 step %scan3A_99  : i32 {
        "tpu.region"() ({
          %run_scoped3A = tpu.sem_alloc : memref<!tpu.dma_semaphore, #tpu.memory_space<semaphore_mem>>
          %dma_start3A = arith.constant 0 : i32
          %dma_start3A_102 = tpu.memref_slice %arg14[%scan3A_101, %dma_start3A] : memref<8x128xi32, #tpu.memory_space<vmem>> -> memref<1x128xi32, #tpu.memory_space<vmem>>
          %dma_start3A_103 = tpu.memref_squeeze %dma_start3A_102 : memref<1x128xi32, #tpu.memory_space<vmem>> -> memref<128xi32, #tpu.memory_space<vmem>>
          %dma_start3A_104 = arith.constant 0 : i32
          %dma_start3A_105 = arith.constant 0 : i32
          %dma_start3A_106 = tpu.memref_slice %arg12[%dma_start3A_104, %dma_start3A_105] : memref<10256x128xf32, #tpu.memory_space<vmem_shared>> -> memref<10256x128xf32, #tpu.memory_space<vmem_shared>>
          tpu.enqueue_indirect_dma source(%arg15 : memref<128x128xf32, #tpu.memory_space<vmem>>) target(%dma_start3A_106 : memref<10256x128xf32, #tpu.memory_space<vmem_shared>>) offsets(%dma_start3A_103 : memref<128xi32, #tpu.memory_space<vmem>>) semaphore(%run_scoped3A : memref<!tpu.dma_semaphore, #tpu.memory_space<semaphore_mem>>) {add = true}
          %dma_wait3A = arith.constant 0 : i32
          %dma_wait3A_107 = tpu.memref_slice %arg14[%scan3A_101, %dma_wait3A] : memref<8x128xi32, #tpu.memory_space<vmem>> -> memref<1x128xi32, #tpu.memory_space<vmem>>
          %dma_wait3A_108 = tpu.memref_squeeze %dma_wait3A_107 : memref<1x128xi32, #tpu.memory_space<vmem>> -> memref<128xi32, #tpu.memory_space<vmem>>
          %dma_wait3A_109 = arith.constant 0 : i32
          %dma_wait3A_110 = arith.constant 0 : i32
          %dma_wait3A_111 = tpu.memref_slice %arg12[%dma_wait3A_109, %dma_wait3A_110] : memref<10256x128xf32, #tpu.memory_space<vmem_shared>> -> memref<10256x128xf32, #tpu.memory_space<vmem_shared>>
          tpu.wait_indirect_dma semaphore(%run_scoped3A : memref<!tpu.dma_semaphore, #tpu.memory_space<semaphore_mem>>) src(%arg15 : memref<128x128xf32, #tpu.memory_space<vmem>>) dst(%dma_wait3A_111 : memref<10256x128xf32, #tpu.memory_space<vmem_shared>>)
          tpu.yield
        }) : () -> ()
      }
      %scan3A_100 = arith.constant 8 : i32
    }
    %scan3A_78 = arith.constant 5 : i32
    %barrier3A_79 = arith.constant 0 : index
    tpu.barrier barrier_id(%barrier3A_79)
    %eq3A_80 = arith.constant 0 : i32
    %eq3A_81 = arith.cmpi eq, %arg0, %eq3A_80 : i32
    %convert_element_type3A_82 = arith.extui %eq3A_81 : i1 to i32
    %cond3A_83 = arith.constant 0 : i32
    %cond3A_84 = arith.cmpi ne, %convert_element_type3A_82, %cond3A_83 : i32
    scf.if %cond3A_84 {
      "tpu.region"() ({
        %run_scoped3A = tpu.sem_alloc : memref<!tpu.dma_semaphore, #tpu.memory_space<semaphore_mem>>
        %dma_start3A = arith.constant 0 : i32
        %dma_start3A_90 = tpu.memref_slice %arg10[%multiple_of3A, %dma_start3A] : memref<10240x128xf32, #tpu.memory_space<hbm>> -> memref<640x128xf32, #tpu.memory_space<hbm>>
        %dma_start3A_91 = arith.constant 0 : i32
        %dma_start3A_92 = tpu.memref_slice %arg12[%multiple_of3A, %dma_start3A_91] : memref<10256x128xf32, #tpu.memory_space<vmem_shared>> -> memref<640x128xf32, #tpu.memory_space<vmem_shared>>
        tpu.enqueue_dma source(%dma_start3A_92 : memref<640x128xf32, #tpu.memory_space<vmem_shared>>) target(%dma_start3A_90 : memref<640x128xf32, #tpu.memory_space<hbm>>) target_semaphore(%run_scoped3A : memref<!tpu.dma_semaphore, #tpu.memory_space<semaphore_mem>>)
        %dma_wait3A = arith.constant 0 : i32
        %dma_wait3A_93 = tpu.memref_slice %arg10[%multiple_of3A, %dma_wait3A] : memref<10240x128xf32, #tpu.memory_space<hbm>> -> memref<640x128xf32, #tpu.memory_space<hbm>>
        %dma_wait3A_94 = arith.constant 0 : i32
        %dma_wait3A_95 = tpu.memref_slice %arg12[%multiple_of3A, %dma_wait3A_94] : memref<10256x128xf32, #tpu.memory_space<vmem_shared>> -> memref<640x128xf32, #tpu.memory_space<vmem_shared>>
        tpu.wait_dma2 semaphore(%run_scoped3A : memref<!tpu.dma_semaphore, #tpu.memory_space<semaphore_mem>>) src(%dma_wait3A_95 : memref<640x128xf32, #tpu.memory_space<vmem_shared>>) dst(%dma_wait3A_93 : memref<640x128xf32, #tpu.memory_space<hbm>>)
        tpu.yield
      }) : () -> ()
    } else {
    }
    %eq3A_85 = arith.constant 1 : i32
    %eq3A_86 = arith.cmpi eq, %arg0, %eq3A_85 : i32
    %convert_element_type3A_87 = arith.extui %eq3A_86 : i1 to i32
    %cond3A_88 = arith.constant 0 : i32
    %cond3A_89 = arith.cmpi ne, %convert_element_type3A_87, %cond3A_88 : i32
    scf.if %cond3A_89 {
      "tpu.region"() ({
        %run_scoped3A = tpu.sem_alloc : memref<!tpu.dma_semaphore, #tpu.memory_space<semaphore_mem>>
        %dma_start3A = arith.constant 0 : i32
        %dma_start3A_90 = tpu.memref_slice %arg11[%multiple_of3A, %dma_start3A] : memref<10240x128xf32, #tpu.memory_space<hbm>> -> memref<640x128xf32, #tpu.memory_space<hbm>>
        %dma_start3A_91 = arith.constant 0 : i32
        %dma_start3A_92 = tpu.memref_slice %arg12[%multiple_of3A, %dma_start3A_91] : memref<10256x128xf32, #tpu.memory_space<vmem_shared>> -> memref<640x128xf32, #tpu.memory_space<vmem_shared>>
        tpu.enqueue_dma source(%dma_start3A_92 : memref<640x128xf32, #tpu.memory_space<vmem_shared>>) target(%dma_start3A_90 : memref<640x128xf32, #tpu.memory_space<hbm>>) target_semaphore(%run_scoped3A : memref<!tpu.dma_semaphore, #tpu.memory_space<semaphore_mem>>)
        %dma_wait3A = arith.constant 0 : i32
        %dma_wait3A_93 = tpu.memref_slice %arg11[%multiple_of3A, %dma_wait3A] : memref<10240x128xf32, #tpu.memory_space<hbm>> -> memref<640x128xf32, #tpu.memory_space<hbm>>
        %dma_wait3A_94 = arith.constant 0 : i32
        %dma_wait3A_95 = tpu.memref_slice %arg12[%multiple_of3A, %dma_wait3A_94] : memref<10256x128xf32, #tpu.memory_space<vmem_shared>> -> memref<640x128xf32, #tpu.memory_space<vmem_shared>>
        tpu.wait_dma2 semaphore(%run_scoped3A : memref<!tpu.dma_semaphore, #tpu.memory_space<semaphore_mem>>) src(%dma_wait3A_95 : memref<640x128xf32, #tpu.memory_space<vmem_shared>>) dst(%dma_wait3A_93 : memref<640x128xf32, #tpu.memory_space<hbm>>)
        tpu.yield
      }) : () -> ()
    } else {
    }
    return
  }
}

#map = affine_map<(d0, d1) -> (0, 0)>
module attributes {stable_mosaic.version = 14 : i64} {
  func.func @body(%arg0: i32, %arg1: i32, %arg2: memref<10240x128xf32, #tpu.memory_space<hbm>>, %arg3: memref<10240x128xf32, #tpu.memory_space<hbm>>, %arg4: memref<10240x128xf32, #tpu.memory_space<hbm>>, %arg5: memref<10240x128xf32, #tpu.memory_space<hbm>>, %arg6: memref<1280x128xi32, #tpu.memory_space<hbm>>, %arg7: memref<1280x128xi32, #tpu.memory_space<hbm>>, %arg8: memref<128x128xf32, #tpu.memory_space<hbm>>, %arg9: memref<128x128xf32, #tpu.memory_space<hbm>>, %arg10: memref<10240x128xf32, #tpu.memory_space<hbm>>, %arg11: memref<10240x128xf32, #tpu.memory_space<hbm>>, %arg12: memref<10240x128xf32, #tpu.memory_space<hbm>>, %arg13: memref<10240x128xf32, #tpu.memory_space<hbm>>, %arg14: memref<10256x128xf32, #tpu.memory_space<vmem_shared>>, %arg15: memref<8x128xi32, #tpu.memory_space<vmem>>, %arg16: memref<8x128xi32, #tpu.memory_space<vmem>>, %arg17: memref<128x128xf32, #tpu.memory_space<vmem>>, %arg18: memref<!tpu.dma_semaphore, #tpu.memory_space<semaphore_mem>>) attributes {dimension_semantics = [#tpu.dimension_semantics<core_parallel>, #tpu.dimension_semantics<subcore_parallel>], iteration_bounds = array<i64: 2, 16>, scalar_prefetch = 0 : i64, scratch_operands = 5 : i64, tpu.core_type = #tpu.core_type<sc_vector_subcore>, window_params = [{transform_indices = #map}, {transform_indices = #map}, {transform_indices = #map}, {transform_indices = #map}, {transform_indices = #map}, {transform_indices = #map}, {transform_indices = #map}, {transform_indices = #map}, {transform_indices = #map}, {transform_indices = #map}, {transform_indices = #map}, {transform_indices = #map}]} {
    %mul3A = arith.constant 640 : i32
    %mul3A_0 = arith.muli %arg1, %mul3A : i32
    %multiple_of3A = tpu.assume_multiple %mul3A_0, 8 : i32
    %mul3A_1 = arith.constant 640 : i32
    %mul3A_2 = arith.muli %arg1, %mul3A_1 : i32
    %add3A = arith.constant 0 : i32
    %add3A_3 = arith.addi %mul3A_2, %add3A : i32
    %multiple_of3A_4 = tpu.assume_multiple %add3A_3, 8 : i32
    "tpu.region"() ({
      %run_scoped3A = tpu.sem_alloc : memref<!tpu.dma_semaphore, #tpu.memory_space<semaphore_mem>>
      %dma_start3A = arith.constant 0 : i32
      %dma_start3A_90 = tpu.memref_slice %arg14[%multiple_of3A_4, %dma_start3A] : memref<10256x128xf32, #tpu.memory_space<vmem_shared>> -> memref<128x128xf32, #tpu.memory_space<vmem_shared>>
      tpu.enqueue_dma source(%arg8 : memref<128x128xf32, #tpu.memory_space<hbm>>) target(%dma_start3A_90 : memref<128x128xf32, #tpu.memory_space<vmem_shared>>) target_semaphore(%run_scoped3A : memref<!tpu.dma_semaphore, #tpu.memory_space<semaphore_mem>>)
      %dma_wait3A = arith.constant 0 : i32
      %dma_wait3A_91 = tpu.memref_slice %arg14[%multiple_of3A_4, %dma_wait3A] : memref<10256x128xf32, #tpu.memory_space<vmem_shared>> -> memref<128x128xf32, #tpu.memory_space<vmem_shared>>
      tpu.wait_dma2 semaphore(%run_scoped3A : memref<!tpu.dma_semaphore, #tpu.memory_space<semaphore_mem>>) src(%arg8 : memref<128x128xf32, #tpu.memory_space<hbm>>) dst(%dma_wait3A_91 : memref<128x128xf32, #tpu.memory_space<vmem_shared>>)
      tpu.yield
    }) : () -> ()
    %mul3A_5 = arith.constant 640 : i32
    %mul3A_6 = arith.muli %arg1, %mul3A_5 : i32
    %add3A_7 = arith.constant 128 : i32
    %add3A_8 = arith.addi %mul3A_6, %add3A_7 : i32
    %multiple_of3A_9 = tpu.assume_multiple %add3A_8, 8 : i32
    "tpu.region"() ({
      %run_scoped3A = tpu.sem_alloc : memref<!tpu.dma_semaphore, #tpu.memory_space<semaphore_mem>>
      %dma_start3A = arith.constant 0 : i32
      %dma_start3A_90 = tpu.memref_slice %arg14[%multiple_of3A_9, %dma_start3A] : memref<10256x128xf32, #tpu.memory_space<vmem_shared>> -> memref<128x128xf32, #tpu.memory_space<vmem_shared>>
      tpu.enqueue_dma source(%arg8 : memref<128x128xf32, #tpu.memory_space<hbm>>) target(%dma_start3A_90 : memref<128x128xf32, #tpu.memory_space<vmem_shared>>) target_semaphore(%run_scoped3A : memref<!tpu.dma_semaphore, #tpu.memory_space<semaphore_mem>>)
      %dma_wait3A = arith.constant 0 : i32
      %dma_wait3A_91 = tpu.memref_slice %arg14[%multiple_of3A_9, %dma_wait3A] : memref<10256x128xf32, #tpu.memory_space<vmem_shared>> -> memref<128x128xf32, #tpu.memory_space<vmem_shared>>
      tpu.wait_dma2 semaphore(%run_scoped3A : memref<!tpu.dma_semaphore, #tpu.memory_space<semaphore_mem>>) src(%arg8 : memref<128x128xf32, #tpu.memory_space<hbm>>) dst(%dma_wait3A_91 : memref<128x128xf32, #tpu.memory_space<vmem_shared>>)
      tpu.yield
    }) : () -> ()
    %mul3A_10 = arith.constant 640 : i32
    %mul3A_11 = arith.muli %arg1, %mul3A_10 : i32
    %add3A_12 = arith.constant 256 : i32
    %add3A_13 = arith.addi %mul3A_11, %add3A_12 : i32
    %multiple_of3A_14 = tpu.assume_multiple %add3A_13, 8 : i32
    "tpu.region"() ({
      %run_scoped3A = tpu.sem_alloc : memref<!tpu.dma_semaphore, #tpu.memory_space<semaphore_mem>>
      %dma_start3A = arith.constant 0 : i32
      %dma_start3A_90 = tpu.memref_slice %arg14[%multiple_of3A_14, %dma_start3A] : memref<10256x128xf32, #tpu.memory_space<vmem_shared>> -> memref<128x128xf32, #tpu.memory_space<vmem_shared>>
      tpu.enqueue_dma source(%arg8 : memref<128x128xf32, #tpu.memory_space<hbm>>) target(%dma_start3A_90 : memref<128x128xf32, #tpu.memory_space<vmem_shared>>) target_semaphore(%run_scoped3A : memref<!tpu.dma_semaphore, #tpu.memory_space<semaphore_mem>>)
      %dma_wait3A = arith.constant 0 : i32
      %dma_wait3A_91 = tpu.memref_slice %arg14[%multiple_of3A_14, %dma_wait3A] : memref<10256x128xf32, #tpu.memory_space<vmem_shared>> -> memref<128x128xf32, #tpu.memory_space<vmem_shared>>
      tpu.wait_dma2 semaphore(%run_scoped3A : memref<!tpu.dma_semaphore, #tpu.memory_space<semaphore_mem>>) src(%arg8 : memref<128x128xf32, #tpu.memory_space<hbm>>) dst(%dma_wait3A_91 : memref<128x128xf32, #tpu.memory_space<vmem_shared>>)
      tpu.yield
    }) : () -> ()
    %mul3A_15 = arith.constant 640 : i32
    %mul3A_16 = arith.muli %arg1, %mul3A_15 : i32
    %add3A_17 = arith.constant 384 : i32
    %add3A_18 = arith.addi %mul3A_16, %add3A_17 : i32
    %multiple_of3A_19 = tpu.assume_multiple %add3A_18, 8 : i32
    "tpu.region"() ({
      %run_scoped3A = tpu.sem_alloc : memref<!tpu.dma_semaphore, #tpu.memory_space<semaphore_mem>>
      %dma_start3A = arith.constant 0 : i32
      %dma_start3A_90 = tpu.memref_slice %arg14[%multiple_of3A_19, %dma_start3A] : memref<10256x128xf32, #tpu.memory_space<vmem_shared>> -> memref<128x128xf32, #tpu.memory_space<vmem_shared>>
      tpu.enqueue_dma source(%arg8 : memref<128x128xf32, #tpu.memory_space<hbm>>) target(%dma_start3A_90 : memref<128x128xf32, #tpu.memory_space<vmem_shared>>) target_semaphore(%run_scoped3A : memref<!tpu.dma_semaphore, #tpu.memory_space<semaphore_mem>>)
      %dma_wait3A = arith.constant 0 : i32
      %dma_wait3A_91 = tpu.memref_slice %arg14[%multiple_of3A_19, %dma_wait3A] : memref<10256x128xf32, #tpu.memory_space<vmem_shared>> -> memref<128x128xf32, #tpu.memory_space<vmem_shared>>
      tpu.wait_dma2 semaphore(%run_scoped3A : memref<!tpu.dma_semaphore, #tpu.memory_space<semaphore_mem>>) src(%arg8 : memref<128x128xf32, #tpu.memory_space<hbm>>) dst(%dma_wait3A_91 : memref<128x128xf32, #tpu.memory_space<vmem_shared>>)
      tpu.yield
    }) : () -> ()
    %mul3A_20 = arith.constant 640 : i32
    %mul3A_21 = arith.muli %arg1, %mul3A_20 : i32
    %add3A_22 = arith.constant 512 : i32
    %add3A_23 = arith.addi %mul3A_21, %add3A_22 : i32
    %multiple_of3A_24 = tpu.assume_multiple %add3A_23, 8 : i32
    "tpu.region"() ({
      %run_scoped3A = tpu.sem_alloc : memref<!tpu.dma_semaphore, #tpu.memory_space<semaphore_mem>>
      %dma_start3A = arith.constant 0 : i32
      %dma_start3A_90 = tpu.memref_slice %arg14[%multiple_of3A_24, %dma_start3A] : memref<10256x128xf32, #tpu.memory_space<vmem_shared>> -> memref<128x128xf32, #tpu.memory_space<vmem_shared>>
      tpu.enqueue_dma source(%arg8 : memref<128x128xf32, #tpu.memory_space<hbm>>) target(%dma_start3A_90 : memref<128x128xf32, #tpu.memory_space<vmem_shared>>) target_semaphore(%run_scoped3A : memref<!tpu.dma_semaphore, #tpu.memory_space<semaphore_mem>>)
      %dma_wait3A = arith.constant 0 : i32
      %dma_wait3A_91 = tpu.memref_slice %arg14[%multiple_of3A_24, %dma_wait3A] : memref<10256x128xf32, #tpu.memory_space<vmem_shared>> -> memref<128x128xf32, #tpu.memory_space<vmem_shared>>
      tpu.wait_dma2 semaphore(%run_scoped3A : memref<!tpu.dma_semaphore, #tpu.memory_space<semaphore_mem>>) src(%arg8 : memref<128x128xf32, #tpu.memory_space<hbm>>) dst(%dma_wait3A_91 : memref<128x128xf32, #tpu.memory_space<vmem_shared>>)
      tpu.yield
    }) : () -> ()
    %barrier3A = arith.constant 0 : index
    tpu.barrier barrier_id(%barrier3A)
    %eq3A = arith.constant 0 : i32
    %eq3A_25 = arith.cmpi eq, %arg0, %eq3A : i32
    %convert_element_type3A = arith.extui %eq3A_25 : i1 to i32
    %cond3A = arith.constant 0 : i32
    %cond3A_26 = arith.cmpi ne, %convert_element_type3A, %cond3A : i32
    scf.if %cond3A_26 {
      %mul3A_90 = arith.constant 80 : i32
      %mul3A_91 = arith.muli %arg1, %mul3A_90 : i32
      %scan3A = arith.constant 0 : i32
      %scan3A_92 = arith.constant 0 : i32
      %scan3A_93 = arith.constant 10 : i32
      %scan3A_94 = arith.addi %scan3A_92, %scan3A_93 : i32
      %scan3A_95 = arith.constant 1 : i32
      scf.for %scan3A_97 = %scan3A_92 to %scan3A_94 step %scan3A_95  : i32 {
        %mul3A_98 = arith.constant 8 : i32
        %mul3A_99 = arith.muli %scan3A_97, %mul3A_98 : i32
        %add3A_100 = arith.addi %mul3A_91, %mul3A_99 : i32
        %multiple_of3A_101 = tpu.assume_multiple %add3A_100, 8 : i32
        "tpu.region"() ({
          %run_scoped3A = tpu.sem_alloc : memref<!tpu.dma_semaphore, #tpu.memory_space<semaphore_mem>>
          %dma_start3A = arith.constant 0 : i32
          %dma_start3A_108 = tpu.memref_slice %arg6[%multiple_of3A_101, %dma_start3A] : memref<1280x128xi32, #tpu.memory_space<hbm>> -> memref<8x128xi32, #tpu.memory_space<hbm>>
          %dma_start3A_109 = arith.constant 0 : i32
          %dma_start3A_110 = tpu.memref_slice %arg6[%multiple_of3A_101, %dma_start3A_109] : memref<1280x128xi32, #tpu.memory_space<hbm>> -> memref<8x128xi32, #tpu.memory_space<hbm>>
          tpu.enqueue_dma source(%dma_start3A_110 : memref<8x128xi32, #tpu.memory_space<hbm>>) target(%arg15 : memref<8x128xi32, #tpu.memory_space<vmem>>) target_semaphore(%run_scoped3A : memref<!tpu.dma_semaphore, #tpu.memory_space<semaphore_mem>>)
          %dma_wait3A = arith.constant 0 : i32
          %dma_wait3A_111 = tpu.memref_slice %arg6[%multiple_of3A_101, %dma_wait3A] : memref<1280x128xi32, #tpu.memory_space<hbm>> -> memref<8x128xi32, #tpu.memory_space<hbm>>
          %dma_wait3A_112 = arith.constant 0 : i32
          %dma_wait3A_113 = tpu.memref_slice %arg6[%multiple_of3A_101, %dma_wait3A_112] : memref<1280x128xi32, #tpu.memory_space<hbm>> -> memref<8x128xi32, #tpu.memory_space<hbm>>
          tpu.wait_dma2 semaphore(%run_scoped3A : memref<!tpu.dma_semaphore, #tpu.memory_space<semaphore_mem>>) src(%dma_wait3A_113 : memref<8x128xi32, #tpu.memory_space<hbm>>) dst(%arg15 : memref<8x128xi32, #tpu.memory_space<vmem>>)
          tpu.yield
        }) : () -> ()
        "tpu.region"() ({
          %run_scoped3A = tpu.sem_alloc : memref<!tpu.dma_semaphore, #tpu.memory_space<semaphore_mem>>
          %dma_start3A = arith.constant 0 : i32
          %dma_start3A_108 = tpu.memref_slice %arg7[%multiple_of3A_101, %dma_start3A] : memref<1280x128xi32, #tpu.memory_space<hbm>> -> memref<8x128xi32, #tpu.memory_space<hbm>>
          %dma_start3A_109 = arith.constant 0 : i32
          %dma_start3A_110 = tpu.memref_slice %arg7[%multiple_of3A_101, %dma_start3A_109] : memref<1280x128xi32, #tpu.memory_space<hbm>> -> memref<8x128xi32, #tpu.memory_space<hbm>>
          tpu.enqueue_dma source(%dma_start3A_110 : memref<8x128xi32, #tpu.memory_space<hbm>>) target(%arg16 : memref<8x128xi32, #tpu.memory_space<vmem>>) target_semaphore(%run_scoped3A : memref<!tpu.dma_semaphore, #tpu.memory_space<semaphore_mem>>)
          %dma_wait3A = arith.constant 0 : i32
          %dma_wait3A_111 = tpu.memref_slice %arg7[%multiple_of3A_101, %dma_wait3A] : memref<1280x128xi32, #tpu.memory_space<hbm>> -> memref<8x128xi32, #tpu.memory_space<hbm>>
          %dma_wait3A_112 = arith.constant 0 : i32
          %dma_wait3A_113 = tpu.memref_slice %arg7[%multiple_of3A_101, %dma_wait3A_112] : memref<1280x128xi32, #tpu.memory_space<hbm>> -> memref<8x128xi32, #tpu.memory_space<hbm>>
          tpu.wait_dma2 semaphore(%run_scoped3A : memref<!tpu.dma_semaphore, #tpu.memory_space<semaphore_mem>>) src(%dma_wait3A_113 : memref<8x128xi32, #tpu.memory_space<hbm>>) dst(%arg16 : memref<8x128xi32, #tpu.memory_space<vmem>>)
          tpu.yield
        }) : () -> ()
        %scan3A_102 = arith.constant 0 : i32
        %scan3A_103 = arith.constant 0 : i32
        %scan3A_104 = arith.constant 8 : i32
        %scan3A_105 = arith.addi %scan3A_103, %scan3A_104 : i32
        %scan3A_106 = arith.constant 1 : i32
        scf.for %scan3A_108 = %scan3A_103 to %scan3A_105 step %scan3A_106  : i32 {
          %dma_start3A = arith.constant 0 : i32
          %dma_start3A_109 = tpu.memref_slice %arg15[%scan3A_108, %dma_start3A] : memref<8x128xi32, #tpu.memory_space<vmem>> -> memref<1x128xi32, #tpu.memory_space<vmem>>
          %dma_start3A_110 = tpu.memref_squeeze %dma_start3A_109 : memref<1x128xi32, #tpu.memory_space<vmem>> -> memref<128xi32, #tpu.memory_space<vmem>>
          %dma_start3A_111 = arith.constant 0 : i32
          %dma_start3A_112 = arith.constant 0 : i32
          %dma_start3A_113 = tpu.memref_slice %arg2[%dma_start3A_111, %dma_start3A_112] : memref<10240x128xf32, #tpu.memory_space<hbm>> -> memref<10240x128xf32, #tpu.memory_space<hbm>>
          tpu.enqueue_indirect_dma source(%dma_start3A_113 : memref<10240x128xf32, #tpu.memory_space<hbm>>) target(%arg17 : memref<128x128xf32, #tpu.memory_space<vmem>>) offsets(%dma_start3A_110 : memref<128xi32, #tpu.memory_space<vmem>>) semaphore(%arg18 : memref<!tpu.dma_semaphore, #tpu.memory_space<semaphore_mem>>)
          %dma_wait3A = arith.constant 0 : i32
          %dma_wait3A_114 = tpu.memref_slice %arg15[%scan3A_108, %dma_wait3A] : memref<8x128xi32, #tpu.memory_space<vmem>> -> memref<1x128xi32, #tpu.memory_space<vmem>>
          %dma_wait3A_115 = tpu.memref_squeeze %dma_wait3A_114 : memref<1x128xi32, #tpu.memory_space<vmem>> -> memref<128xi32, #tpu.memory_space<vmem>>
          %dma_wait3A_116 = arith.constant 0 : i32
          %dma_wait3A_117 = arith.constant 0 : i32
          %dma_wait3A_118 = tpu.memref_slice %arg2[%dma_wait3A_116, %dma_wait3A_117] : memref<10240x128xf32, #tpu.memory_space<hbm>> -> memref<10240x128xf32, #tpu.memory_space<hbm>>
          tpu.wait_indirect_dma semaphore(%arg18 : memref<!tpu.dma_semaphore, #tpu.memory_space<semaphore_mem>>) src(%dma_wait3A_118 : memref<10240x128xf32, #tpu.memory_space<hbm>>) dst(%arg17 : memref<128x128xf32, #tpu.memory_space<vmem>>)
          "tpu.region"() ({
            %run_scoped3A = tpu.sem_alloc : memref<!tpu.dma_semaphore, #tpu.memory_space<semaphore_mem>>
            %dma_start3A_119 = arith.constant 0 : i32
            %dma_start3A_120 = tpu.memref_slice %arg16[%scan3A_108, %dma_start3A_119] : memref<8x128xi32, #tpu.memory_space<vmem>> -> memref<1x128xi32, #tpu.memory_space<vmem>>
            %dma_start3A_121 = tpu.memref_squeeze %dma_start3A_120 : memref<1x128xi32, #tpu.memory_space<vmem>> -> memref<128xi32, #tpu.memory_space<vmem>>
            %dma_start3A_122 = arith.constant 0 : i32
            %dma_start3A_123 = arith.constant 0 : i32
            %dma_start3A_124 = tpu.memref_slice %arg14[%dma_start3A_122, %dma_start3A_123] : memref<10256x128xf32, #tpu.memory_space<vmem_shared>> -> memref<10256x128xf32, #tpu.memory_space<vmem_shared>>
            tpu.enqueue_indirect_dma source(%arg17 : memref<128x128xf32, #tpu.memory_space<vmem>>) target(%dma_start3A_124 : memref<10256x128xf32, #tpu.memory_space<vmem_shared>>) offsets(%dma_start3A_121 : memref<128xi32, #tpu.memory_space<vmem>>) semaphore(%run_scoped3A : memref<!tpu.dma_semaphore, #tpu.memory_space<semaphore_mem>>) {add = true}
            %dma_wait3A_125 = arith.constant 0 : i32
            %dma_wait3A_126 = tpu.memref_slice %arg16[%scan3A_108, %dma_wait3A_125] : memref<8x128xi32, #tpu.memory_space<vmem>> -> memref<1x128xi32, #tpu.memory_space<vmem>>
            %dma_wait3A_127 = tpu.memref_squeeze %dma_wait3A_126 : memref<1x128xi32, #tpu.memory_space<vmem>> -> memref<128xi32, #tpu.memory_space<vmem>>
            %dma_wait3A_128 = arith.constant 0 : i32
            %dma_wait3A_129 = arith.constant 0 : i32
            %dma_wait3A_130 = tpu.memref_slice %arg14[%dma_wait3A_128, %dma_wait3A_129] : memref<10256x128xf32, #tpu.memory_space<vmem_shared>> -> memref<10256x128xf32, #tpu.memory_space<vmem_shared>>
            tpu.wait_indirect_dma semaphore(%run_scoped3A : memref<!tpu.dma_semaphore, #tpu.memory_space<semaphore_mem>>) src(%arg17 : memref<128x128xf32, #tpu.memory_space<vmem>>) dst(%dma_wait3A_130 : memref<10256x128xf32, #tpu.memory_space<vmem_shared>>)
            tpu.yield
          }) : () -> ()
        }
        %scan3A_107 = arith.constant 8 : i32
      }
      %scan3A_96 = arith.constant 10 : i32
    } else {
    }
    %eq3A_27 = arith.constant 1 : i32
    %eq3A_28 = arith.cmpi eq, %arg0, %eq3A_27 : i32
    %convert_element_type3A_29 = arith.extui %eq3A_28 : i1 to i32
    %cond3A_30 = arith.constant 0 : i32
    %cond3A_31 = arith.cmpi ne, %convert_element_type3A_29, %cond3A_30 : i32
    scf.if %cond3A_31 {
      %mul3A_90 = arith.constant 80 : i32
      %mul3A_91 = arith.muli %arg1, %mul3A_90 : i32
      %scan3A = arith.constant 0 : i32
      %scan3A_92 = arith.constant 0 : i32
      %scan3A_93 = arith.constant 10 : i32
      %scan3A_94 = arith.addi %scan3A_92, %scan3A_93 : i32
      %scan3A_95 = arith.constant 1 : i32
      scf.for %scan3A_97 = %scan3A_92 to %scan3A_94 step %scan3A_95  : i32 {
        %mul3A_98 = arith.constant 8 : i32
        %mul3A_99 = arith.muli %scan3A_97, %mul3A_98 : i32
        %add3A_100 = arith.addi %mul3A_91, %mul3A_99 : i32
        %multiple_of3A_101 = tpu.assume_multiple %add3A_100, 8 : i32
        "tpu.region"() ({
          %run_scoped3A = tpu.sem_alloc : memref<!tpu.dma_semaphore, #tpu.memory_space<semaphore_mem>>
          %dma_start3A = arith.constant 0 : i32
          %dma_start3A_108 = tpu.memref_slice %arg6[%multiple_of3A_101, %dma_start3A] : memref<1280x128xi32, #tpu.memory_space<hbm>> -> memref<8x128xi32, #tpu.memory_space<hbm>>
          %dma_start3A_109 = arith.constant 0 : i32
          %dma_start3A_110 = tpu.memref_slice %arg6[%multiple_of3A_101, %dma_start3A_109] : memref<1280x128xi32, #tpu.memory_space<hbm>> -> memref<8x128xi32, #tpu.memory_space<hbm>>
          tpu.enqueue_dma source(%dma_start3A_110 : memref<8x128xi32, #tpu.memory_space<hbm>>) target(%arg15 : memref<8x128xi32, #tpu.memory_space<vmem>>) target_semaphore(%run_scoped3A : memref<!tpu.dma_semaphore, #tpu.memory_space<semaphore_mem>>)
          %dma_wait3A = arith.constant 0 : i32
          %dma_wait3A_111 = tpu.memref_slice %arg6[%multiple_of3A_101, %dma_wait3A] : memref<1280x128xi32, #tpu.memory_space<hbm>> -> memref<8x128xi32, #tpu.memory_space<hbm>>
          %dma_wait3A_112 = arith.constant 0 : i32
          %dma_wait3A_113 = tpu.memref_slice %arg6[%multiple_of3A_101, %dma_wait3A_112] : memref<1280x128xi32, #tpu.memory_space<hbm>> -> memref<8x128xi32, #tpu.memory_space<hbm>>
          tpu.wait_dma2 semaphore(%run_scoped3A : memref<!tpu.dma_semaphore, #tpu.memory_space<semaphore_mem>>) src(%dma_wait3A_113 : memref<8x128xi32, #tpu.memory_space<hbm>>) dst(%arg15 : memref<8x128xi32, #tpu.memory_space<vmem>>)
          tpu.yield
        }) : () -> ()
        "tpu.region"() ({
          %run_scoped3A = tpu.sem_alloc : memref<!tpu.dma_semaphore, #tpu.memory_space<semaphore_mem>>
          %dma_start3A = arith.constant 0 : i32
          %dma_start3A_108 = tpu.memref_slice %arg7[%multiple_of3A_101, %dma_start3A] : memref<1280x128xi32, #tpu.memory_space<hbm>> -> memref<8x128xi32, #tpu.memory_space<hbm>>
          %dma_start3A_109 = arith.constant 0 : i32
          %dma_start3A_110 = tpu.memref_slice %arg7[%multiple_of3A_101, %dma_start3A_109] : memref<1280x128xi32, #tpu.memory_space<hbm>> -> memref<8x128xi32, #tpu.memory_space<hbm>>
          tpu.enqueue_dma source(%dma_start3A_110 : memref<8x128xi32, #tpu.memory_space<hbm>>) target(%arg16 : memref<8x128xi32, #tpu.memory_space<vmem>>) target_semaphore(%run_scoped3A : memref<!tpu.dma_semaphore, #tpu.memory_space<semaphore_mem>>)
          %dma_wait3A = arith.constant 0 : i32
          %dma_wait3A_111 = tpu.memref_slice %arg7[%multiple_of3A_101, %dma_wait3A] : memref<1280x128xi32, #tpu.memory_space<hbm>> -> memref<8x128xi32, #tpu.memory_space<hbm>>
          %dma_wait3A_112 = arith.constant 0 : i32
          %dma_wait3A_113 = tpu.memref_slice %arg7[%multiple_of3A_101, %dma_wait3A_112] : memref<1280x128xi32, #tpu.memory_space<hbm>> -> memref<8x128xi32, #tpu.memory_space<hbm>>
          tpu.wait_dma2 semaphore(%run_scoped3A : memref<!tpu.dma_semaphore, #tpu.memory_space<semaphore_mem>>) src(%dma_wait3A_113 : memref<8x128xi32, #tpu.memory_space<hbm>>) dst(%arg16 : memref<8x128xi32, #tpu.memory_space<vmem>>)
          tpu.yield
        }) : () -> ()
        %scan3A_102 = arith.constant 0 : i32
        %scan3A_103 = arith.constant 0 : i32
        %scan3A_104 = arith.constant 8 : i32
        %scan3A_105 = arith.addi %scan3A_103, %scan3A_104 : i32
        %scan3A_106 = arith.constant 1 : i32
        scf.for %scan3A_108 = %scan3A_103 to %scan3A_105 step %scan3A_106  : i32 {
          %dma_start3A = arith.constant 0 : i32
          %dma_start3A_109 = tpu.memref_slice %arg15[%scan3A_108, %dma_start3A] : memref<8x128xi32, #tpu.memory_space<vmem>> -> memref<1x128xi32, #tpu.memory_space<vmem>>
          %dma_start3A_110 = tpu.memref_squeeze %dma_start3A_109 : memref<1x128xi32, #tpu.memory_space<vmem>> -> memref<128xi32, #tpu.memory_space<vmem>>
          %dma_start3A_111 = arith.constant 0 : i32
          %dma_start3A_112 = arith.constant 0 : i32
          %dma_start3A_113 = tpu.memref_slice %arg3[%dma_start3A_111, %dma_start3A_112] : memref<10240x128xf32, #tpu.memory_space<hbm>> -> memref<10240x128xf32, #tpu.memory_space<hbm>>
          tpu.enqueue_indirect_dma source(%dma_start3A_113 : memref<10240x128xf32, #tpu.memory_space<hbm>>) target(%arg17 : memref<128x128xf32, #tpu.memory_space<vmem>>) offsets(%dma_start3A_110 : memref<128xi32, #tpu.memory_space<vmem>>) semaphore(%arg18 : memref<!tpu.dma_semaphore, #tpu.memory_space<semaphore_mem>>)
          %dma_wait3A = arith.constant 0 : i32
          %dma_wait3A_114 = tpu.memref_slice %arg15[%scan3A_108, %dma_wait3A] : memref<8x128xi32, #tpu.memory_space<vmem>> -> memref<1x128xi32, #tpu.memory_space<vmem>>
          %dma_wait3A_115 = tpu.memref_squeeze %dma_wait3A_114 : memref<1x128xi32, #tpu.memory_space<vmem>> -> memref<128xi32, #tpu.memory_space<vmem>>
          %dma_wait3A_116 = arith.constant 0 : i32
          %dma_wait3A_117 = arith.constant 0 : i32
          %dma_wait3A_118 = tpu.memref_slice %arg3[%dma_wait3A_116, %dma_wait3A_117] : memref<10240x128xf32, #tpu.memory_space<hbm>> -> memref<10240x128xf32, #tpu.memory_space<hbm>>
          tpu.wait_indirect_dma semaphore(%arg18 : memref<!tpu.dma_semaphore, #tpu.memory_space<semaphore_mem>>) src(%dma_wait3A_118 : memref<10240x128xf32, #tpu.memory_space<hbm>>) dst(%arg17 : memref<128x128xf32, #tpu.memory_space<vmem>>)
          "tpu.region"() ({
            %run_scoped3A = tpu.sem_alloc : memref<!tpu.dma_semaphore, #tpu.memory_space<semaphore_mem>>
            %dma_start3A_119 = arith.constant 0 : i32
            %dma_start3A_120 = tpu.memref_slice %arg16[%scan3A_108, %dma_start3A_119] : memref<8x128xi32, #tpu.memory_space<vmem>> -> memref<1x128xi32, #tpu.memory_space<vmem>>
            %dma_start3A_121 = tpu.memref_squeeze %dma_start3A_120 : memref<1x128xi32, #tpu.memory_space<vmem>> -> memref<128xi32, #tpu.memory_space<vmem>>
            %dma_start3A_122 = arith.constant 0 : i32
            %dma_start3A_123 = arith.constant 0 : i32
            %dma_start3A_124 = tpu.memref_slice %arg14[%dma_start3A_122, %dma_start3A_123] : memref<10256x128xf32, #tpu.memory_space<vmem_shared>> -> memref<10256x128xf32, #tpu.memory_space<vmem_shared>>
            tpu.enqueue_indirect_dma source(%arg17 : memref<128x128xf32, #tpu.memory_space<vmem>>) target(%dma_start3A_124 : memref<10256x128xf32, #tpu.memory_space<vmem_shared>>) offsets(%dma_start3A_121 : memref<128xi32, #tpu.memory_space<vmem>>) semaphore(%run_scoped3A : memref<!tpu.dma_semaphore, #tpu.memory_space<semaphore_mem>>) {add = true}
            %dma_wait3A_125 = arith.constant 0 : i32
            %dma_wait3A_126 = tpu.memref_slice %arg16[%scan3A_108, %dma_wait3A_125] : memref<8x128xi32, #tpu.memory_space<vmem>> -> memref<1x128xi32, #tpu.memory_space<vmem>>
            %dma_wait3A_127 = tpu.memref_squeeze %dma_wait3A_126 : memref<1x128xi32, #tpu.memory_space<vmem>> -> memref<128xi32, #tpu.memory_space<vmem>>
            %dma_wait3A_128 = arith.constant 0 : i32
            %dma_wait3A_129 = arith.constant 0 : i32
            %dma_wait3A_130 = tpu.memref_slice %arg14[%dma_wait3A_128, %dma_wait3A_129] : memref<10256x128xf32, #tpu.memory_space<vmem_shared>> -> memref<10256x128xf32, #tpu.memory_space<vmem_shared>>
            tpu.wait_indirect_dma semaphore(%run_scoped3A : memref<!tpu.dma_semaphore, #tpu.memory_space<semaphore_mem>>) src(%arg17 : memref<128x128xf32, #tpu.memory_space<vmem>>) dst(%dma_wait3A_130 : memref<10256x128xf32, #tpu.memory_space<vmem_shared>>)
            tpu.yield
          }) : () -> ()
        }
        %scan3A_107 = arith.constant 8 : i32
      }
      %scan3A_96 = arith.constant 10 : i32
    } else {
    }
    %barrier3A_32 = arith.constant 0 : index
    tpu.barrier barrier_id(%barrier3A_32)
    %eq3A_33 = arith.constant 0 : i32
    %eq3A_34 = arith.cmpi eq, %arg0, %eq3A_33 : i32
    %convert_element_type3A_35 = arith.extui %eq3A_34 : i1 to i32
    %cond3A_36 = arith.constant 0 : i32
    %cond3A_37 = arith.cmpi ne, %convert_element_type3A_35, %cond3A_36 : i32
    scf.if %cond3A_37 {
      "tpu.region"() ({
        %run_scoped3A = tpu.sem_alloc : memref<!tpu.dma_semaphore, #tpu.memory_space<semaphore_mem>>
        %dma_start3A = arith.constant 0 : i32
        %dma_start3A_90 = tpu.memref_slice %arg10[%multiple_of3A, %dma_start3A] : memref<10240x128xf32, #tpu.memory_space<hbm>> -> memref<640x128xf32, #tpu.memory_space<hbm>>
        %dma_start3A_91 = arith.constant 0 : i32
        %dma_start3A_92 = tpu.memref_slice %arg14[%multiple_of3A, %dma_start3A_91] : memref<10256x128xf32, #tpu.memory_space<vmem_shared>> -> memref<640x128xf32, #tpu.memory_space<vmem_shared>>
        tpu.enqueue_dma source(%dma_start3A_92 : memref<640x128xf32, #tpu.memory_space<vmem_shared>>) target(%dma_start3A_90 : memref<640x128xf32, #tpu.memory_space<hbm>>) target_semaphore(%run_scoped3A : memref<!tpu.dma_semaphore, #tpu.memory_space<semaphore_mem>>)
        %dma_wait3A = arith.constant 0 : i32
        %dma_wait3A_93 = tpu.memref_slice %arg10[%multiple_of3A, %dma_wait3A] : memref<10240x128xf32, #tpu.memory_space<hbm>> -> memref<640x128xf32, #tpu.memory_space<hbm>>
        %dma_wait3A_94 = arith.constant 0 : i32
        %dma_wait3A_95 = tpu.memref_slice %arg14[%multiple_of3A, %dma_wait3A_94] : memref<10256x128xf32, #tpu.memory_space<vmem_shared>> -> memref<640x128xf32, #tpu.memory_space<vmem_shared>>
        tpu.wait_dma2 semaphore(%run_scoped3A : memref<!tpu.dma_semaphore, #tpu.memory_space<semaphore_mem>>) src(%dma_wait3A_95 : memref<640x128xf32, #tpu.memory_space<vmem_shared>>) dst(%dma_wait3A_93 : memref<640x128xf32, #tpu.memory_space<hbm>>)
        tpu.yield
      }) : () -> ()
    } else {
    }
    %eq3A_38 = arith.constant 1 : i32
    %eq3A_39 = arith.cmpi eq, %arg0, %eq3A_38 : i32
    %convert_element_type3A_40 = arith.extui %eq3A_39 : i1 to i32
    %cond3A_41 = arith.constant 0 : i32
    %cond3A_42 = arith.cmpi ne, %convert_element_type3A_40, %cond3A_41 : i32
    scf.if %cond3A_42 {
      "tpu.region"() ({
        %run_scoped3A = tpu.sem_alloc : memref<!tpu.dma_semaphore, #tpu.memory_space<semaphore_mem>>
        %dma_start3A = arith.constant 0 : i32
        %dma_start3A_90 = tpu.memref_slice %arg11[%multiple_of3A, %dma_start3A] : memref<10240x128xf32, #tpu.memory_space<hbm>> -> memref<640x128xf32, #tpu.memory_space<hbm>>
        %dma_start3A_91 = arith.constant 0 : i32
        %dma_start3A_92 = tpu.memref_slice %arg14[%multiple_of3A, %dma_start3A_91] : memref<10256x128xf32, #tpu.memory_space<vmem_shared>> -> memref<640x128xf32, #tpu.memory_space<vmem_shared>>
        tpu.enqueue_dma source(%dma_start3A_92 : memref<640x128xf32, #tpu.memory_space<vmem_shared>>) target(%dma_start3A_90 : memref<640x128xf32, #tpu.memory_space<hbm>>) target_semaphore(%run_scoped3A : memref<!tpu.dma_semaphore, #tpu.memory_space<semaphore_mem>>)
        %dma_wait3A = arith.constant 0 : i32
        %dma_wait3A_93 = tpu.memref_slice %arg11[%multiple_of3A, %dma_wait3A] : memref<10240x128xf32, #tpu.memory_space<hbm>> -> memref<640x128xf32, #tpu.memory_space<hbm>>
        %dma_wait3A_94 = arith.constant 0 : i32
        %dma_wait3A_95 = tpu.memref_slice %arg14[%multiple_of3A, %dma_wait3A_94] : memref<10256x128xf32, #tpu.memory_space<vmem_shared>> -> memref<640x128xf32, #tpu.memory_space<vmem_shared>>
        tpu.wait_dma2 semaphore(%run_scoped3A : memref<!tpu.dma_semaphore, #tpu.memory_space<semaphore_mem>>) src(%dma_wait3A_95 : memref<640x128xf32, #tpu.memory_space<vmem_shared>>) dst(%dma_wait3A_93 : memref<640x128xf32, #tpu.memory_space<hbm>>)
        tpu.yield
      }) : () -> ()
    } else {
    }
    %mul3A_43 = arith.constant 640 : i32
    %mul3A_44 = arith.muli %arg1, %mul3A_43 : i32
    %add3A_45 = arith.constant 0 : i32
    %add3A_46 = arith.addi %mul3A_44, %add3A_45 : i32
    %multiple_of3A_47 = tpu.assume_multiple %add3A_46, 8 : i32
    "tpu.region"() ({
      %run_scoped3A = tpu.sem_alloc : memref<!tpu.dma_semaphore, #tpu.memory_space<semaphore_mem>>
      %dma_start3A = arith.constant 0 : i32
      %dma_start3A_90 = tpu.memref_slice %arg14[%multiple_of3A_47, %dma_start3A] : memref<10256x128xf32, #tpu.memory_space<vmem_shared>> -> memref<128x128xf32, #tpu.memory_space<vmem_shared>>
      tpu.enqueue_dma source(%arg8 : memref<128x128xf32, #tpu.memory_space<hbm>>) target(%dma_start3A_90 : memref<128x128xf32, #tpu.memory_space<vmem_shared>>) target_semaphore(%run_scoped3A : memref<!tpu.dma_semaphore, #tpu.memory_space<semaphore_mem>>)
      %dma_wait3A = arith.constant 0 : i32
      %dma_wait3A_91 = tpu.memref_slice %arg14[%multiple_of3A_47, %dma_wait3A] : memref<10256x128xf32, #tpu.memory_space<vmem_shared>> -> memref<128x128xf32, #tpu.memory_space<vmem_shared>>
      tpu.wait_dma2 semaphore(%run_scoped3A : memref<!tpu.dma_semaphore, #tpu.memory_space<semaphore_mem>>) src(%arg8 : memref<128x128xf32, #tpu.memory_space<hbm>>) dst(%dma_wait3A_91 : memref<128x128xf32, #tpu.memory_space<vmem_shared>>)
      tpu.yield
    }) : () -> ()
    %mul3A_48 = arith.constant 640 : i32
    %mul3A_49 = arith.muli %arg1, %mul3A_48 : i32
    %add3A_50 = arith.constant 128 : i32
    %add3A_51 = arith.addi %mul3A_49, %add3A_50 : i32
    %multiple_of3A_52 = tpu.assume_multiple %add3A_51, 8 : i32
    "tpu.region"() ({
      %run_scoped3A = tpu.sem_alloc : memref<!tpu.dma_semaphore, #tpu.memory_space<semaphore_mem>>
      %dma_start3A = arith.constant 0 : i32
      %dma_start3A_90 = tpu.memref_slice %arg14[%multiple_of3A_52, %dma_start3A] : memref<10256x128xf32, #tpu.memory_space<vmem_shared>> -> memref<128x128xf32, #tpu.memory_space<vmem_shared>>
      tpu.enqueue_dma source(%arg8 : memref<128x128xf32, #tpu.memory_space<hbm>>) target(%dma_start3A_90 : memref<128x128xf32, #tpu.memory_space<vmem_shared>>) target_semaphore(%run_scoped3A : memref<!tpu.dma_semaphore, #tpu.memory_space<semaphore_mem>>)
      %dma_wait3A = arith.constant 0 : i32
      %dma_wait3A_91 = tpu.memref_slice %arg14[%multiple_of3A_52, %dma_wait3A] : memref<10256x128xf32, #tpu.memory_space<vmem_shared>> -> memref<128x128xf32, #tpu.memory_space<vmem_shared>>
      tpu.wait_dma2 semaphore(%run_scoped3A : memref<!tpu.dma_semaphore, #tpu.memory_space<semaphore_mem>>) src(%arg8 : memref<128x128xf32, #tpu.memory_space<hbm>>) dst(%dma_wait3A_91 : memref<128x128xf32, #tpu.memory_space<vmem_shared>>)
      tpu.yield
    }) : () -> ()
    %mul3A_53 = arith.constant 640 : i32
    %mul3A_54 = arith.muli %arg1, %mul3A_53 : i32
    %add3A_55 = arith.constant 256 : i32
    %add3A_56 = arith.addi %mul3A_54, %add3A_55 : i32
    %multiple_of3A_57 = tpu.assume_multiple %add3A_56, 8 : i32
    "tpu.region"() ({
      %run_scoped3A = tpu.sem_alloc : memref<!tpu.dma_semaphore, #tpu.memory_space<semaphore_mem>>
      %dma_start3A = arith.constant 0 : i32
      %dma_start3A_90 = tpu.memref_slice %arg14[%multiple_of3A_57, %dma_start3A] : memref<10256x128xf32, #tpu.memory_space<vmem_shared>> -> memref<128x128xf32, #tpu.memory_space<vmem_shared>>
      tpu.enqueue_dma source(%arg8 : memref<128x128xf32, #tpu.memory_space<hbm>>) target(%dma_start3A_90 : memref<128x128xf32, #tpu.memory_space<vmem_shared>>) target_semaphore(%run_scoped3A : memref<!tpu.dma_semaphore, #tpu.memory_space<semaphore_mem>>)
      %dma_wait3A = arith.constant 0 : i32
      %dma_wait3A_91 = tpu.memref_slice %arg14[%multiple_of3A_57, %dma_wait3A] : memref<10256x128xf32, #tpu.memory_space<vmem_shared>> -> memref<128x128xf32, #tpu.memory_space<vmem_shared>>
      tpu.wait_dma2 semaphore(%run_scoped3A : memref<!tpu.dma_semaphore, #tpu.memory_space<semaphore_mem>>) src(%arg8 : memref<128x128xf32, #tpu.memory_space<hbm>>) dst(%dma_wait3A_91 : memref<128x128xf32, #tpu.memory_space<vmem_shared>>)
      tpu.yield
    }) : () -> ()
    %mul3A_58 = arith.constant 640 : i32
    %mul3A_59 = arith.muli %arg1, %mul3A_58 : i32
    %add3A_60 = arith.constant 384 : i32
    %add3A_61 = arith.addi %mul3A_59, %add3A_60 : i32
    %multiple_of3A_62 = tpu.assume_multiple %add3A_61, 8 : i32
    "tpu.region"() ({
      %run_scoped3A = tpu.sem_alloc : memref<!tpu.dma_semaphore, #tpu.memory_space<semaphore_mem>>
      %dma_start3A = arith.constant 0 : i32
      %dma_start3A_90 = tpu.memref_slice %arg14[%multiple_of3A_62, %dma_start3A] : memref<10256x128xf32, #tpu.memory_space<vmem_shared>> -> memref<128x128xf32, #tpu.memory_space<vmem_shared>>
      tpu.enqueue_dma source(%arg8 : memref<128x128xf32, #tpu.memory_space<hbm>>) target(%dma_start3A_90 : memref<128x128xf32, #tpu.memory_space<vmem_shared>>) target_semaphore(%run_scoped3A : memref<!tpu.dma_semaphore, #tpu.memory_space<semaphore_mem>>)
      %dma_wait3A = arith.constant 0 : i32
      %dma_wait3A_91 = tpu.memref_slice %arg14[%multiple_of3A_62, %dma_wait3A] : memref<10256x128xf32, #tpu.memory_space<vmem_shared>> -> memref<128x128xf32, #tpu.memory_space<vmem_shared>>
      tpu.wait_dma2 semaphore(%run_scoped3A : memref<!tpu.dma_semaphore, #tpu.memory_space<semaphore_mem>>) src(%arg8 : memref<128x128xf32, #tpu.memory_space<hbm>>) dst(%dma_wait3A_91 : memref<128x128xf32, #tpu.memory_space<vmem_shared>>)
      tpu.yield
    }) : () -> ()
    %mul3A_63 = arith.constant 640 : i32
    %mul3A_64 = arith.muli %arg1, %mul3A_63 : i32
    %add3A_65 = arith.constant 512 : i32
    %add3A_66 = arith.addi %mul3A_64, %add3A_65 : i32
    %multiple_of3A_67 = tpu.assume_multiple %add3A_66, 8 : i32
    "tpu.region"() ({
      %run_scoped3A = tpu.sem_alloc : memref<!tpu.dma_semaphore, #tpu.memory_space<semaphore_mem>>
      %dma_start3A = arith.constant 0 : i32
      %dma_start3A_90 = tpu.memref_slice %arg14[%multiple_of3A_67, %dma_start3A] : memref<10256x128xf32, #tpu.memory_space<vmem_shared>> -> memref<128x128xf32, #tpu.memory_space<vmem_shared>>
      tpu.enqueue_dma source(%arg8 : memref<128x128xf32, #tpu.memory_space<hbm>>) target(%dma_start3A_90 : memref<128x128xf32, #tpu.memory_space<vmem_shared>>) target_semaphore(%run_scoped3A : memref<!tpu.dma_semaphore, #tpu.memory_space<semaphore_mem>>)
      %dma_wait3A = arith.constant 0 : i32
      %dma_wait3A_91 = tpu.memref_slice %arg14[%multiple_of3A_67, %dma_wait3A] : memref<10256x128xf32, #tpu.memory_space<vmem_shared>> -> memref<128x128xf32, #tpu.memory_space<vmem_shared>>
      tpu.wait_dma2 semaphore(%run_scoped3A : memref<!tpu.dma_semaphore, #tpu.memory_space<semaphore_mem>>) src(%arg8 : memref<128x128xf32, #tpu.memory_space<hbm>>) dst(%dma_wait3A_91 : memref<128x128xf32, #tpu.memory_space<vmem_shared>>)
      tpu.yield
    }) : () -> ()
    %barrier3A_68 = arith.constant 0 : index
    tpu.barrier barrier_id(%barrier3A_68)
    %eq3A_69 = arith.constant 0 : i32
    %eq3A_70 = arith.cmpi eq, %arg0, %eq3A_69 : i32
    %convert_element_type3A_71 = arith.extui %eq3A_70 : i1 to i32
    %cond3A_72 = arith.constant 0 : i32
    %cond3A_73 = arith.cmpi ne, %convert_element_type3A_71, %cond3A_72 : i32
    scf.if %cond3A_73 {
      %mul3A_90 = arith.constant 80 : i32
      %mul3A_91 = arith.muli %arg1, %mul3A_90 : i32
      %scan3A = arith.constant 0 : i32
      %scan3A_92 = arith.constant 0 : i32
      %scan3A_93 = arith.constant 10 : i32
      %scan3A_94 = arith.addi %scan3A_92, %scan3A_93 : i32
      %scan3A_95 = arith.constant 1 : i32
      scf.for %scan3A_97 = %scan3A_92 to %scan3A_94 step %scan3A_95  : i32 {
        %mul3A_98 = arith.constant 8 : i32
        %mul3A_99 = arith.muli %scan3A_97, %mul3A_98 : i32
        %add3A_100 = arith.addi %mul3A_91, %mul3A_99 : i32
        %multiple_of3A_101 = tpu.assume_multiple %add3A_100, 8 : i32
        "tpu.region"() ({
          %run_scoped3A = tpu.sem_alloc : memref<!tpu.dma_semaphore, #tpu.memory_space<semaphore_mem>>
          %dma_start3A = arith.constant 0 : i32
          %dma_start3A_108 = tpu.memref_slice %arg6[%multiple_of3A_101, %dma_start3A] : memref<1280x128xi32, #tpu.memory_space<hbm>> -> memref<8x128xi32, #tpu.memory_space<hbm>>
          %dma_start3A_109 = arith.constant 0 : i32
          %dma_start3A_110 = tpu.memref_slice %arg6[%multiple_of3A_101, %dma_start3A_109] : memref<1280x128xi32, #tpu.memory_space<hbm>> -> memref<8x128xi32, #tpu.memory_space<hbm>>
          tpu.enqueue_dma source(%dma_start3A_110 : memref<8x128xi32, #tpu.memory_space<hbm>>) target(%arg15 : memref<8x128xi32, #tpu.memory_space<vmem>>) target_semaphore(%run_scoped3A : memref<!tpu.dma_semaphore, #tpu.memory_space<semaphore_mem>>)
          %dma_wait3A = arith.constant 0 : i32
          %dma_wait3A_111 = tpu.memref_slice %arg6[%multiple_of3A_101, %dma_wait3A] : memref<1280x128xi32, #tpu.memory_space<hbm>> -> memref<8x128xi32, #tpu.memory_space<hbm>>
          %dma_wait3A_112 = arith.constant 0 : i32
          %dma_wait3A_113 = tpu.memref_slice %arg6[%multiple_of3A_101, %dma_wait3A_112] : memref<1280x128xi32, #tpu.memory_space<hbm>> -> memref<8x128xi32, #tpu.memory_space<hbm>>
          tpu.wait_dma2 semaphore(%run_scoped3A : memref<!tpu.dma_semaphore, #tpu.memory_space<semaphore_mem>>) src(%dma_wait3A_113 : memref<8x128xi32, #tpu.memory_space<hbm>>) dst(%arg15 : memref<8x128xi32, #tpu.memory_space<vmem>>)
          tpu.yield
        }) : () -> ()
        "tpu.region"() ({
          %run_scoped3A = tpu.sem_alloc : memref<!tpu.dma_semaphore, #tpu.memory_space<semaphore_mem>>
          %dma_start3A = arith.constant 0 : i32
          %dma_start3A_108 = tpu.memref_slice %arg7[%multiple_of3A_101, %dma_start3A] : memref<1280x128xi32, #tpu.memory_space<hbm>> -> memref<8x128xi32, #tpu.memory_space<hbm>>
          %dma_start3A_109 = arith.constant 0 : i32
          %dma_start3A_110 = tpu.memref_slice %arg7[%multiple_of3A_101, %dma_start3A_109] : memref<1280x128xi32, #tpu.memory_space<hbm>> -> memref<8x128xi32, #tpu.memory_space<hbm>>
          tpu.enqueue_dma source(%dma_start3A_110 : memref<8x128xi32, #tpu.memory_space<hbm>>) target(%arg16 : memref<8x128xi32, #tpu.memory_space<vmem>>) target_semaphore(%run_scoped3A : memref<!tpu.dma_semaphore, #tpu.memory_space<semaphore_mem>>)
          %dma_wait3A = arith.constant 0 : i32
          %dma_wait3A_111 = tpu.memref_slice %arg7[%multiple_of3A_101, %dma_wait3A] : memref<1280x128xi32, #tpu.memory_space<hbm>> -> memref<8x128xi32, #tpu.memory_space<hbm>>
          %dma_wait3A_112 = arith.constant 0 : i32
          %dma_wait3A_113 = tpu.memref_slice %arg7[%multiple_of3A_101, %dma_wait3A_112] : memref<1280x128xi32, #tpu.memory_space<hbm>> -> memref<8x128xi32, #tpu.memory_space<hbm>>
          tpu.wait_dma2 semaphore(%run_scoped3A : memref<!tpu.dma_semaphore, #tpu.memory_space<semaphore_mem>>) src(%dma_wait3A_113 : memref<8x128xi32, #tpu.memory_space<hbm>>) dst(%arg16 : memref<8x128xi32, #tpu.memory_space<vmem>>)
          tpu.yield
        }) : () -> ()
        %scan3A_102 = arith.constant 0 : i32
        %scan3A_103 = arith.constant 0 : i32
        %scan3A_104 = arith.constant 8 : i32
        %scan3A_105 = arith.addi %scan3A_103, %scan3A_104 : i32
        %scan3A_106 = arith.constant 1 : i32
        scf.for %scan3A_108 = %scan3A_103 to %scan3A_105 step %scan3A_106  : i32 {
          %dma_start3A = arith.constant 0 : i32
          %dma_start3A_109 = tpu.memref_slice %arg15[%scan3A_108, %dma_start3A] : memref<8x128xi32, #tpu.memory_space<vmem>> -> memref<1x128xi32, #tpu.memory_space<vmem>>
          %dma_start3A_110 = tpu.memref_squeeze %dma_start3A_109 : memref<1x128xi32, #tpu.memory_space<vmem>> -> memref<128xi32, #tpu.memory_space<vmem>>
          %dma_start3A_111 = arith.constant 0 : i32
          %dma_start3A_112 = arith.constant 0 : i32
          %dma_start3A_113 = tpu.memref_slice %arg4[%dma_start3A_111, %dma_start3A_112] : memref<10240x128xf32, #tpu.memory_space<hbm>> -> memref<10240x128xf32, #tpu.memory_space<hbm>>
          tpu.enqueue_indirect_dma source(%dma_start3A_113 : memref<10240x128xf32, #tpu.memory_space<hbm>>) target(%arg17 : memref<128x128xf32, #tpu.memory_space<vmem>>) offsets(%dma_start3A_110 : memref<128xi32, #tpu.memory_space<vmem>>) semaphore(%arg18 : memref<!tpu.dma_semaphore, #tpu.memory_space<semaphore_mem>>)
          %dma_wait3A = arith.constant 0 : i32
          %dma_wait3A_114 = tpu.memref_slice %arg15[%scan3A_108, %dma_wait3A] : memref<8x128xi32, #tpu.memory_space<vmem>> -> memref<1x128xi32, #tpu.memory_space<vmem>>
          %dma_wait3A_115 = tpu.memref_squeeze %dma_wait3A_114 : memref<1x128xi32, #tpu.memory_space<vmem>> -> memref<128xi32, #tpu.memory_space<vmem>>
          %dma_wait3A_116 = arith.constant 0 : i32
          %dma_wait3A_117 = arith.constant 0 : i32
          %dma_wait3A_118 = tpu.memref_slice %arg4[%dma_wait3A_116, %dma_wait3A_117] : memref<10240x128xf32, #tpu.memory_space<hbm>> -> memref<10240x128xf32, #tpu.memory_space<hbm>>
          tpu.wait_indirect_dma semaphore(%arg18 : memref<!tpu.dma_semaphore, #tpu.memory_space<semaphore_mem>>) src(%dma_wait3A_118 : memref<10240x128xf32, #tpu.memory_space<hbm>>) dst(%arg17 : memref<128x128xf32, #tpu.memory_space<vmem>>)
          "tpu.region"() ({
            %run_scoped3A = tpu.sem_alloc : memref<!tpu.dma_semaphore, #tpu.memory_space<semaphore_mem>>
            %dma_start3A_119 = arith.constant 0 : i32
            %dma_start3A_120 = tpu.memref_slice %arg16[%scan3A_108, %dma_start3A_119] : memref<8x128xi32, #tpu.memory_space<vmem>> -> memref<1x128xi32, #tpu.memory_space<vmem>>
            %dma_start3A_121 = tpu.memref_squeeze %dma_start3A_120 : memref<1x128xi32, #tpu.memory_space<vmem>> -> memref<128xi32, #tpu.memory_space<vmem>>
            %dma_start3A_122 = arith.constant 0 : i32
            %dma_start3A_123 = arith.constant 0 : i32
            %dma_start3A_124 = tpu.memref_slice %arg14[%dma_start3A_122, %dma_start3A_123] : memref<10256x128xf32, #tpu.memory_space<vmem_shared>> -> memref<10256x128xf32, #tpu.memory_space<vmem_shared>>
            tpu.enqueue_indirect_dma source(%arg17 : memref<128x128xf32, #tpu.memory_space<vmem>>) target(%dma_start3A_124 : memref<10256x128xf32, #tpu.memory_space<vmem_shared>>) offsets(%dma_start3A_121 : memref<128xi32, #tpu.memory_space<vmem>>) semaphore(%run_scoped3A : memref<!tpu.dma_semaphore, #tpu.memory_space<semaphore_mem>>) {add = true}
            %dma_wait3A_125 = arith.constant 0 : i32
            %dma_wait3A_126 = tpu.memref_slice %arg16[%scan3A_108, %dma_wait3A_125] : memref<8x128xi32, #tpu.memory_space<vmem>> -> memref<1x128xi32, #tpu.memory_space<vmem>>
            %dma_wait3A_127 = tpu.memref_squeeze %dma_wait3A_126 : memref<1x128xi32, #tpu.memory_space<vmem>> -> memref<128xi32, #tpu.memory_space<vmem>>
            %dma_wait3A_128 = arith.constant 0 : i32
            %dma_wait3A_129 = arith.constant 0 : i32
            %dma_wait3A_130 = tpu.memref_slice %arg14[%dma_wait3A_128, %dma_wait3A_129] : memref<10256x128xf32, #tpu.memory_space<vmem_shared>> -> memref<10256x128xf32, #tpu.memory_space<vmem_shared>>
            tpu.wait_indirect_dma semaphore(%run_scoped3A : memref<!tpu.dma_semaphore, #tpu.memory_space<semaphore_mem>>) src(%arg17 : memref<128x128xf32, #tpu.memory_space<vmem>>) dst(%dma_wait3A_130 : memref<10256x128xf32, #tpu.memory_space<vmem_shared>>)
            tpu.yield
          }) : () -> ()
        }
        %scan3A_107 = arith.constant 8 : i32
      }
      %scan3A_96 = arith.constant 10 : i32
    } else {
    }
    %eq3A_74 = arith.constant 1 : i32
    %eq3A_75 = arith.cmpi eq, %arg0, %eq3A_74 : i32
    %convert_element_type3A_76 = arith.extui %eq3A_75 : i1 to i32
    %cond3A_77 = arith.constant 0 : i32
    %cond3A_78 = arith.cmpi ne, %convert_element_type3A_76, %cond3A_77 : i32
    scf.if %cond3A_78 {
      %mul3A_90 = arith.constant 80 : i32
      %mul3A_91 = arith.muli %arg1, %mul3A_90 : i32
      %scan3A = arith.constant 0 : i32
      %scan3A_92 = arith.constant 0 : i32
      %scan3A_93 = arith.constant 10 : i32
      %scan3A_94 = arith.addi %scan3A_92, %scan3A_93 : i32
      %scan3A_95 = arith.constant 1 : i32
      scf.for %scan3A_97 = %scan3A_92 to %scan3A_94 step %scan3A_95  : i32 {
        %mul3A_98 = arith.constant 8 : i32
        %mul3A_99 = arith.muli %scan3A_97, %mul3A_98 : i32
        %add3A_100 = arith.addi %mul3A_91, %mul3A_99 : i32
        %multiple_of3A_101 = tpu.assume_multiple %add3A_100, 8 : i32
        "tpu.region"() ({
          %run_scoped3A = tpu.sem_alloc : memref<!tpu.dma_semaphore, #tpu.memory_space<semaphore_mem>>
          %dma_start3A = arith.constant 0 : i32
          %dma_start3A_108 = tpu.memref_slice %arg6[%multiple_of3A_101, %dma_start3A] : memref<1280x128xi32, #tpu.memory_space<hbm>> -> memref<8x128xi32, #tpu.memory_space<hbm>>
          %dma_start3A_109 = arith.constant 0 : i32
          %dma_start3A_110 = tpu.memref_slice %arg6[%multiple_of3A_101, %dma_start3A_109] : memref<1280x128xi32, #tpu.memory_space<hbm>> -> memref<8x128xi32, #tpu.memory_space<hbm>>
          tpu.enqueue_dma source(%dma_start3A_110 : memref<8x128xi32, #tpu.memory_space<hbm>>) target(%arg15 : memref<8x128xi32, #tpu.memory_space<vmem>>) target_semaphore(%run_scoped3A : memref<!tpu.dma_semaphore, #tpu.memory_space<semaphore_mem>>)
          %dma_wait3A = arith.constant 0 : i32
          %dma_wait3A_111 = tpu.memref_slice %arg6[%multiple_of3A_101, %dma_wait3A] : memref<1280x128xi32, #tpu.memory_space<hbm>> -> memref<8x128xi32, #tpu.memory_space<hbm>>
          %dma_wait3A_112 = arith.constant 0 : i32
          %dma_wait3A_113 = tpu.memref_slice %arg6[%multiple_of3A_101, %dma_wait3A_112] : memref<1280x128xi32, #tpu.memory_space<hbm>> -> memref<8x128xi32, #tpu.memory_space<hbm>>
          tpu.wait_dma2 semaphore(%run_scoped3A : memref<!tpu.dma_semaphore, #tpu.memory_space<semaphore_mem>>) src(%dma_wait3A_113 : memref<8x128xi32, #tpu.memory_space<hbm>>) dst(%arg15 : memref<8x128xi32, #tpu.memory_space<vmem>>)
          tpu.yield
        }) : () -> ()
        "tpu.region"() ({
          %run_scoped3A = tpu.sem_alloc : memref<!tpu.dma_semaphore, #tpu.memory_space<semaphore_mem>>
          %dma_start3A = arith.constant 0 : i32
          %dma_start3A_108 = tpu.memref_slice %arg7[%multiple_of3A_101, %dma_start3A] : memref<1280x128xi32, #tpu.memory_space<hbm>> -> memref<8x128xi32, #tpu.memory_space<hbm>>
          %dma_start3A_109 = arith.constant 0 : i32
          %dma_start3A_110 = tpu.memref_slice %arg7[%multiple_of3A_101, %dma_start3A_109] : memref<1280x128xi32, #tpu.memory_space<hbm>> -> memref<8x128xi32, #tpu.memory_space<hbm>>
          tpu.enqueue_dma source(%dma_start3A_110 : memref<8x128xi32, #tpu.memory_space<hbm>>) target(%arg16 : memref<8x128xi32, #tpu.memory_space<vmem>>) target_semaphore(%run_scoped3A : memref<!tpu.dma_semaphore, #tpu.memory_space<semaphore_mem>>)
          %dma_wait3A = arith.constant 0 : i32
          %dma_wait3A_111 = tpu.memref_slice %arg7[%multiple_of3A_101, %dma_wait3A] : memref<1280x128xi32, #tpu.memory_space<hbm>> -> memref<8x128xi32, #tpu.memory_space<hbm>>
          %dma_wait3A_112 = arith.constant 0 : i32
          %dma_wait3A_113 = tpu.memref_slice %arg7[%multiple_of3A_101, %dma_wait3A_112] : memref<1280x128xi32, #tpu.memory_space<hbm>> -> memref<8x128xi32, #tpu.memory_space<hbm>>
          tpu.wait_dma2 semaphore(%run_scoped3A : memref<!tpu.dma_semaphore, #tpu.memory_space<semaphore_mem>>) src(%dma_wait3A_113 : memref<8x128xi32, #tpu.memory_space<hbm>>) dst(%arg16 : memref<8x128xi32, #tpu.memory_space<vmem>>)
          tpu.yield
        }) : () -> ()
        %scan3A_102 = arith.constant 0 : i32
        %scan3A_103 = arith.constant 0 : i32
        %scan3A_104 = arith.constant 8 : i32
        %scan3A_105 = arith.addi %scan3A_103, %scan3A_104 : i32
        %scan3A_106 = arith.constant 1 : i32
        scf.for %scan3A_108 = %scan3A_103 to %scan3A_105 step %scan3A_106  : i32 {
          %dma_start3A = arith.constant 0 : i32
          %dma_start3A_109 = tpu.memref_slice %arg15[%scan3A_108, %dma_start3A] : memref<8x128xi32, #tpu.memory_space<vmem>> -> memref<1x128xi32, #tpu.memory_space<vmem>>
          %dma_start3A_110 = tpu.memref_squeeze %dma_start3A_109 : memref<1x128xi32, #tpu.memory_space<vmem>> -> memref<128xi32, #tpu.memory_space<vmem>>
          %dma_start3A_111 = arith.constant 0 : i32
          %dma_start3A_112 = arith.constant 0 : i32
          %dma_start3A_113 = tpu.memref_slice %arg5[%dma_start3A_111, %dma_start3A_112] : memref<10240x128xf32, #tpu.memory_space<hbm>> -> memref<10240x128xf32, #tpu.memory_space<hbm>>
          tpu.enqueue_indirect_dma source(%dma_start3A_113 : memref<10240x128xf32, #tpu.memory_space<hbm>>) target(%arg17 : memref<128x128xf32, #tpu.memory_space<vmem>>) offsets(%dma_start3A_110 : memref<128xi32, #tpu.memory_space<vmem>>) semaphore(%arg18 : memref<!tpu.dma_semaphore, #tpu.memory_space<semaphore_mem>>)
          %dma_wait3A = arith.constant 0 : i32
          %dma_wait3A_114 = tpu.memref_slice %arg15[%scan3A_108, %dma_wait3A] : memref<8x128xi32, #tpu.memory_space<vmem>> -> memref<1x128xi32, #tpu.memory_space<vmem>>
          %dma_wait3A_115 = tpu.memref_squeeze %dma_wait3A_114 : memref<1x128xi32, #tpu.memory_space<vmem>> -> memref<128xi32, #tpu.memory_space<vmem>>
          %dma_wait3A_116 = arith.constant 0 : i32
          %dma_wait3A_117 = arith.constant 0 : i32
          %dma_wait3A_118 = tpu.memref_slice %arg5[%dma_wait3A_116, %dma_wait3A_117] : memref<10240x128xf32, #tpu.memory_space<hbm>> -> memref<10240x128xf32, #tpu.memory_space<hbm>>
          tpu.wait_indirect_dma semaphore(%arg18 : memref<!tpu.dma_semaphore, #tpu.memory_space<semaphore_mem>>) src(%dma_wait3A_118 : memref<10240x128xf32, #tpu.memory_space<hbm>>) dst(%arg17 : memref<128x128xf32, #tpu.memory_space<vmem>>)
          "tpu.region"() ({
            %run_scoped3A = tpu.sem_alloc : memref<!tpu.dma_semaphore, #tpu.memory_space<semaphore_mem>>
            %dma_start3A_119 = arith.constant 0 : i32
            %dma_start3A_120 = tpu.memref_slice %arg16[%scan3A_108, %dma_start3A_119] : memref<8x128xi32, #tpu.memory_space<vmem>> -> memref<1x128xi32, #tpu.memory_space<vmem>>
            %dma_start3A_121 = tpu.memref_squeeze %dma_start3A_120 : memref<1x128xi32, #tpu.memory_space<vmem>> -> memref<128xi32, #tpu.memory_space<vmem>>
            %dma_start3A_122 = arith.constant 0 : i32
            %dma_start3A_123 = arith.constant 0 : i32
            %dma_start3A_124 = tpu.memref_slice %arg14[%dma_start3A_122, %dma_start3A_123] : memref<10256x128xf32, #tpu.memory_space<vmem_shared>> -> memref<10256x128xf32, #tpu.memory_space<vmem_shared>>
            tpu.enqueue_indirect_dma source(%arg17 : memref<128x128xf32, #tpu.memory_space<vmem>>) target(%dma_start3A_124 : memref<10256x128xf32, #tpu.memory_space<vmem_shared>>) offsets(%dma_start3A_121 : memref<128xi32, #tpu.memory_space<vmem>>) semaphore(%run_scoped3A : memref<!tpu.dma_semaphore, #tpu.memory_space<semaphore_mem>>) {add = true}
            %dma_wait3A_125 = arith.constant 0 : i32
            %dma_wait3A_126 = tpu.memref_slice %arg16[%scan3A_108, %dma_wait3A_125] : memref<8x128xi32, #tpu.memory_space<vmem>> -> memref<1x128xi32, #tpu.memory_space<vmem>>
            %dma_wait3A_127 = tpu.memref_squeeze %dma_wait3A_126 : memref<1x128xi32, #tpu.memory_space<vmem>> -> memref<128xi32, #tpu.memory_space<vmem>>
            %dma_wait3A_128 = arith.constant 0 : i32
            %dma_wait3A_129 = arith.constant 0 : i32
            %dma_wait3A_130 = tpu.memref_slice %arg14[%dma_wait3A_128, %dma_wait3A_129] : memref<10256x128xf32, #tpu.memory_space<vmem_shared>> -> memref<10256x128xf32, #tpu.memory_space<vmem_shared>>
            tpu.wait_indirect_dma semaphore(%run_scoped3A : memref<!tpu.dma_semaphore, #tpu.memory_space<semaphore_mem>>) src(%arg17 : memref<128x128xf32, #tpu.memory_space<vmem>>) dst(%dma_wait3A_130 : memref<10256x128xf32, #tpu.memory_space<vmem_shared>>)
            tpu.yield
          }) : () -> ()
        }
        %scan3A_107 = arith.constant 8 : i32
      }
      %scan3A_96 = arith.constant 10 : i32
    } else {
    }
    %barrier3A_79 = arith.constant 0 : index
    tpu.barrier barrier_id(%barrier3A_79)
    %eq3A_80 = arith.constant 0 : i32
    %eq3A_81 = arith.cmpi eq, %arg0, %eq3A_80 : i32
    %convert_element_type3A_82 = arith.extui %eq3A_81 : i1 to i32
    %cond3A_83 = arith.constant 0 : i32
    %cond3A_84 = arith.cmpi ne, %convert_element_type3A_82, %cond3A_83 : i32
    scf.if %cond3A_84 {
      "tpu.region"() ({
        %run_scoped3A = tpu.sem_alloc : memref<!tpu.dma_semaphore, #tpu.memory_space<semaphore_mem>>
        %dma_start3A = arith.constant 0 : i32
        %dma_start3A_90 = tpu.memref_slice %arg12[%multiple_of3A, %dma_start3A] : memref<10240x128xf32, #tpu.memory_space<hbm>> -> memref<640x128xf32, #tpu.memory_space<hbm>>
        %dma_start3A_91 = arith.constant 0 : i32
        %dma_start3A_92 = tpu.memref_slice %arg14[%multiple_of3A, %dma_start3A_91] : memref<10256x128xf32, #tpu.memory_space<vmem_shared>> -> memref<640x128xf32, #tpu.memory_space<vmem_shared>>
        tpu.enqueue_dma source(%dma_start3A_92 : memref<640x128xf32, #tpu.memory_space<vmem_shared>>) target(%dma_start3A_90 : memref<640x128xf32, #tpu.memory_space<hbm>>) target_semaphore(%run_scoped3A : memref<!tpu.dma_semaphore, #tpu.memory_space<semaphore_mem>>)
        %dma_wait3A = arith.constant 0 : i32
        %dma_wait3A_93 = tpu.memref_slice %arg12[%multiple_of3A, %dma_wait3A] : memref<10240x128xf32, #tpu.memory_space<hbm>> -> memref<640x128xf32, #tpu.memory_space<hbm>>
        %dma_wait3A_94 = arith.constant 0 : i32
        %dma_wait3A_95 = tpu.memref_slice %arg14[%multiple_of3A, %dma_wait3A_94] : memref<10256x128xf32, #tpu.memory_space<vmem_shared>> -> memref<640x128xf32, #tpu.memory_space<vmem_shared>>
        tpu.wait_dma2 semaphore(%run_scoped3A : memref<!tpu.dma_semaphore, #tpu.memory_space<semaphore_mem>>) src(%dma_wait3A_95 : memref<640x128xf32, #tpu.memory_space<vmem_shared>>) dst(%dma_wait3A_93 : memref<640x128xf32, #tpu.memory_space<hbm>>)
        tpu.yield
      }) : () -> ()
    } else {
    }
    %eq3A_85 = arith.constant 1 : i32
    %eq3A_86 = arith.cmpi eq, %arg0, %eq3A_85 : i32
    %convert_element_type3A_87 = arith.extui %eq3A_86 : i1 to i32
    %cond3A_88 = arith.constant 0 : i32
    %cond3A_89 = arith.cmpi ne, %convert_element_type3A_87, %cond3A_88 : i32
    scf.if %cond3A_89 {
      "tpu.region"() ({
        %run_scoped3A = tpu.sem_alloc : memref<!tpu.dma_semaphore, #tpu.memory_space<semaphore_mem>>
        %dma_start3A = arith.constant 0 : i32
        %dma_start3A_90 = tpu.memref_slice %arg13[%multiple_of3A, %dma_start3A] : memref<10240x128xf32, #tpu.memory_space<hbm>> -> memref<640x128xf32, #tpu.memory_space<hbm>>
        %dma_start3A_91 = arith.constant 0 : i32
        %dma_start3A_92 = tpu.memref_slice %arg14[%multiple_of3A, %dma_start3A_91] : memref<10256x128xf32, #tpu.memory_space<vmem_shared>> -> memref<640x128xf32, #tpu.memory_space<vmem_shared>>
        tpu.enqueue_dma source(%dma_start3A_92 : memref<640x128xf32, #tpu.memory_space<vmem_shared>>) target(%dma_start3A_90 : memref<640x128xf32, #tpu.memory_space<hbm>>) target_semaphore(%run_scoped3A : memref<!tpu.dma_semaphore, #tpu.memory_space<semaphore_mem>>)
        %dma_wait3A = arith.constant 0 : i32
        %dma_wait3A_93 = tpu.memref_slice %arg13[%multiple_of3A, %dma_wait3A] : memref<10240x128xf32, #tpu.memory_space<hbm>> -> memref<640x128xf32, #tpu.memory_space<hbm>>
        %dma_wait3A_94 = arith.constant 0 : i32
        %dma_wait3A_95 = tpu.memref_slice %arg14[%multiple_of3A, %dma_wait3A_94] : memref<10256x128xf32, #tpu.memory_space<vmem_shared>> -> memref<640x128xf32, #tpu.memory_space<vmem_shared>>
        tpu.wait_dma2 semaphore(%run_scoped3A : memref<!tpu.dma_semaphore, #tpu.memory_space<semaphore_mem>>) src(%dma_wait3A_95 : memref<640x128xf32, #tpu.memory_space<vmem_shared>>) dst(%dma_wait3A_93 : memref<640x128xf32, #tpu.memory_space<hbm>>)
        tpu.yield
      }) : () -> ()
    } else {
    }
    return
  }
}

module attributes {stable_mosaic.version = 14 : i64} {
  func.func @body(%arg0: i32, %arg1: memref<1024x128xf32, #tpu.memory_space<vmem>>, %arg2: memref<1024x128xf32, #tpu.memory_space<vmem>>, %arg3: memref<1024x128xf32, #tpu.memory_space<vmem>>, %arg4: memref<1024x128xf32, #tpu.memory_space<vmem>>, %arg5: memref<1024x256xf32, #tpu.memory_space<vmem>>, %arg6: memref<512x256xf32, #tpu.memory_space<vmem>>, %arg7: memref<512x256xf32, #tpu.memory_space<vmem>>, %arg8: memref<1x512xf32, #tpu.memory_space<vmem>>, %arg9: memref<1024x128xf32, #tpu.memory_space<vmem>>, %arg10: memref<1024x128xf32, #tpu.memory_space<vmem>>, %arg11: memref<1024x128xf32, #tpu.memory_space<vmem>>, %arg12: memref<1024x128xf32, #tpu.memory_space<vmem>>) attributes {dimension_semantics = [#tpu.dimension_semantics<arbitrary>], iteration_bounds = array<i64: 10>, scalar_prefetch = 0 : i64, scratch_operands = 0 : i64, tpu.core_type = #tpu.core_type<tc>, window_params = [{transform_indices = @transform_0, window_bounds = array<i64: 1024, 128>}, {transform_indices = @transform_1, window_bounds = array<i64: 1024, 128>}, {transform_indices = @transform_2, window_bounds = array<i64: 1024, 128>}, {transform_indices = @transform_3, window_bounds = array<i64: 1024, 128>}, {transform_indices = @transform_4, window_bounds = array<i64: 1024, 256>}, {pipeline_mode = #tpu.pipeline_mode<synchronous>, transform_indices = @transform_5, window_bounds = array<i64: 512, 256>}, {pipeline_mode = #tpu.pipeline_mode<synchronous>, transform_indices = @transform_6, window_bounds = array<i64: 512, 256>}, {pipeline_mode = #tpu.pipeline_mode<synchronous>, transform_indices = @transform_7, window_bounds = array<i64: 1, 512>}, {transform_indices = @transform_8, window_bounds = array<i64: 1024, 128>}, {transform_indices = @transform_9, window_bounds = array<i64: 1024, 128>}, {transform_indices = @transform_10, window_bounds = array<i64: 1024, 128>}, {transform_indices = @transform_11, window_bounds = array<i64: 1024, 128>}]} {
    %get3A = arith.constant 0 : index
    %get3A_0 = arith.constant 0 : index
    %get3A_1 = vector.load %arg3[%get3A, %get3A_0] : memref<1024x128xf32, #tpu.memory_space<vmem>>, vector<1024x1xf32>
    %get3A_2 = arith.constant 0 : index
    %get3A_3 = arith.constant 0 : index
    %get3A_4 = vector.load %arg4[%get3A_2, %get3A_3] : memref<1024x128xf32, #tpu.memory_space<vmem>>, vector<1024x1xf32>
    %add3A = arith.addf %get3A_1, %get3A_4 : vector<1024x1xf32>
    %jit3A = arith.constant 1.000000e+00 : f32
    %max3A = vector.broadcast %jit3A : f32 to vector<1024x1xf32>
    %max3A_5 = arith.maximumf %max3A, %add3A : vector<1024x1xf32>
    %div3A = arith.constant 1.000000e+00 : f32
    %div3A_6 = vector.broadcast %div3A : f32 to vector<1024x1xf32>
    %div3A_7 = arith.divf %div3A_6, %max3A_5 : vector<1024x1xf32>
    %get3A_8 = arith.constant 0 : index
    %get3A_9 = arith.constant 0 : index
    %get3A_10 = vector.load %arg1[%get3A_8, %get3A_9] : memref<1024x128xf32, #tpu.memory_space<vmem>>, vector<1024x128xf32>
    %get3A_11 = arith.constant 0 : index
    %get3A_12 = arith.constant 0 : index
    %get3A_13 = vector.load %arg2[%get3A_11, %get3A_12] : memref<1024x128xf32, #tpu.memory_space<vmem>>, vector<1024x128xf32>
    %concatenate3A = tpu.concatenate %get3A_10, %get3A_13 in 1 : vector<1024x128xf32>, vector<1024x128xf32> -> vector<1024x256xf32>
    %mul3A = vector.broadcast %div3A_7 : vector<1024x1xf32> to vector<1024x256xf32>
    %mul3A_14 = arith.mulf %concatenate3A, %mul3A : vector<1024x256xf32>
    %get3A_15 = arith.constant 0 : index
    %get3A_16 = arith.constant 0 : index
    %get3A_17 = vector.load %arg6[%get3A_15, %get3A_16] : memref<512x256xf32, #tpu.memory_space<vmem>>, vector<512x256xf32>
    %dot_general3A = arith.constant dense<0.000000e+00> : vector<1024x512xf32>
    %dot_general3A_18 = tpu.matmul %mul3A_14, %get3A_17, %dot_general3A {dimension_numbers = #tpu.dot_dimension_numbers<[1], [1], [0], [0], [0, 0, 1, 0], [], []>, transpose_lhs_hint = false} : vector<1024x256xf32>, vector<512x256xf32>, vector<1024x512xf32> -> vector<1024x512xf32>
    %get3A_19 = arith.constant 0 : index
    %get3A_20 = arith.constant 0 : index
    %get3A_21 = vector.load %arg5[%get3A_19, %get3A_20] : memref<1024x256xf32, #tpu.memory_space<vmem>>, vector<1024x256xf32>
    %get3A_22 = arith.constant 0 : index
    %get3A_23 = arith.constant 0 : index
    %get3A_24 = vector.load %arg7[%get3A_22, %get3A_23] : memref<512x256xf32, #tpu.memory_space<vmem>>, vector<512x256xf32>
    %dot_general3A_25 = arith.constant dense<0.000000e+00> : vector<1024x512xf32>
    %dot_general3A_26 = tpu.matmul %get3A_21, %get3A_24, %dot_general3A_25 {dimension_numbers = #tpu.dot_dimension_numbers<[1], [1], [0], [0], [0, 0, 1, 0], [], []>, transpose_lhs_hint = false} : vector<1024x256xf32>, vector<512x256xf32>, vector<1024x512xf32> -> vector<1024x512xf32>
    %add3A_27 = arith.addf %dot_general3A_18, %dot_general3A_26 : vector<1024x512xf32>
    %get3A_28 = arith.constant 0 : index
    %get3A_29 = arith.constant 0 : index
    %get3A_30 = vector.load %arg8[%get3A_28, %get3A_29] : memref<1x512xf32, #tpu.memory_space<vmem>>, vector<1x512xf32>
    %add3A_31 = vector.broadcast %get3A_30 : vector<1x512xf32> to vector<1024x512xf32>
    %add3A_32 = arith.addf %add3A_27, %add3A_31 : vector<1024x512xf32>
    %max3A_33 = arith.constant 0.000000e+00 : f32
    %max3A_34 = vector.broadcast %max3A_33 : f32 to vector<1024x512xf32>
    %max3A_35 = arith.maximumf %add3A_32, %max3A_34 : vector<1024x512xf32>
    %slice3A = vector.extract_strided_slice %max3A_35 {offsets = [0, 0], sizes = [1024, 128], strides = [1, 1]} : vector<1024x512xf32> to vector<1024x128xf32>
    %swap3A = arith.constant 0 : index
    %swap3A_36 = arith.constant 0 : index
    %swap3A_37 = vector.load %arg9[%swap3A, %swap3A_36] : memref<1024x128xf32, #tpu.memory_space<vmem>>, vector<1024x128xf32>
    tpu.vector_store %arg9[%swap3A, %swap3A_36], %slice3A {strides = array<i32>} : memref<1024x128xf32, #tpu.memory_space<vmem>>, vector<1024x128xf32>,
    %slice3A_38 = vector.extract_strided_slice %max3A_35 {offsets = [0, 128], sizes = [1024, 128], strides = [1, 1]} : vector<1024x512xf32> to vector<1024x128xf32>
    %swap3A_39 = arith.constant 0 : index
    %swap3A_40 = arith.constant 0 : index
    %swap3A_41 = vector.load %arg10[%swap3A_39, %swap3A_40] : memref<1024x128xf32, #tpu.memory_space<vmem>>, vector<1024x128xf32>
    tpu.vector_store %arg10[%swap3A_39, %swap3A_40], %slice3A_38 {strides = array<i32>} : memref<1024x128xf32, #tpu.memory_space<vmem>>, vector<1024x128xf32>,
    %slice3A_42 = vector.extract_strided_slice %max3A_35 {offsets = [0, 256], sizes = [1024, 128], strides = [1, 1]} : vector<1024x512xf32> to vector<1024x128xf32>
    %swap3A_43 = arith.constant 0 : index
    %swap3A_44 = arith.constant 0 : index
    %swap3A_45 = vector.load %arg11[%swap3A_43, %swap3A_44] : memref<1024x128xf32, #tpu.memory_space<vmem>>, vector<1024x128xf32>
    tpu.vector_store %arg11[%swap3A_43, %swap3A_44], %slice3A_42 {strides = array<i32>} : memref<1024x128xf32, #tpu.memory_space<vmem>>, vector<1024x128xf32>,
    %slice3A_46 = vector.extract_strided_slice %max3A_35 {offsets = [0, 384], sizes = [1024, 128], strides = [1, 1]} : vector<1024x512xf32> to vector<1024x128xf32>
    %swap3A_47 = arith.constant 0 : index
    %swap3A_48 = arith.constant 0 : index
    %swap3A_49 = vector.load %arg12[%swap3A_47, %swap3A_48] : memref<1024x128xf32, #tpu.memory_space<vmem>>, vector<1024x128xf32>
    tpu.vector_store %arg12[%swap3A_47, %swap3A_48], %slice3A_46 {strides = array<i32>} : memref<1024x128xf32, #tpu.memory_space<vmem>>, vector<1024x128xf32>,
    return
  }
  func.func @transform_0(%arg0: i32) -> (i32, i32) {
    %c0_i32 = arith.constant 0 : i32
    %c0_i32_0 = arith.constant 0 : i32
    return %arg0, %c0_i32 : i32, i32
  }
  func.func @transform_1(%arg0: i32) -> (i32, i32) {
    %c0_i32 = arith.constant 0 : i32
    %c0_i32_0 = arith.constant 0 : i32
    return %arg0, %c0_i32 : i32, i32
  }
  func.func @transform_2(%arg0: i32) -> (i32, i32) {
    %c0_i32 = arith.constant 0 : i32
    %c0_i32_0 = arith.constant 0 : i32
    return %arg0, %c0_i32 : i32, i32
  }
  func.func @transform_3(%arg0: i32) -> (i32, i32) {
    %c0_i32 = arith.constant 0 : i32
    %c0_i32_0 = arith.constant 0 : i32
    return %arg0, %c0_i32 : i32, i32
  }
  func.func @transform_4(%arg0: i32) -> (i32, i32) {
    %c0_i32 = arith.constant 0 : i32
    %c0_i32_0 = arith.constant 0 : i32
    return %arg0, %c0_i32 : i32, i32
  }
  func.func @transform_5(%arg0: i32) -> (i32, i32) {
    %c0_i32 = arith.constant 0 : i32
    %c0_i32_0 = arith.constant 0 : i32
    %c0_i32_1 = arith.constant 0 : i32
    return %c0_i32, %c0_i32_0 : i32, i32
  }
  func.func @transform_6(%arg0: i32) -> (i32, i32) {
    %c0_i32 = arith.constant 0 : i32
    %c0_i32_0 = arith.constant 0 : i32
    %c0_i32_1 = arith.constant 0 : i32
    return %c0_i32, %c0_i32_0 : i32, i32
  }
  func.func @transform_7(%arg0: i32) -> (i32, i32) {
    %c0_i32 = arith.constant 0 : i32
    %c0_i32_0 = arith.constant 0 : i32
    %c0_i32_1 = arith.constant 0 : i32
    return %c0_i32, %c0_i32_0 : i32, i32
  }
  func.func @transform_8(%arg0: i32) -> (i32, i32) {
    %c0_i32 = arith.constant 0 : i32
    %c0_i32_0 = arith.constant 0 : i32
    return %arg0, %c0_i32 : i32, i32
  }
  func.func @transform_9(%arg0: i32) -> (i32, i32) {
    %c0_i32 = arith.constant 0 : i32
    %c0_i32_0 = arith.constant 0 : i32
    return %arg0, %c0_i32 : i32, i32
  }
  func.func @transform_10(%arg0: i32) -> (i32, i32) {
    %c0_i32 = arith.constant 0 : i32
    %c0_i32_0 = arith.constant 0 : i32
    return %arg0, %c0_i32 : i32, i32
  }
  func.func @transform_11(%arg0: i32) -> (i32, i32) {
    %c0_i32 = arith.constant 0 : i32
    %c0_i32_0 = arith.constant 0 : i32
    return %arg0, %c0_i32 : i32, i32
  }
}

module attributes {stable_mosaic.version = 14 : i64} {
  func.func @body(%arg0: i32, %arg1: memref<1024x128xf32, #tpu.memory_space<vmem>>, %arg2: memref<1024x128xf32, #tpu.memory_space<vmem>>, %arg3: memref<1024x128xf32, #tpu.memory_space<vmem>>, %arg4: memref<1024x128xf32, #tpu.memory_space<vmem>>, %arg5: memref<1024x128xf32, #tpu.memory_space<vmem>>, %arg6: memref<1024x128xf32, #tpu.memory_space<vmem>>, %arg7: memref<1024x128xf32, #tpu.memory_space<vmem>>, %arg8: memref<1024x128xf32, #tpu.memory_space<vmem>>, %arg9: memref<1024x128xf32, #tpu.memory_space<vmem>>, %arg10: memref<1024x128xf32, #tpu.memory_space<vmem>>, %arg11: memref<1024x1xi32, #tpu.memory_space<vmem>>, %arg12: memref<512x512xf32, #tpu.memory_space<vmem>>, %arg13: memref<512x512xf32, #tpu.memory_space<vmem>>, %arg14: memref<1x512xf32, #tpu.memory_space<vmem>>, %arg15: memref<128x512xf32, #tpu.memory_space<vmem>>, %arg16: memref<1x128xf32, #tpu.memory_space<vmem>>, %arg17: memref<64x128xf32, #tpu.memory_space<vmem>>, %arg18: memref<64x512xf32, #tpu.memory_space<vmem>>, %arg19: memref<64x128xf32, #tpu.memory_space<vmem>>) attributes {dimension_semantics = [#tpu.dimension_semantics<arbitrary>], iteration_bounds = array<i64: 10>, scalar_prefetch = 0 : i64, scratch_operands = 2 : i64, tpu.core_type = #tpu.core_type<tc>, window_params = [{transform_indices = @transform_0, window_bounds = array<i64: 1024, 128>}, {transform_indices = @transform_1, window_bounds = array<i64: 1024, 128>}, {transform_indices = @transform_2, window_bounds = array<i64: 1024, 128>}, {transform_indices = @transform_3, window_bounds = array<i64: 1024, 128>}, {transform_indices = @transform_4, window_bounds = array<i64: 1024, 128>}, {transform_indices = @transform_5, window_bounds = array<i64: 1024, 128>}, {transform_indices = @transform_6, window_bounds = array<i64: 1024, 128>}, {transform_indices = @transform_7, window_bounds = array<i64: 1024, 128>}, {transform_indices = @transform_8, window_bounds = array<i64: 1024, 128>}, {transform_indices = @transform_9, window_bounds = array<i64: 1024, 128>}, {transform_indices = @transform_10, window_bounds = array<i64: 1024, 1>}, {pipeline_mode = #tpu.pipeline_mode<synchronous>, transform_indices = @transform_11, window_bounds = array<i64: 512, 512>}, {pipeline_mode = #tpu.pipeline_mode<synchronous>, transform_indices = @transform_12, window_bounds = array<i64: 512, 512>}, {pipeline_mode = #tpu.pipeline_mode<synchronous>, transform_indices = @transform_13, window_bounds = array<i64: 1, 512>}, {pipeline_mode = #tpu.pipeline_mode<synchronous>, transform_indices = @transform_14, window_bounds = array<i64: 128, 512>}, {pipeline_mode = #tpu.pipeline_mode<synchronous>, transform_indices = @transform_15, window_bounds = array<i64: 1, 128>}, {pipeline_mode = #tpu.pipeline_mode<synchronous>, transform_indices = @transform_16, window_bounds = array<i64: 64, 128>}]} {
    %get3A = arith.constant 0 : index
    %get3A_0 = arith.constant 0 : index
    %get3A_1 = vector.load %arg5[%get3A, %get3A_0] : memref<1024x128xf32, #tpu.memory_space<vmem>>, vector<1024x1xf32>
    %get3A_2 = arith.constant 0 : index
    %get3A_3 = arith.constant 0 : index
    %get3A_4 = vector.load %arg6[%get3A_2, %get3A_3] : memref<1024x128xf32, #tpu.memory_space<vmem>>, vector<1024x1xf32>
    %add3A = arith.addf %get3A_1, %get3A_4 : vector<1024x1xf32>
    %jit3A = arith.constant 1.000000e+00 : f32
    %max3A = vector.broadcast %jit3A : f32 to vector<1024x1xf32>
    %max3A_5 = arith.maximumf %max3A, %add3A : vector<1024x1xf32>
    %div3A = arith.constant 1.000000e+00 : f32
    %div3A_6 = vector.broadcast %div3A : f32 to vector<1024x1xf32>
    %div3A_7 = arith.divf %div3A_6, %max3A_5 : vector<1024x1xf32>
    %get3A_8 = arith.constant 0 : index
    %get3A_9 = arith.constant 0 : index
    %get3A_10 = vector.load %arg1[%get3A_8, %get3A_9] : memref<1024x128xf32, #tpu.memory_space<vmem>>, vector<1024x128xf32>
    %get3A_11 = arith.constant 0 : index
    %get3A_12 = arith.constant 0 : index
    %get3A_13 = vector.load %arg2[%get3A_11, %get3A_12] : memref<1024x128xf32, #tpu.memory_space<vmem>>, vector<1024x128xf32>
    %get3A_14 = arith.constant 0 : index
    %get3A_15 = arith.constant 0 : index
    %get3A_16 = vector.load %arg3[%get3A_14, %get3A_15] : memref<1024x128xf32, #tpu.memory_space<vmem>>, vector<1024x128xf32>
    %get3A_17 = arith.constant 0 : index
    %get3A_18 = arith.constant 0 : index
    %get3A_19 = vector.load %arg4[%get3A_17, %get3A_18] : memref<1024x128xf32, #tpu.memory_space<vmem>>, vector<1024x128xf32>
    %concatenate3A = tpu.concatenate %get3A_10, %get3A_13, %get3A_16, %get3A_19 in 1 : vector<1024x128xf32>, vector<1024x128xf32>, vector<1024x128xf32>, vector<1024x128xf32> -> vector<1024x512xf32>
    %mul3A = vector.broadcast %div3A_7 : vector<1024x1xf32> to vector<1024x512xf32>
    %mul3A_20 = arith.mulf %concatenate3A, %mul3A : vector<1024x512xf32>
    %get3A_21 = arith.constant 0 : index
    %get3A_22 = arith.constant 0 : index
    %get3A_23 = vector.load %arg7[%get3A_21, %get3A_22] : memref<1024x128xf32, #tpu.memory_space<vmem>>, vector<1024x128xf32>
    %get3A_24 = arith.constant 0 : index
    %get3A_25 = arith.constant 0 : index
    %get3A_26 = vector.load %arg8[%get3A_24, %get3A_25] : memref<1024x128xf32, #tpu.memory_space<vmem>>, vector<1024x128xf32>
    %get3A_27 = arith.constant 0 : index
    %get3A_28 = arith.constant 0 : index
    %get3A_29 = vector.load %arg9[%get3A_27, %get3A_28] : memref<1024x128xf32, #tpu.memory_space<vmem>>, vector<1024x128xf32>
    %get3A_30 = arith.constant 0 : index
    %get3A_31 = arith.constant 0 : index
    %get3A_32 = vector.load %arg10[%get3A_30, %get3A_31] : memref<1024x128xf32, #tpu.memory_space<vmem>>, vector<1024x128xf32>
    %concatenate3A_33 = tpu.concatenate %get3A_23, %get3A_26, %get3A_29, %get3A_32 in 1 : vector<1024x128xf32>, vector<1024x128xf32>, vector<1024x128xf32>, vector<1024x128xf32> -> vector<1024x512xf32>
    %get3A_34 = arith.constant 0 : index
    %get3A_35 = arith.constant 0 : index
    %get3A_36 = vector.load %arg12[%get3A_34, %get3A_35] : memref<512x512xf32, #tpu.memory_space<vmem>>, vector<512x512xf32>
    %dot_general3A = arith.constant dense<0.000000e+00> : vector<1024x512xf32>
    %dot_general3A_37 = tpu.matmul %mul3A_20, %get3A_36, %dot_general3A {dimension_numbers = #tpu.dot_dimension_numbers<[1], [1], [0], [0], [0, 0, 1, 0], [], []>, transpose_lhs_hint = false} : vector<1024x512xf32>, vector<512x512xf32>, vector<1024x512xf32> -> vector<1024x512xf32>
    %get3A_38 = arith.constant 0 : index
    %get3A_39 = arith.constant 0 : index
    %get3A_40 = vector.load %arg13[%get3A_38, %get3A_39] : memref<512x512xf32, #tpu.memory_space<vmem>>, vector<512x512xf32>
    %dot_general3A_41 = arith.constant dense<0.000000e+00> : vector<1024x512xf32>
    %dot_general3A_42 = tpu.matmul %concatenate3A_33, %get3A_40, %dot_general3A_41 {dimension_numbers = #tpu.dot_dimension_numbers<[1], [1], [0], [0], [0, 0, 1, 0], [], []>, transpose_lhs_hint = false} : vector<1024x512xf32>, vector<512x512xf32>, vector<1024x512xf32> -> vector<1024x512xf32>
    %add3A_43 = arith.addf %dot_general3A_37, %dot_general3A_42 : vector<1024x512xf32>
    %get3A_44 = arith.constant 0 : index
    %get3A_45 = arith.constant 0 : index
    %get3A_46 = vector.load %arg14[%get3A_44, %get3A_45] : memref<1x512xf32, #tpu.memory_space<vmem>>, vector<1x512xf32>
    %add3A_47 = vector.broadcast %get3A_46 : vector<1x512xf32> to vector<1024x512xf32>
    %add3A_48 = arith.addf %add3A_43, %add3A_47 : vector<1024x512xf32>
    %max3A_49 = arith.constant 0.000000e+00 : f32
    %max3A_50 = vector.broadcast %max3A_49 : f32 to vector<1024x512xf32>
    %max3A_51 = arith.maximumf %add3A_48, %max3A_50 : vector<1024x512xf32>
    %get3A_52 = arith.constant 0 : index
    %get3A_53 = arith.constant 0 : index
    %get3A_54 = vector.load %arg11[%get3A_52, %get3A_53] : memref<1024x1xi32, #tpu.memory_space<vmem>>, vector<1024x1xi32>
    %iota3A = tpu.iota {dimensions = array<i32: 1>} : vector<1024x64xi32>
    %eq3A = vector.broadcast %get3A_54 : vector<1024x1xi32> to vector<1024x64xi32>
    %eq3A_55 = arith.cmpi eq, %eq3A, %iota3A : vector<1024x64xi32>
    %convert_element_type3A = arith.extui %eq3A_55 : vector<1024x64xi1> to vector<1024x64xi32>
    %convert_element_type3A_56 = arith.sitofp %convert_element_type3A : vector<1024x64xi32> to vector<1024x64xf32>
    %dot_general3A_57 = arith.constant dense<0.000000e+00> : vector<64x512xf32>
    %dot_general3A_58 = tpu.matmul %convert_element_type3A_56, %max3A_51, %dot_general3A_57 {dimension_numbers = #tpu.dot_dimension_numbers<[0], [0], [1], [1], [0, 1, 1, 1], [], []>, transpose_lhs_hint = false} : vector<1024x64xf32>, vector<1024x512xf32>, vector<64x512xf32> -> vector<64x512xf32>
    %broadcast_in_dim3A = arith.constant 1.000000e+00 : f32
    %broadcast_in_dim3A_59 = vector.broadcast %broadcast_in_dim3A : f32 to vector<1024x128xf32>
    %dot_general3A_60 = arith.constant dense<0.000000e+00> : vector<64x128xf32>
    %dot_general3A_61 = tpu.matmul %convert_element_type3A_56, %broadcast_in_dim3A_59, %dot_general3A_60 {dimension_numbers = #tpu.dot_dimension_numbers<[0], [0], [1], [1], [0, 1, 1, 1], [], []>, transpose_lhs_hint = false} : vector<1024x64xf32>, vector<1024x128xf32>, vector<64x128xf32> -> vector<64x128xf32>
    %eq3A_62 = arith.constant 0 : i32
    %eq3A_63 = arith.cmpi eq, %arg0, %eq3A_62 : i32
    %convert_element_type3A_64 = arith.extui %eq3A_63 : i1 to i32
    %cond3A = arith.constant 0 : i32
    %cond3A_65 = arith.cmpi ne, %convert_element_type3A_64, %cond3A : i32
    scf.if %cond3A_65 {
      %swap3A = arith.constant 0 : index
      %swap3A_75 = arith.constant 0 : index
      %swap3A_76 = vector.load %arg18[%swap3A, %swap3A_75] : memref<64x512xf32, #tpu.memory_space<vmem>>, vector<64x512xf32>
      tpu.vector_store %arg18[%swap3A, %swap3A_75], %dot_general3A_58 {strides = array<i32>} : memref<64x512xf32, #tpu.memory_space<vmem>>, vector<64x512xf32>,
      %swap3A_77 = arith.constant 0 : index
      %swap3A_78 = arith.constant 0 : index
      %swap3A_79 = vector.load %arg19[%swap3A_77, %swap3A_78] : memref<64x128xf32, #tpu.memory_space<vmem>>, vector<64x128xf32>
      tpu.vector_store %arg19[%swap3A_77, %swap3A_78], %dot_general3A_61 {strides = array<i32>} : memref<64x128xf32, #tpu.memory_space<vmem>>, vector<64x128xf32>,
    } else {
    }
    %gt3A = arith.constant 0 : i32
    %gt3A_66 = arith.cmpi sgt, %arg0, %gt3A : i32
    %convert_element_type3A_67 = arith.extui %gt3A_66 : i1 to i32
    %cond3A_68 = arith.constant 0 : i32
    %cond3A_69 = arith.cmpi ne, %convert_element_type3A_67, %cond3A_68 : i32
    scf.if %cond3A_69 {
      %get3A_75 = arith.constant 0 : index
      %get3A_76 = arith.constant 0 : index
      %get3A_77 = vector.load %arg18[%get3A_75, %get3A_76] : memref<64x512xf32, #tpu.memory_space<vmem>>, vector<64x512xf32>
      %add3A_78 = arith.addf %get3A_77, %dot_general3A_58 : vector<64x512xf32>
      %swap3A = arith.constant 0 : index
      %swap3A_79 = arith.constant 0 : index
      %swap3A_80 = vector.load %arg18[%swap3A, %swap3A_79] : memref<64x512xf32, #tpu.memory_space<vmem>>, vector<64x512xf32>
      tpu.vector_store %arg18[%swap3A, %swap3A_79], %add3A_78 {strides = array<i32>} : memref<64x512xf32, #tpu.memory_space<vmem>>, vector<64x512xf32>,
      %get3A_81 = arith.constant 0 : index
      %get3A_82 = arith.constant 0 : index
      %get3A_83 = vector.load %arg19[%get3A_81, %get3A_82] : memref<64x128xf32, #tpu.memory_space<vmem>>, vector<64x128xf32>
      %add3A_84 = arith.addf %get3A_83, %dot_general3A_61 : vector<64x128xf32>
      %swap3A_85 = arith.constant 0 : index
      %swap3A_86 = arith.constant 0 : index
      %swap3A_87 = vector.load %arg19[%swap3A_85, %swap3A_86] : memref<64x128xf32, #tpu.memory_space<vmem>>, vector<64x128xf32>
      tpu.vector_store %arg19[%swap3A_85, %swap3A_86], %add3A_84 {strides = array<i32>} : memref<64x128xf32, #tpu.memory_space<vmem>>, vector<64x128xf32>,
    } else {
    }
    %eq3A_70 = arith.constant 9 : i32
    %eq3A_71 = arith.cmpi eq, %arg0, %eq3A_70 : i32
    %convert_element_type3A_72 = arith.extui %eq3A_71 : i1 to i32
    %cond3A_73 = arith.constant 0 : i32
    %cond3A_74 = arith.cmpi ne, %convert_element_type3A_72, %cond3A_73 : i32
    scf.if %cond3A_74 {
      %get3A_75 = arith.constant 0 : index
      %get3A_76 = arith.constant 0 : index
      %get3A_77 = vector.load %arg18[%get3A_75, %get3A_76] : memref<64x512xf32, #tpu.memory_space<vmem>>, vector<64x512xf32>
      %get3A_78 = arith.constant 0 : index
      %get3A_79 = arith.constant 0 : index
      %get3A_80 = vector.load %arg19[%get3A_78, %get3A_79] : memref<64x128xf32, #tpu.memory_space<vmem>>, vector<64x128xf32>
      %slice3A = vector.extract_strided_slice %get3A_80 {offsets = [0, 0], sizes = [64, 1], strides = [1, 1]} : vector<64x128xf32> to vector<64x1xf32>
      %jit3A_81 = arith.constant 1.000000e+00 : f32
      %max3A_82 = vector.broadcast %jit3A_81 : f32 to vector<64x1xf32>
      %max3A_83 = arith.maximumf %max3A_82, %slice3A : vector<64x1xf32>
      %div3A_84 = vector.broadcast %max3A_83 : vector<64x1xf32> to vector<64x512xf32>
      %div3A_85 = arith.divf %get3A_77, %div3A_84 : vector<64x512xf32>
      %get3A_86 = arith.constant 0 : index
      %get3A_87 = arith.constant 0 : index
      %get3A_88 = vector.load %arg15[%get3A_86, %get3A_87] : memref<128x512xf32, #tpu.memory_space<vmem>>, vector<128x512xf32>
      %dot_general3A_89 = arith.constant dense<0.000000e+00> : vector<64x128xf32>
      %dot_general3A_90 = tpu.matmul %div3A_85, %get3A_88, %dot_general3A_89 {dimension_numbers = #tpu.dot_dimension_numbers<[1], [1], [0], [0], [0, 0, 1, 0], [], []>, transpose_lhs_hint = false} : vector<64x512xf32>, vector<128x512xf32>, vector<64x128xf32> -> vector<64x128xf32>
      %get3A_91 = arith.constant 0 : index
      %get3A_92 = arith.constant 0 : index
      %get3A_93 = vector.load %arg16[%get3A_91, %get3A_92] : memref<1x128xf32, #tpu.memory_space<vmem>>, vector<1x128xf32>
      %add3A_94 = vector.broadcast %get3A_93 : vector<1x128xf32> to vector<64x128xf32>
      %add3A_95 = arith.addf %dot_general3A_90, %add3A_94 : vector<64x128xf32>
      %swap3A = arith.constant 0 : index
      %swap3A_96 = arith.constant 0 : index
      %swap3A_97 = vector.load %arg17[%swap3A, %swap3A_96] : memref<64x128xf32, #tpu.memory_space<vmem>>, vector<64x128xf32>
      tpu.vector_store %arg17[%swap3A, %swap3A_96], %add3A_95 {strides = array<i32>} : memref<64x128xf32, #tpu.memory_space<vmem>>, vector<64x128xf32>,
    } else {
    }
    return
  }
  func.func @transform_0(%arg0: i32) -> (i32, i32) {
    %c0_i32 = arith.constant 0 : i32
    %c0_i32_0 = arith.constant 0 : i32
    return %arg0, %c0_i32 : i32, i32
  }
  func.func @transform_1(%arg0: i32) -> (i32, i32) {
    %c0_i32 = arith.constant 0 : i32
    %c0_i32_0 = arith.constant 0 : i32
    return %arg0, %c0_i32 : i32, i32
  }
  func.func @transform_2(%arg0: i32) -> (i32, i32) {
    %c0_i32 = arith.constant 0 : i32
    %c0_i32_0 = arith.constant 0 : i32
    return %arg0, %c0_i32 : i32, i32
  }
  func.func @transform_3(%arg0: i32) -> (i32, i32) {
    %c0_i32 = arith.constant 0 : i32
    %c0_i32_0 = arith.constant 0 : i32
    return %arg0, %c0_i32 : i32, i32
  }
  func.func @transform_4(%arg0: i32) -> (i32, i32) {
    %c0_i32 = arith.constant 0 : i32
    %c0_i32_0 = arith.constant 0 : i32
    return %arg0, %c0_i32 : i32, i32
  }
  func.func @transform_5(%arg0: i32) -> (i32, i32) {
    %c0_i32 = arith.constant 0 : i32
    %c0_i32_0 = arith.constant 0 : i32
    return %arg0, %c0_i32 : i32, i32
  }
  func.func @transform_6(%arg0: i32) -> (i32, i32) {
    %c0_i32 = arith.constant 0 : i32
    %c0_i32_0 = arith.constant 0 : i32
    return %arg0, %c0_i32 : i32, i32
  }
  func.func @transform_7(%arg0: i32) -> (i32, i32) {
    %c0_i32 = arith.constant 0 : i32
    %c0_i32_0 = arith.constant 0 : i32
    return %arg0, %c0_i32 : i32, i32
  }
  func.func @transform_8(%arg0: i32) -> (i32, i32) {
    %c0_i32 = arith.constant 0 : i32
    %c0_i32_0 = arith.constant 0 : i32
    return %arg0, %c0_i32 : i32, i32
  }
  func.func @transform_9(%arg0: i32) -> (i32, i32) {
    %c0_i32 = arith.constant 0 : i32
    %c0_i32_0 = arith.constant 0 : i32
    return %arg0, %c0_i32 : i32, i32
  }
  func.func @transform_10(%arg0: i32) -> (i32, i32) {
    %c0_i32 = arith.constant 0 : i32
    %c0_i32_0 = arith.constant 0 : i32
    return %arg0, %c0_i32 : i32, i32
  }
  func.func @transform_11(%arg0: i32) -> (i32, i32) {
    %c0_i32 = arith.constant 0 : i32
    %c0_i32_0 = arith.constant 0 : i32
    %c0_i32_1 = arith.constant 0 : i32
    return %c0_i32, %c0_i32_0 : i32, i32
  }
  func.func @transform_12(%arg0: i32) -> (i32, i32) {
    %c0_i32 = arith.constant 0 : i32
    %c0_i32_0 = arith.constant 0 : i32
    %c0_i32_1 = arith.constant 0 : i32
    return %c0_i32, %c0_i32_0 : i32, i32
  }
  func.func @transform_13(%arg0: i32) -> (i32, i32) {
    %c0_i32 = arith.constant 0 : i32
    %c0_i32_0 = arith.constant 0 : i32
    %c0_i32_1 = arith.constant 0 : i32
    return %c0_i32, %c0_i32_0 : i32, i32
  }
  func.func @transform_14(%arg0: i32) -> (i32, i32) {
    %c0_i32 = arith.constant 0 : i32
    %c0_i32_0 = arith.constant 0 : i32
    %c0_i32_1 = arith.constant 0 : i32
    return %c0_i32, %c0_i32_0 : i32, i32
  }
  func.func @transform_15(%arg0: i32) -> (i32, i32) {
    %c0_i32 = arith.constant 0 : i32
    %c0_i32_0 = arith.constant 0 : i32
    %c0_i32_1 = arith.constant 0 : i32
    return %c0_i32, %c0_i32_0 : i32, i32
  }
  func.func @transform_16(%arg0: i32) -> (i32, i32) {
    %c0_i32 = arith.constant 0 : i32
    %c0_i32_0 = arith.constant 0 : i32
    %c0_i32_1 = arith.constant 0 : i32
    return %c0_i32, %c0_i32_0 : i32, i32
  }
}

</mosaic_0001>

<sc_bundles>
// kernel: kernel.6.cloned.1.call-start
scs
__scs_entry_jumppad:
0x0: {  	(pc) =	sbr.rel $0x88, $3  }
0x1: {  	(tag) =	ssettag $0x0;
	lr =	simm.s32 $0x1  }
0x2: {  	[smem:$0x3F96] =	sst lr;
	_ =	strace $0xD0000000  }
0x3: {  	_ = 	snop  }
0x4: {  	_ = 	snop  }
0x5: {  	_ = 	snop  }
0x6: {  	_ = 	snop  }
0x7: {  	_ = 	snop  }
__scs_overlays_trampoline_lowered:
0x8: {  	[smem:$0x3FA5] =	sst s0  }
0x9: {  	[smem:$0x3FA6] =	sst s1  }
0xa: {  	[smem:$0x3FA7] =	sst s2  }
0xb: {  	[smem:$0x3FA8] =	sst s3  }
0xc: {  	[smem:$0x3FA9] =	sst s4  }
0xd: {  	[smem:$0x3FAA] =	sst s5  }
0xe: {  	[smem:$0x3FAB] =	sst s6  }
0xf: {  	[smem:$0x3FAC] =	sst s7  }
0x10: {  	[smem:$0x3FAD] =	sst s8  }
0x11: {  	[smem:$0x3FAE] =	sst s9;
	s0 =	simm.s32 @!p0 $0x0  }
0x12: {  	s1 =	sld [smem:$0x3F94];
	s0 =	simm.s32 @p0 $0x1  }
0x13: {  	[smem:$0x3FAF] =	sst s0;
	s0 =	simm.s32 @!p1 $0x0  }
0x14: {  	s2 =	sld [smem:$0x3F93];
	s0 =	simm.s32 @p1 $0x1  }
0x15: {  	[smem:$0x3FB0] =	sst s0;
	s0 =	simm.s32 @!p2 $0x0  }
0x16: {  	s3 =	sld [smem:$0x3FDB];
	s0 =	simm.s32 @p2 $0x1  }
0x17: {  	s4 =	simm.s32 $0x1BF5;
	[smem:$0x3FB2] =	sst s0  }
0x18: {  	s0 =	sld [smem:$0x3F95];
	_ =	swait.ge [sflag:s4], $0x0  }
0x19: {  	s7 =	sld [smem:$0x3F96]  }
0x1a: {  	s8 =	sadd.s32 $0xFFFFE003, lr  }
0x1b: {  	s9 =	sadd.s32 $0xFFFFFEF7, lr;
	s5 =	simm.s32 $0xFFFFFFFF;
	p2 =	slt.u32 s8, $0xFFFFF086  }
0x1c: {  	p1 =	slt.u32 s9, $0xF7A;
	s5 =	simm.s32 @!p2 $0x0  }
0x1d: {  	s5 =	simm.s32 @p1 $0x1;
	p0 =	seq.s32 s7, s2  }
0x1e: {  	s7 =	smul.u32 @!p0 $0xF7A, s2;
	p2 =	seq.s32 @!p0 s5, $0x0  }
0x1f: {  	s9 =	smul.u32 $0xF7A, s1;
	s8 =	simm.s32 @!p0 $0x1BF5;
	p2 =	por !p2, p0  }
0x20: {  	[sflag:s8] =	ssyncset.s32 @!p0 $0xFFFFF086;
	s6 =	sadd.s32 @!p0 s3, s7;
	s7 =	simm.s32 @!p0 $0x108  }
0x21: {  	s3 =	sadd.s32 s3, s9;
	s6 =	sadd.s32 @!p0 $0x88, s6;
	s7 =	simm.s32 @p2 $0x1082  }
0x22: {  	[simem:s7], [sflag:s8] =	dma.local @!p0 [hbm:s6], $0xF7A  }
0x23: {  	s9 =	sor.u32 $0xD0000000, s2;
	s6 =	simm.s32 $0x108;
	_ =	swait.ge @!p0 [sflag:s8], $0x0  }
0x24: {  	s3 =	sadd.s32 $0x88, s3;
	s6 =	simm.s32 @!p1 $0x1082;
	[sflag:s4] =	ssyncset.s32 $0xFFFFF086  }
0x25: {  	[simem:s6], [sflag:s4] =	dma.local [hbm:s3], $0xF7A  }
0x26: {  	[smem:$0x3F96] =	sst s1;
	(tag) =	ssettag s2;
	_ =	strace s9  }
0x27: {  	s1 =	sld [smem:$0x3FA6]  }
0x28: {  	s2 =	sld [smem:$0x3FA7]  }
0x29: {  	s4 =	sld [smem:$0x3FA9]  }
0x2a: {  	p0 =	seq.s32 s5, $0x0;
	s5 =	sld [smem:$0x3FAA]  }
0x2b: {  	s6 =	sld [smem:$0x3FAB]  }
0x2c: {  	s7 =	sld [smem:$0x3FAC]  }
0x2d: {  	s3 =	simm.s32 $0x108;
	s8 =	sld [smem:$0x3FAD]  }
0x2e: {  	s3 =	simm.s32 @!p0 $0x1082;
	s9 =	sld [smem:$0x3FAE]  }
0x2f: {  	lr =	sadd.s32 s0, s3;
	s0 =	sld [smem:$0x3FA5]  }
0x30: {  	s3 =	sld [smem:$0x3FA8]  }
0x31: {  	[smem:$0x3FB1] =	sst s10  }
0x32: {  	s10 =	sld [smem:$0x3FAF];
	_ =	sdelay $0x3  }
0x33: {  	p0 =	seq.s32 s10, $0x1;
	s10 =	sld [smem:$0x3FB1];
	_ =	sdelay $0x3  }
0x34: {  	[smem:$0x3FB1] =	sst s10  }
0x35: {  	s10 =	sld [smem:$0x3FB0];
	_ =	sdelay $0x3  }
0x36: {  	p1 =	seq.s32 s10, $0x1;
	s10 =	sld [smem:$0x3FB1];
	_ =	sdelay $0x3  }
0x37: {  	[smem:$0x3FB1] =	sst s10  }
0x38: {  	s10 =	sld [smem:$0x3FB2]  }
0x39: {  	_ = 	snop;
	(pc) =	sbr.ind lr, $3  }
0x3a: {  	_ = 	snop  }
0x3b: {  	_ = 	snop  }
0x3c: {  	p2 =	seq.s32 s10, $0x1;
	s10 =	sld [smem:$0x3FB1]  }
0x3d: {  	_ =	shalt  }
0x3e: {  	_ =	shalt  }
0x3f: {  	_ =	shalt  }
0x40: {  	_ =	shalt  }
0x41: {  	_ =	shalt  }
0x42: {  	_ =	shalt  }
0x43: {  	_ =	shalt  }
0x44: {  	_ =	shalt  }
0x45: {  	_ =	shalt  }
0x46: {  	_ =	shalt  }
0x47: {  	_ =	shalt  }
0x48: {  	_ =	shalt  }
0x49: {  	_ =	shalt  }
0x4a: {  	_ =	shalt  }
0x4b: {  	_ =	shalt  }
0x4c: {  	_ =	shalt  }
0x4d: {  	_ =	shalt  }
0x4e: {  	_ =	shalt  }
0x4f: {  	_ =	shalt  }
0x50: {  	_ =	shalt  }
0x51: {  	_ =	shalt  }
0x52: {  	_ =	shalt  }
0x53: {  	_ =	shalt  }
0x54: {  	_ =	shalt  }
0x55: {  	_ =	shalt  }
0x56: {  	_ =	shalt  }
0x57: {  	_ =	shalt  }
0x58: {  	_ =	shalt  }
0x59: {  	_ =	shalt  }
0x5a: {  	_ =	shalt  }
0x5b: {  	_ =	shalt  }
0x5c: {  	_ =	shalt  }
0x5d: {  	_ =	shalt  }
0x5e: {  	_ =	shalt  }
0x5f: {  	_ =	shalt  }
0x60: {  	_ =	shalt  }
0x61: {  	_ =	shalt  }
0x62: {  	_ =	shalt  }
0x63: {  	_ =	shalt  }
0x64: {  	_ =	shalt  }
0x65: {  	_ =	shalt  }
0x66: {  	_ =	shalt  }
0x67: {  	_ =	shalt  }
0x68: {  	_ =	shalt  }
0x69: {  	_ =	shalt  }
0x6a: {  	_ =	shalt  }
0x6b: {  	_ =	shalt  }
0x6c: {  	_ =	shalt  }
0x6d: {  	_ =	shalt  }
0x6e: {  	_ =	shalt  }
0x6f: {  	_ =	shalt  }
0x70: {  	_ =	shalt  }
0x71: {  	_ =	shalt  }
0x72: {  	_ =	shalt  }
0x73: {  	_ =	shalt  }
0x74: {  	_ =	shalt  }
0x75: {  	_ =	shalt  }
0x76: {  	_ =	shalt  }
0x77: {  	_ =	shalt  }
0x78: {  	_ =	shalt  }
0x79: {  	_ =	shalt  }
0x7a: {  	_ =	shalt  }
0x7b: {  	_ =	shalt  }
0x7c: {  	_ =	shalt  }
0x7d: {  	_ =	shalt  }
0x7e: {  	_ =	shalt  }
0x7f: {  	_ =	shalt  }
0x80: {  	_ =	shalt  }
0x81: {  	_ =	shalt  }
0x82: {  	_ =	shalt  }
0x83: {  	_ =	shalt  }
0x84: {  	_ =	shalt  }
0x85: {  	_ =	shalt  }
0x86: {  	_ =	shalt  }
0x87: {  	_ =	shalt  }
.Lfunc_end0:
.L_simem_size_0:
called_computation_lowered:
.L_overlay_start_0:
0x88: {  	s2 =	sld [smem:$0x3FD9]  }
0x89: {  	s3 =	sld [smem:$0x3FFE];
	_ =	sdelay $0x1  }
0x8a: {  	s1 =	srdreg.scid  }
0x8b: {  	s0 =	sand.u32 $0x1, s1  }
0x8c: {  	s16 =	sshll.u32 s0, $0xA;
	s2 =	sadd.s32 s3, s2  }
0x8d: {  	s2 =	sadd.s32 s2, s16  }
0x8e: {  	[smem:$0x3FBD] =	sst s2  }
0x8f: {  	_ = 	snop  }
0x90: {  	(tm) =	ssettm $0x1  }
0x91: {  	s17 =	sld [smem:$0x3FFB];
	_ =	sdelay $0x3  }
0x92: {  	_ =	strace s17  }
0x93: {  	s2 =	sld [smem:$0x3FFC];
	_ =	sdelay $0x3  }
0x94: {  	_ =	strace s2  }
0x95: {  	s2 =	sld [smem:$0x3FFD];
	_ =	sdelay $0x3  }
0x96: {  	_ =	strace s2  }
0x97: {  	_ =	strace $0x8FFFFFFF  }
0x98: {  	s18 =	sld [smem:$0x3FDB];
	_ =	sdelay $0x1  }
0x99: {  	s19 =	simm.s32 $_scs_section_size  }
0x9a: {  	s4 =	simm.s32 $_size__tile_overlayer_lowered;
	s5 =	simm.s32 $_tile_overlayer_lowered  }
0x9b: {  	s22 =	simm.s32 $0x1BFF;
	s21 =	sshll.u32 s5, $0x1;
	s2 =	sadd.s32 s19, s18  }
0x9c: {  	s6 =	simm.s32 $0x0;
	s20 =	sshll.u32 s4, $0x1;
	s4 =	sadd.s32 s21, s2  }
0x9d: {  	[timem:s6], [sflag:s22] =	dma.local [hbm:s4], s20  }
0x9e: {  	_ =	swait.ge [sflag:s22], s20  }
0x9f: {  	s3 =	ssub.s32 $0x0, s20;
	[sflag:s22] =	ssyncset.done $0x0  }
0xa0: {  	[sflag:s22] =	ssyncadd.s32 s3;
	_ =	sdelay $0x1  }
0xa1: {  	s23 =	simm.s32 $0x1B8B  }
0xa2: {  	_ =	swait.ge [sflag:s23], $0x1  }
0xa3: {  	[sflag:s23] =	ssyncset.done $0x0  }
0xa4: {  	s25 =	simm.s32 $0x1B8E;
	s24 =	sld [smem:$0x3FFE];
	[sflag:s23] =	ssyncadd.s32 $0xFFFFFFFF  }
0xa5: {  	s26 =	simm.s32 $execute0_lowered;
	[smem:$0x3FD2] =	sst s25  }
0xa6: {  	s4 =	sshll.u32 s26, $0x1;
	_ =	strace $0x80000046;
	[dreg:$0x1] =	wrdreg $0xFFFFFFFF  }
0xa7: {  	s28 =	simm.s32 $_size_execute0_lowered;
	s2 =	sadd.s32 s2, s4;
	[dreg:$0x0] =	wrdreg $0x0  }
0xa8: {  	s4 =	sshll.u32 s28, $0x1;
	[dreg:$0x2] =	wrdreg s2  }
0xa9: {  	[dreg:$0x3] =	wrdreg s4  }
0xaa: {  	[dreg:$0x4] =	wrdreg $0xC0  }
0xab: {  	_ =	task [dreg:s6], $0x5FFFF  }
0xac: {  	[dreg:$0x1] =	wrdreg $0xFFFFFFFF  }
0xad: {  	[dreg:$0x0] =	wrdreg $0x60  }
0xae: {  	[dreg:$0x2] =	wrdreg s24  }
0xaf: {  	[dreg:$0x3] =	wrdreg $0x0  }
0xb0: {  	[dreg:$0x4] =	wrdreg $0x9  }
0xb1: {  	_ =	task.clear_ibuf [dreg:s6], $0x5FFFF;
	_ =	strace $0x90000046  }
0xb2: {  	s29 =	simm.s32 $0x9;
	_ =	strace $0x80000048  }
0xb3: {  	_ =	swait.ge [sflag:s29], $0x1  }
0xb4: {  	[sflag:s29] =	ssyncadd.s32 $0xFFFFFFFF  }
0xb5: {  	_ =	strace $0x90000048  }
0xb6: {  	_ =	sfence  }
0xb7: {  	s30 =	sld [smem:$0x0];
	_ =	sdelay $0x2  }
0xb8: {  	s31 =	sshll.u32 s1, $0xD;
	s1 =	sshrl.u32 s1, $0x2  }
0xb9: {  	s3 =	sand.u32 $0x4000, s31;
	s1 =	sadd.s32 s1, s30  }
0xba: {  	s0 =	sor.u32 s3, s0;
	s1 =	sshll.u32 s1, $0x11  }
0xbb: {  	s0 =	sor.u32 s1, s0  }
0xbc: {  	s0 =	sadd.s32 $0x8F2B, s0  }
0xbd: {  	[sflag:s0] =	ssyncadd.remote.s32 $0x1  }
0xbe: {  	_ =	sfence.sel $0xFFFF  }
0xbf: {  	[dreg:$0x0] =	wrdreg $0xFFFFFFFF;
	(pc) =	sbr.abs _section_cstart, $3  }
0xc0: {  	[dreg:$0x1] =	wrdreg $0xFFFFFFFF  }
0xc1: {  	_ =	task.clear_ibuf [dreg:s6], $0x2FFFF;
	_ =	strace $0x9FFFFFFF  }
0xc2: {  	(tm) =	ssettm $0x7FFFFFFF  }
0xc3: {  	_ =	shalt  }
tec
execute0_lowered:
.L_overlay_start_1:
0x0: {  	(tag) =	ssettag $0x1  }
0x1: {  	s0 =	rddreg [dreg:$0x0]  }
0x2: {  	s2 =	rddreg [dreg:$0x1]  }
0x3: {  	s3 =	simm.s32 $0x0;
	s17 =	stileid.u32;
	s8 =	srdreg.scid  }
0x4: {  	s16 =	simm.s32 $0xACE00;
	s28 =	simm.s32 $0x1;
	s30 =	simm.s32 $0x14500  }
0x5: {  	s31 =	simm.s32 $0x14180;
	[smem:$0x7FF] =	sst s3;
	s1 =	smul.u32 $0x500, s17  }
0x6: {  	s4 =	sadd.s32 $0x2AC00, s0;
	s5 =	sadd.s32 $0x3A00, s0;
	s7 =	sadd.s32 $0x51E00, s0  }
0x7: {  	s29 =	sadd.s32 $0x5C600, s0;
	s9 =	smul.u32 $0x50000, s17;
	s10 =	sadd.s32 $0x5BE00, s0  }
0x8: {  	s19 =	sadd.s32 $0x5CE00, s0;
	s8 =	sand.u32 $0x1, s8;
	s20 =	sadd.s32 $0x84E00, s0  }
0x9: {  	s15 =	smul.u32 $0x28, s17;
	_ =	strace $0x80000047;
	[dreg:$0x4] =	wrdreg s10  }
0xa: {  	s12 =	sshll.u32 s17, $0x6;
	s17 =	smul.u32 $0x2800, s17;
	[dreg:$0x5] =	wrdreg s19  }
0xb: {  	[dreg:$0x6] =	wrdreg s20;
	s21 =	ssub.s32 $0x2, s8;
	s10 =	sor.u32 $0x1C02, s12  }
0xc: {  	s23 =	smul.u32 $0x280, s8;
	p0 =	seq.s32 s8, $0x0;
	s20 =	simm.s32 $0x2  }
0xd: {  	s12 =	simm.s32 $0x14700;
	[dreg:$0x3] =	wrdreg s29;
	s6 =	sadd.s32 s1, s0  }
0xe: {  	s9 =	sshrl.u32 s9, $0x2;
	s11 =	sshrl.u32 s21, $0x1;
	s16 =	simm.s32 @!p0 $0xD4E00  }
0xf: {  	[dreg:$0xa] =	wrdreg s17;
	p0 =	sne.s32 s8, $0x0;
	s8 =	simm.s32 $0x14600  }
0x10: {  	[dreg:$0x7] =	wrdreg s10;
	s9 =	sadd.s32 s9, s2;
	s11 =	ssub.s32 s21, s11  }
0x11: {  	s0 =	sadd.s32 s16, s0;
	s16 =	sadd.s32 s1, s7;
	s1 =	simm.s32 $0x14200  }
0x12: {  	s21 =	simm.s32 $0x14800;
	s22 =	sadd.s32 $0x4000, s9;
	s14 =	sadd.s32 $0xC000, s9  }
0x13: {  	s13 =	sadd.s32 $0x8000, s9;
	s18 =	sadd.s32 $0x10000, s9;
	[dreg:$0x8] =	wrdreg s14  }
0x14: {  	s11 =	smax.u32 s11, $0x1;
	s0 =	sadd.s32 s0, s17;
	[dreg:$0x9] =	wrdreg s18  }
0x15: {  	s17 =	sadd.s32 $0x56E00, s6;
	s19 =	sshrl.u32 s9, $0x3;
	[dreg:$0xb] =	wrdreg s11  }
0x16: {  	s9 =	simm.s32 $0x14280;
	s14 =	sadd.s32 s15, s23;
	[dreg:$0xc] =	wrdreg s0  }
0x17: {  	s25 =	sshrl.u32 s22, $0x3;
	s26 =	sshrl.u32 s13, $0x3;
	s23 =	simm.s32 $0x14080  }
0x18: {  	s0 =	simm.s32 $0x14580;
	s11 =	simm.s32 $0x14300;
	[dreg:$0xd] =	wrdreg s19  }
0x19: {  	s15 =	simm.s32 $0x14780;
	s13 =	simm.s32 $0x14400;
	[dreg:$0xe] =	wrdreg s25  }
0x1a: {  	s22 =	simm.s32 $0x0;
	s24 =	sshll.u32 s14, $0x4;
	[dreg:$0xf] =	wrdreg s26  }
0x1b: {  	s25 =	simm.s32 $0x80;
	s26 =	simm.s32 $0x14880;
	s14 =	simm.s32 $0x14380  }
0x1c: {  	s18 =	sadd.s32 s24, s7;
	s24 =	simm.s32 $0x14480;
	s7 =	simm.s32 $0x14680  }
.LBB2_1:
0x1d: {  	[spmem:s19], [sflag:s10] =	dma.local [hbm:s29], $0x800  }
0x1e: {  	_ =	swait.ge [sflag:s20], $0x800  }
0x1f: {  	[sflag:s20] =	ssyncset.done $0x0  }
0x20: {  	s6 =	rddreg [dreg:$0xe];
	[sflag:s20] =	ssyncadd.s32 $0xFFFFF800  }
0x21: {  	[spmem:s6], [sflag:s10] =	dma.local [hbm:s29], $0x800  }
0x22: {  	_ =	swait.ge [sflag:s20], $0x800  }
0x23: {  	[sflag:s20] =	ssyncset.done $0x0  }
0x24: {  	s19 =	rddreg [dreg:$0xf];
	[sflag:s20] =	ssyncadd.s32 $0xFFFFF800  }
0x25: {  	[spmem:s19], [sflag:s10] =	dma.local [hbm:s29], $0x800  }
0x26: {  	_ =	swait.ge [sflag:s20], $0x800  }
0x27: {  	s19 =	rddreg [dreg:$0x8]  }
0x28: {  	[sflag:s20] =	ssyncset.done $0x0;
	s6 =	sshrl.u32 s19, $0x3  }
0x29: {  	[sflag:s20] =	ssyncadd.s32 $0xFFFFF800;
	[dreg:$0x11] =	wrdreg s6  }
0x2a: {  	[spmem:s6], [sflag:s10] =	dma.local [hbm:s29], $0x800  }
0x2b: {  	_ =	swait.ge [sflag:s20], $0x800  }
0x2c: {  	s19 =	rddreg [dreg:$0x9]  }
0x2d: {  	[sflag:s20] =	ssyncset.done $0x0;
	s6 =	sshrl.u32 s19, $0x3  }
0x2e: {  	[sflag:s20] =	ssyncadd.s32 $0xFFFFF800;
	[dreg:$0x12] =	wrdreg s6  }
0x2f: {  	[spmem:s6], [sflag:s10] =	dma.local [hbm:s29], $0x800  }
.Ltmp0:
0x30: {  	_ =	swait.ge [sflag:s20], $0x800;
	(pc) =	sbr.rel @p0 .LBB2_5-.Ltmp0, $4  }
0x31: {  	[sflag:s20] =	ssyncset.done $0x0  }
0x32: {  	[sflag:s20] =	ssyncadd.s32 $0xFFFFF800  }
0x33: {  	[bflag:$0x0] =	sbarrier.arrive $0xFFFF  }
0x34: {  	s6 =	sadd.s32 $0x0, s17;
	[dreg:$0x10] =	wrdreg s22  }
0x35: {  	[tilespmem:s23], [sflag:$0x2] =	stream.linear.gather [hbm4b:s6+s3], $0x400, $0x38;
	[tilespmem:$0x18880] =	vst v63  }
0x36: {  	_ =	swait.ge [sflag:s20], $0x400  }
0x37: {  	[sflag:s20] =	ssyncset.done $0x0  }
0x38: {  	s22 =	sadd.s32 $0x0, s16;
	[sflag:s20] =	ssyncadd.s32 $0xFFFFFC00  }
0x39: {  	[tilespmem:s24], [sflag:$0x2] =	stream.linear.gather [hbm4b:s22+s3], $0x400, $0x38;
	[tilespmem:$0x18880] =	vst v63  }
0x3a: {  	_ =	swait.ge [sflag:s20], $0x400  }
0x3b: {  	[sflag:s20] =	ssyncset.done $0x0  }
0x3c: {  	[sflag:s20] =	ssyncadd.s32 $0xFFFFFC00  }
0x3d: {  	[tilespmem:s26], [sflag:$0x1] =	stream.indirect.gather [hbm4b:s4+s25], $0x80, s23, s25, $0xb8;
	[tilespmem:$0x18880] =	vst v63  }
0x3e: {  	_ =	swait.ge [sflag:s28], $0x4000  }
0x3f: {  	[sflag:s28] =	ssyncset.done $0x0  }
0x40: {  	[sflag:s28] =	ssyncadd.s32 $0xFFFFC000  }
0x41: {  	[spmem:s2] =	stream.indirect.scatter.add.f32 [tilespmem:s26], [sflag:$0x2], $0x80, s24, s25, $0xb8;
	[tilespmem:$0x18880] =	vst v63  }
0x42: {  	_ =	swait.ge [sflag:s20], $0x4000  }
0x43: {  	[sflag:s20] =	ssyncset.done $0x0  }
0x44: {  	s29 =	simm.s32 $0x14100;
	[sflag:s20] =	ssyncadd.s32 $0xFFFFC000  }
0x45: {  	[tilespmem:s26], [sflag:$0x1] =	stream.indirect.gather [hbm4b:s4+s25], $0x80, s29, s25, $0xb8;
	[tilespmem:$0x18880] =	vst v63  }
0x46: {  	_ =	swait.ge [sflag:s28], $0x4000  }
0x47: {  	[sflag:s28] =	ssyncset.done $0x0  }
0x48: {  	[sflag:s28] =	ssyncadd.s32 $0xFFFFC000  }
0x49: {  	[spmem:s2] =	stream.indirect.scatter.add.f32 [tilespmem:s26], [sflag:$0x2], $0x80, s30, s25, $0xb8;
	[tilespmem:$0x18880] =	vst v63  }
0x4a: {  	_ =	swait.ge [sflag:s20], $0x4000  }
0x4b: {  	[sflag:s20] =	ssyncset.done $0x0  }
0x4c: {  	[sflag:s20] =	ssyncadd.s32 $0xFFFFC000  }
0x4d: {  	[tilespmem:s26], [sflag:$0x1] =	stream.indirect.gather [hbm4b:s4+s25], $0x80, s31, s25, $0xb8;
	[tilespmem:$0x18880] =	vst v63  }
0x4e: {  	_ =	swait.ge [sflag:s28], $0x4000  }
0x4f: {  	[sflag:s28] =	ssyncset.done $0x0  }
0x50: {  	[sflag:s28] =	ssyncadd.s32 $0xFFFFC000  }
0x51: {  	[spmem:s2] =	stream.indirect.scatter.add.f32 [tilespmem:s26], [sflag:$0x2], $0x80, s0, s25, $0xb8;
	[tilespmem:$0x18880] =	vst v63  }
0x52: {  	_ =	swait.ge [sflag:s20], $0x4000  }
0x53: {  	[sflag:s20] =	ssyncset.done $0x0  }
0x54: {  	[sflag:s20] =	ssyncadd.s32 $0xFFFFC000  }
0x55: {  	[tilespmem:s26], [sflag:$0x1] =	stream.indirect.gather [hbm4b:s4+s25], $0x80, s1, s25, $0xb8;
	[tilespmem:$0x18880] =	vst v63  }
0x56: {  	_ =	swait.ge [sflag:s28], $0x4000  }
0x57: {  	[sflag:s28] =	ssyncset.done $0x0  }
0x58: {  	[sflag:s28] =	ssyncadd.s32 $0xFFFFC000  }
0x59: {  	[spmem:s2] =	stream.indirect.scatter.add.f32 [tilespmem:s26], [sflag:$0x2], $0x80, s8, s25, $0xb8;
	[tilespmem:$0x18880] =	vst v63  }
0x5a: {  	_ =	swait.ge [sflag:s20], $0x4000  }
0x5b: {  	[sflag:s20] =	ssyncset.done $0x0  }
0x5c: {  	[sflag:s20] =	ssyncadd.s32 $0xFFFFC000  }
0x5d: {  	[tilespmem:s26], [sflag:$0x1] =	stream.indirect.gather [hbm4b:s4+s25], $0x80, s9, s25, $0xb8;
	[tilespmem:$0x18880] =	vst v63  }
0x5e: {  	_ =	swait.ge [sflag:s28], $0x4000  }
0x5f: {  	[sflag:s28] =	ssyncset.done $0x0  }
0x60: {  	[sflag:s28] =	ssyncadd.s32 $0xFFFFC000  }
0x61: {  	[spmem:s2] =	stream.indirect.scatter.add.f32 [tilespmem:s26], [sflag:$0x2], $0x80, s7, s25, $0xb8;
	[tilespmem:$0x18880] =	vst v63  }
0x62: {  	_ =	swait.ge [sflag:s20], $0x4000  }
0x63: {  	[sflag:s20] =	ssyncset.done $0x0  }
0x64: {  	[sflag:s20] =	ssyncadd.s32 $0xFFFFC000  }
0x65: {  	[tilespmem:s26], [sflag:$0x1] =	stream.indirect.gather [hbm4b:s4+s25], $0x80, s11, s25, $0xb8;
	[tilespmem:$0x18880] =	vst v63  }
0x66: {  	_ =	swait.ge [sflag:s28], $0x4000  }
0x67: {  	[sflag:s28] =	ssyncset.done $0x0  }
0x68: {  	[sflag:s28] =	ssyncadd.s32 $0xFFFFC000  }
0x69: {  	[spmem:s2] =	stream.indirect.scatter.add.f32 [tilespmem:s26], [sflag:$0x2], $0x80, s12, s25, $0xb8;
	[tilespmem:$0x18880] =	vst v63  }
0x6a: {  	_ =	swait.ge [sflag:s20], $0x4000  }
0x6b: {  	[sflag:s20] =	ssyncset.done $0x0  }
0x6c: {  	[sflag:s20] =	ssyncadd.s32 $0xFFFFC000  }
0x6d: {  	[tilespmem:s26], [sflag:$0x1] =	stream.indirect.gather [hbm4b:s4+s25], $0x80, s14, s25, $0xb8;
	[tilespmem:$0x18880] =	vst v63  }
0x6e: {  	_ =	swait.ge [sflag:s28], $0x4000  }
0x6f: {  	[sflag:s28] =	ssyncset.done $0x0  }
0x70: {  	[sflag:s28] =	ssyncadd.s32 $0xFFFFC000  }
0x71: {  	[spmem:s2] =	stream.indirect.scatter.add.f32 [tilespmem:s26], [sflag:$0x2], $0x80, s15, s25, $0xb8;
	[tilespmem:$0x18880] =	vst v63  }
0x72: {  	_ =	swait.ge [sflag:s20], $0x4000  }
0x73: {  	[sflag:s20] =	ssyncset.done $0x0  }
0x74: {  	[sflag:s20] =	ssyncadd.s32 $0xFFFFC000  }
0x75: {  	[tilespmem:s26], [sflag:$0x1] =	stream.indirect.gather [hbm4b:s4+s25], $0x80, s13, s25, $0xb8;
	[tilespmem:$0x18880] =	vst v63  }
0x76: {  	_ =	swait.ge [sflag:s28], $0x4000  }
0x77: {  	[sflag:s28] =	ssyncset.done $0x0  }
0x78: {  	[sflag:s28] =	ssyncadd.s32 $0xFFFFC000  }
0x79: {  	[spmem:s2] =	stream.indirect.scatter.add.f32 [tilespmem:s26], [sflag:$0x2], $0x80, s21, s25, $0xb8;
	[tilespmem:$0x18880] =	vst v63  }
0x7a: {  	_ =	swait.ge [sflag:s20], $0x4000  }
0x7b: {  	s19 =	simm.s32 $0x80;
	s22 =	simm.s32 $0x100;
	[sflag:s20] =	ssyncset.done $0x0  }
.LBB2_3:
0x7c: {  	s10 =	sadd.s32 s19, s17  }
0x7d: {  	[sflag:s20] =	ssyncadd.s32 $0xFFFFC000;
	s29 =	smov.u32 s22;
	s6 =	sadd.s32 $0x80, s22  }
0x7e: {  	[tilespmem:s23], [sflag:$0x2] =	stream.linear.gather [hbm4b:s10+s3], $0x400, $0x38;
	[tilespmem:$0x18880] =	vst v63  }
0x7f: {  	p1 =	seq.s32 s22, $0x480;
	_ =	swait.ge [sflag:s20], $0x400  }
0x80: {  	[sflag:s20] =	ssyncset.done $0x0  }
0x81: {  	s10 =	sadd.s32 s19, s16;
	s19 =	smov.u32 s29;
	[sflag:s20] =	ssyncadd.s32 $0xFFFFFC00  }
0x82: {  	[tilespmem:s24], [sflag:$0x2] =	stream.linear.gather [hbm4b:s10+s3], $0x400, $0x38;
	[tilespmem:$0x18880] =	vst v63  }
0x83: {  	s10 =	simm.s32 $0x14100  }
0x84: {  	_ =	swait.ge [sflag:s20], $0x400  }
0x85: {  	[sflag:s20] =	ssyncset.done $0x0  }
0x86: {  	[sflag:s20] =	ssyncadd.s32 $0xFFFFFC00  }
0x87: {  	[tilespmem:s26], [sflag:$0x1] =	stream.indirect.gather [hbm4b:s4+s25], $0x80, s23, s25, $0xb8;
	[tilespmem:$0x18880] =	vst v63  }
0x88: {  	_ =	swait.ge [sflag:s28], $0x4000  }
0x89: {  	[sflag:s28] =	ssyncset.done $0x0  }
0x8a: {  	[sflag:s28] =	ssyncadd.s32 $0xFFFFC000  }
0x8b: {  	[spmem:s2] =	stream.indirect.scatter.add.f32 [tilespmem:s26], [sflag:$0x2], $0x80, s24, s25, $0xb8;
	[tilespmem:$0x18880] =	vst v63  }
0x8c: {  	_ =	swait.ge [sflag:s20], $0x4000  }
0x8d: {  	[sflag:s20] =	ssyncset.done $0x0  }
0x8e: {  	[sflag:s20] =	ssyncadd.s32 $0xFFFFC000  }
0x8f: {  	[tilespmem:s26], [sflag:$0x1] =	stream.indirect.gather [hbm4b:s4+s25], $0x80, s10, s25, $0xb8;
	[tilespmem:$0x18880] =	vst v63  }
0x90: {  	_ =	swait.ge [sflag:s28], $0x4000  }
0x91: {  	[sflag:s28] =	ssyncset.done $0x0  }
0x92: {  	[sflag:s28] =	ssyncadd.s32 $0xFFFFC000  }
0x93: {  	[spmem:s2] =	stream.indirect.scatter.add.f32 [tilespmem:s26], [sflag:$0x2], $0x80, s30, s25, $0xb8;
	[tilespmem:$0x18880] =	vst v63  }
0x94: {  	_ =	swait.ge [sflag:s20], $0x4000  }
0x95: {  	[sflag:s20] =	ssyncset.done $0x0  }
0x96: {  	[sflag:s20] =	ssyncadd.s32 $0xFFFFC000  }
0x97: {  	[tilespmem:s26], [sflag:$0x1] =	stream.indirect.gather [hbm4b:s4+s25], $0x80, s31, s25, $0xb8;
	[tilespmem:$0x18880] =	vst v63  }
0x98: {  	_ =	swait.ge [sflag:s28], $0x4000  }
0x99: {  	[sflag:s28] =	ssyncset.done $0x0  }
0x9a: {  	[sflag:s28] =	ssyncadd.s32 $0xFFFFC000  }
0x9b: {  	[spmem:s2] =	stream.indirect.scatter.add.f32 [tilespmem:s26], [sflag:$0x2], $0x80, s0, s25, $0xb8;
	[tilespmem:$0x18880] =	vst v63  }
0x9c: {  	_ =	swait.ge [sflag:s20], $0x4000  }
0x9d: {  	[sflag:s20] =	ssyncset.done $0x0  }
0x9e: {  	[sflag:s20] =	ssyncadd.s32 $0xFFFFC000  }
0x9f: {  	[tilespmem:s26], [sflag:$0x1] =	stream.indirect.gather [hbm4b:s4+s25], $0x80, s1, s25, $0xb8;
	[tilespmem:$0x18880] =	vst v63  }
0xa0: {  	_ =	swait.ge [sflag:s28], $0x4000  }
0xa1: {  	[sflag:s28] =	ssyncset.done $0x0  }
0xa2: {  	[sflag:s28] =	ssyncadd.s32 $0xFFFFC000  }
0xa3: {  	[spmem:s2] =	stream.indirect.scatter.add.f32 [tilespmem:s26], [sflag:$0x2], $0x80, s8, s25, $0xb8;
	[tilespmem:$0x18880] =	vst v63  }
0xa4: {  	_ =	swait.ge [sflag:s20], $0x4000  }
0xa5: {  	[sflag:s20] =	ssyncset.done $0x0  }
0xa6: {  	[sflag:s20] =	ssyncadd.s32 $0xFFFFC000  }
0xa7: {  	[tilespmem:s26], [sflag:$0x1] =	stream.indirect.gather [hbm4b:s4+s25], $0x80, s9, s25, $0xb8;
	[tilespmem:$0x18880] =	vst v63  }
0xa8: {  	_ =	swait.ge [sflag:s28], $0x4000  }
0xa9: {  	[sflag:s28] =	ssyncset.done $0x0  }
0xaa: {  	[sflag:s28] =	ssyncadd.s32 $0xFFFFC000  }
0xab: {  	[spmem:s2] =	stream.indirect.scatter.add.f32 [tilespmem:s26], [sflag:$0x2], $0x80, s7, s25, $0xb8;
	[tilespmem:$0x18880] =	vst v63  }
0xac: {  	_ =	swait.ge [sflag:s20], $0x4000  }
0xad: {  	[sflag:s20] =	ssyncset.done $0x0  }
0xae: {  	[sflag:s20] =	ssyncadd.s32 $0xFFFFC000  }
0xaf: {  	[tilespmem:s26], [sflag:$0x1] =	stream.indirect.gather [hbm4b:s4+s25], $0x80, s11, s25, $0xb8;
	[tilespmem:$0x18880] =	vst v63  }
0xb0: {  	_ =	swait.ge [sflag:s28], $0x4000  }
0xb1: {  	[sflag:s28] =	ssyncset.done $0x0  }
0xb2: {  	[sflag:s28] =	ssyncadd.s32 $0xFFFFC000  }
0xb3: {  	[spmem:s2] =	stream.indirect.scatter.add.f32 [tilespmem:s26], [sflag:$0x2], $0x80, s12, s25, $0xb8;
	[tilespmem:$0x18880] =	vst v63  }
0xb4: {  	_ =	swait.ge [sflag:s20], $0x4000  }
0xb5: {  	[sflag:s20] =	ssyncset.done $0x0  }
0xb6: {  	[sflag:s20] =	ssyncadd.s32 $0xFFFFC000  }
0xb7: {  	[tilespmem:s26], [sflag:$0x1] =	stream.indirect.gather [hbm4b:s4+s25], $0x80, s14, s25, $0xb8;
	[tilespmem:$0x18880] =	vst v63  }
0xb8: {  	_ =	swait.ge [sflag:s28], $0x4000  }
0xb9: {  	[sflag:s28] =	ssyncset.done $0x0  }
0xba: {  	[sflag:s28] =	ssyncadd.s32 $0xFFFFC000  }
0xbb: {  	[spmem:s2] =	stream.indirect.scatter.add.f32 [tilespmem:s26], [sflag:$0x2], $0x80, s15, s25, $0xb8;
	[tilespmem:$0x18880] =	vst v63  }
0xbc: {  	_ =	swait.ge [sflag:s20], $0x4000  }
0xbd: {  	[sflag:s20] =	ssyncset.done $0x0  }
0xbe: {  	[sflag:s20] =	ssyncadd.s32 $0xFFFFC000  }
0xbf: {  	[tilespmem:s26], [sflag:$0x1] =	stream.indirect.gather [hbm4b:s4+s25], $0x80, s13, s25, $0xb8;
	[tilespmem:$0x18880] =	vst v63  }
0xc0: {  	_ =	swait.ge [sflag:s28], $0x4000  }
.Ltmp1:
0xc1: {  	[sflag:s28] =	ssyncset.done $0x0;
	(pc) =	sbr.rel @!p1 .LBB2_3-.Ltmp1, $4  }
0xc2: {  	[sflag:s28] =	ssyncadd.s32 $0xFFFFC000  }
0xc3: {  	[spmem:s2] =	stream.indirect.scatter.add.f32 [tilespmem:s26], [sflag:$0x2], $0x80, s21, s25, $0xb8;
	[tilespmem:$0x18880] =	vst v63  }
0xc4: {  	_ =	swait.ge [sflag:s20], $0x4000  }
0xc5: {  	s22 =	smov.u32 s6;
	[sflag:s20] =	ssyncset.done $0x0  }
0xc6: {  	s6 =	sadd.s32 s19, s17;
	[sflag:s20] =	ssyncadd.s32 $0xFFFFC000  }
0xc7: {  	[tilespmem:s23], [sflag:$0x2] =	stream.linear.gather [hbm4b:s6+s3], $0x400, $0x38;
	[tilespmem:$0x18880] =	vst v63  }
0xc8: {  	_ =	swait.ge [sflag:s20], $0x400  }
0xc9: {  	[sflag:s20] =	ssyncset.done $0x0  }
0xca: {  	s29 =	sadd.s32 s19, s16;
	[sflag:s20] =	ssyncadd.s32 $0xFFFFFC00  }
0xcb: {  	[tilespmem:s24], [sflag:$0x2] =	stream.linear.gather [hbm4b:s29+s3], $0x400, $0x38;
	[tilespmem:$0x18880] =	vst v63  }
0xcc: {  	_ =	swait.ge [sflag:s20], $0x400  }
0xcd: {  	[sflag:s20] =	ssyncset.done $0x0  }
0xce: {  	[sflag:s20] =	ssyncadd.s32 $0xFFFFFC00  }
0xcf: {  	[tilespmem:s26], [sflag:$0x1] =	stream.indirect.gather [hbm4b:s4+s25], $0x80, s23, s25, $0xb8;
	[tilespmem:$0x18880] =	vst v63  }
0xd0: {  	_ =	swait.ge [sflag:s28], $0x4000  }
0xd1: {  	[sflag:s28] =	ssyncset.done $0x0  }
0xd2: {  	[sflag:s28] =	ssyncadd.s32 $0xFFFFC000  }
0xd3: {  	[spmem:s2] =	stream.indirect.scatter.add.f32 [tilespmem:s26], [sflag:$0x2], $0x80, s24, s25, $0xb8;
	[tilespmem:$0x18880] =	vst v63  }
0xd4: {  	_ =	swait.ge [sflag:s20], $0x4000  }
0xd5: {  	[sflag:s20] =	ssyncset.done $0x0  }
0xd6: {  	[sflag:s20] =	ssyncadd.s32 $0xFFFFC000  }
0xd7: {  	[tilespmem:s26], [sflag:$0x1] =	stream.indirect.gather [hbm4b:s4+s25], $0x80, s10, s25, $0xb8;
	[tilespmem:$0x18880] =	vst v63  }
0xd8: {  	_ =	swait.ge [sflag:s28], $0x4000  }
0xd9: {  	[sflag:s28] =	ssyncset.done $0x0  }
0xda: {  	[sflag:s28] =	ssyncadd.s32 $0xFFFFC000  }
0xdb: {  	[spmem:s2] =	stream.indirect.scatter.add.f32 [tilespmem:s26], [sflag:$0x2], $0x80, s30, s25, $0xb8;
	[tilespmem:$0x18880] =	vst v63  }
0xdc: {  	_ =	swait.ge [sflag:s20], $0x4000  }
0xdd: {  	[sflag:s20] =	ssyncset.done $0x0  }
0xde: {  	[sflag:s20] =	ssyncadd.s32 $0xFFFFC000  }
0xdf: {  	[tilespmem:s26], [sflag:$0x1] =	stream.indirect.gather [hbm4b:s4+s25], $0x80, s31, s25, $0xb8;
	[tilespmem:$0x18880] =	vst v63  }
0xe0: {  	_ =	swait.ge [sflag:s28], $0x4000  }
0xe1: {  	[sflag:s28] =	ssyncset.done $0x0  }
0xe2: {  	[sflag:s28] =	ssyncadd.s32 $0xFFFFC000  }
0xe3: {  	[spmem:s2] =	stream.indirect.scatter.add.f32 [tilespmem:s26], [sflag:$0x2], $0x80, s0, s25, $0xb8;
	[tilespmem:$0x18880] =	vst v63  }
0xe4: {  	_ =	swait.ge [sflag:s20], $0x4000  }
0xe5: {  	[sflag:s20] =	ssyncset.done $0x0  }
0xe6: {  	[sflag:s20] =	ssyncadd.s32 $0xFFFFC000  }
0xe7: {  	[tilespmem:s26], [sflag:$0x1] =	stream.indirect.gather [hbm4b:s4+s25], $0x80, s1, s25, $0xb8;
	[tilespmem:$0x18880] =	vst v63  }
0xe8: {  	_ =	swait.ge [sflag:s28], $0x4000  }
0xe9: {  	[sflag:s28] =	ssyncset.done $0x0  }
0xea: {  	[sflag:s28] =	ssyncadd.s32 $0xFFFFC000  }
0xeb: {  	[spmem:s2] =	stream.indirect.scatter.add.f32 [tilespmem:s26], [sflag:$0x2], $0x80, s8, s25, $0xb8;
	[tilespmem:$0x18880] =	vst v63  }
0xec: {  	_ =	swait.ge [sflag:s20], $0x4000  }
0xed: {  	[sflag:s20] =	ssyncset.done $0x0  }
0xee: {  	[sflag:s20] =	ssyncadd.s32 $0xFFFFC000  }
0xef: {  	[tilespmem:s26], [sflag:$0x1] =	stream.indirect.gather [hbm4b:s4+s25], $0x80, s9, s25, $0xb8;
	[tilespmem:$0x18880] =	vst v63  }
0xf0: {  	_ =	swait.ge [sflag:s28], $0x4000  }
0xf1: {  	[sflag:s28] =	ssyncset.done $0x0  }
0xf2: {  	[sflag:s28] =	ssyncadd.s32 $0xFFFFC000  }
0xf3: {  	[spmem:s2] =	stream.indirect.scatter.add.f32 [tilespmem:s26], [sflag:$0x2], $0x80, s7, s25, $0xb8;
	[tilespmem:$0x18880] =	vst v63  }
0xf4: {  	_ =	swait.ge [sflag:s20], $0x4000  }
0xf5: {  	[sflag:s20] =	ssyncset.done $0x0  }
0xf6: {  	[sflag:s20] =	ssyncadd.s32 $0xFFFFC000  }
0xf7: {  	[tilespmem:s26], [sflag:$0x1] =	stream.indirect.gather [hbm4b:s4+s25], $0x80, s11, s25, $0xb8;
	[tilespmem:$0x18880] =	vst v63  }
0xf8: {  	_ =	swait.ge [sflag:s28], $0x4000  }
0xf9: {  	[sflag:s28] =	ssyncset.done $0x0  }
0xfa: {  	[sflag:s28] =	ssyncadd.s32 $0xFFFFC000  }
0xfb: {  	[spmem:s2] =	stream.indirect.scatter.add.f32 [tilespmem:s26], [sflag:$0x2], $0x80, s12, s25, $0xb8;
	[tilespmem:$0x18880] =	vst v63  }
0xfc: {  	_ =	swait.ge [sflag:s20], $0x4000  }
0xfd: {  	[sflag:s20] =	ssyncset.done $0x0  }
0xfe: {  	[sflag:s20] =	ssyncadd.s32 $0xFFFFC000  }
0xff: {  	[tilespmem:s26], [sflag:$0x1] =	stream.indirect.gather [hbm4b:s4+s25], $0x80, s14, s25, $0xb8;
	[tilespmem:$0x18880] =	vst v63  }
0x100: {  	_ =	swait.ge [sflag:s28], $0x4000  }
0x101: {  	[sflag:s28] =	ssyncset.done $0x0  }
0x102: {  	[sflag:s28] =	ssyncadd.s32 $0xFFFFC000  }
0x103: {  	[spmem:s2] =	stream.indirect.scatter.add.f32 [tilespmem:s26], [sflag:$0x2], $0x80, s15, s25, $0xb8;
	[tilespmem:$0x18880] =	vst v63  }
0x104: {  	_ =	swait.ge [sflag:s20], $0x4000  }
0x105: {  	[sflag:s20] =	ssyncset.done $0x0  }
0x106: {  	[sflag:s20] =	ssyncadd.s32 $0xFFFFC000  }
0x107: {  	[tilespmem:s26], [sflag:$0x1] =	stream.indirect.gather [hbm4b:s4+s25], $0x80, s13, s25, $0xb8;
	[tilespmem:$0x18880] =	vst v63  }
0x108: {  	_ =	swait.ge [sflag:s28], $0x4000  }
0x109: {  	[sflag:s28] =	ssyncset.done $0x0  }
.Ltmp2:
0x10a: {  	[sflag:s28] =	ssyncadd.s32 $0xFFFFC000;
	(pc) =	sbr.rel .LBB2_8-.Ltmp2, $4  }
0x10b: {  	[spmem:s2] =	stream.indirect.scatter.add.f32 [tilespmem:s26], [sflag:$0x2], $0x80, s21, s25, $0xb8;
	[tilespmem:$0x18880] =	vst v63  }
0x10c: {  	_ =	swait.ge [sflag:s20], $0x4000  }
0x10d: {  	[sflag:s20] =	ssyncset.done $0x0  }
0x10e: {  	s6 =	rddreg [dreg:$0x5];
	[sflag:s20] =	ssyncadd.s32 $0xFFFFC000  }
.LBB2_5:
0x10f: {  	[tilespmem:s23], [sflag:$0x2] =	stream.linear.gather [hbm4b:s6+s3], $0x400, $0x38;
	[tilespmem:$0x18880] =	vst v63  }
0x110: {  	_ =	swait.ge [sflag:s20], $0x400  }
0x111: {  	[sflag:s20] =	ssyncset.done $0x0  }
0x112: {  	s22 =	sadd.s32 $0x0, s16;
	[sflag:s20] =	ssyncadd.s32 $0xFFFFFC00  }
0x113: {  	[tilespmem:s24], [sflag:$0x2] =	stream.linear.gather [hbm4b:s22+s3], $0x400, $0x38;
	[tilespmem:$0x18880] =	vst v63  }
0x114: {  	_ =	swait.ge [sflag:s20], $0x400  }
0x115: {  	[sflag:s20] =	ssyncset.done $0x0  }
0x116: {  	[sflag:s20] =	ssyncadd.s32 $0xFFFFFC00  }
0x117: {  	[tilespmem:s26], [sflag:$0x1] =	stream.indirect.gather [hbm4b:s5+s25], $0x80, s23, s25, $0xb8;
	[tilespmem:$0x18880] =	vst v63  }
0x118: {  	_ =	swait.ge [sflag:s28], $0x4000  }
0x119: {  	[sflag:s28] =	ssyncset.done $0x0  }
0x11a: {  	[sflag:s28] =	ssyncadd.s32 $0xFFFFC000  }
0x11b: {  	[spmem:s2] =	stream.indirect.scatter.add.f32 [tilespmem:s26], [sflag:$0x2], $0x80, s24, s25, $0xb8;
	[tilespmem:$0x18880] =	vst v63  }
0x11c: {  	_ =	swait.ge [sflag:s20], $0x4000  }
0x11d: {  	[sflag:s20] =	ssyncset.done $0x0  }
0x11e: {  	s29 =	simm.s32 $0x14100;
	[sflag:s20] =	ssyncadd.s32 $0xFFFFC000  }
0x11f: {  	[tilespmem:s26], [sflag:$0x1] =	stream.indirect.gather [hbm4b:s5+s25], $0x80, s29, s25, $0xb8;
	[tilespmem:$0x18880] =	vst v63  }
0x120: {  	_ =	swait.ge [sflag:s28], $0x4000  }
0x121: {  	[sflag:s28] =	ssyncset.done $0x0  }
0x122: {  	[sflag:s28] =	ssyncadd.s32 $0xFFFFC000  }
0x123: {  	[spmem:s2] =	stream.indirect.scatter.add.f32 [tilespmem:s26], [sflag:$0x2], $0x80, s30, s25, $0xb8;
	[tilespmem:$0x18880] =	vst v63  }
0x124: {  	_ =	swait.ge [sflag:s20], $0x4000  }
0x125: {  	[sflag:s20] =	ssyncset.done $0x0  }
0x126: {  	[sflag:s20] =	ssyncadd.s32 $0xFFFFC000  }
0x127: {  	[tilespmem:s26], [sflag:$0x1] =	stream.indirect.gather [hbm4b:s5+s25], $0x80, s31, s25, $0xb8;
	[tilespmem:$0x18880] =	vst v63  }
0x128: {  	_ =	swait.ge [sflag:s28], $0x4000  }
0x129: {  	[sflag:s28] =	ssyncset.done $0x0  }
0x12a: {  	[sflag:s28] =	ssyncadd.s32 $0xFFFFC000  }
0x12b: {  	[spmem:s2] =	stream.indirect.scatter.add.f32 [tilespmem:s26], [sflag:$0x2], $0x80, s0, s25, $0xb8;
	[tilespmem:$0x18880] =	vst v63  }
0x12c: {  	_ =	swait.ge [sflag:s20], $0x4000  }
0x12d: {  	[sflag:s20] =	ssyncset.done $0x0  }
0x12e: {  	[sflag:s20] =	ssyncadd.s32 $0xFFFFC000  }
0x12f: {  	[tilespmem:s26], [sflag:$0x1] =	stream.indirect.gather [hbm4b:s5+s25], $0x80, s1, s25, $0xb8;
	[tilespmem:$0x18880] =	vst v63  }
0x130: {  	_ =	swait.ge [sflag:s28], $0x4000  }
0x131: {  	[sflag:s28] =	ssyncset.done $0x0  }
0x132: {  	[sflag:s28] =	ssyncadd.s32 $0xFFFFC000  }
0x133: {  	[spmem:s2] =	stream.indirect.scatter.add.f32 [tilespmem:s26], [sflag:$0x2], $0x80, s8, s25, $0xb8;
	[tilespmem:$0x18880] =	vst v63  }
0x134: {  	_ =	swait.ge [sflag:s20], $0x4000  }
0x135: {  	[sflag:s20] =	ssyncset.done $0x0  }
0x136: {  	[sflag:s20] =	ssyncadd.s32 $0xFFFFC000  }
0x137: {  	[tilespmem:s26], [sflag:$0x1] =	stream.indirect.gather [hbm4b:s5+s25], $0x80, s9, s25, $0xb8;
	[tilespmem:$0x18880] =	vst v63  }
0x138: {  	_ =	swait.ge [sflag:s28], $0x4000  }
0x139: {  	[sflag:s28] =	ssyncset.done $0x0  }
0x13a: {  	[sflag:s28] =	ssyncadd.s32 $0xFFFFC000  }
0x13b: {  	[spmem:s2] =	stream.indirect.scatter.add.f32 [tilespmem:s26], [sflag:$0x2], $0x80, s7, s25, $0xb8;
	[tilespmem:$0x18880] =	vst v63  }
0x13c: {  	_ =	swait.ge [sflag:s20], $0x4000  }
0x13d: {  	[sflag:s20] =	ssyncset.done $0x0  }
0x13e: {  	[sflag:s20] =	ssyncadd.s32 $0xFFFFC000  }
0x13f: {  	[tilespmem:s26], [sflag:$0x1] =	stream.indirect.gather [hbm4b:s5+s25], $0x80, s11, s25, $0xb8;
	[tilespmem:$0x18880] =	vst v63  }
0x140: {  	_ =	swait.ge [sflag:s28], $0x4000  }
0x141: {  	[sflag:s28] =	ssyncset.done $0x0  }
0x142: {  	[sflag:s28] =	ssyncadd.s32 $0xFFFFC000  }
0x143: {  	[spmem:s2] =	stream.indirect.scatter.add.f32 [tilespmem:s26], [sflag:$0x2], $0x80, s12, s25, $0xb8;
	[tilespmem:$0x18880] =	vst v63  }
0x144: {  	_ =	swait.ge [sflag:s20], $0x4000  }
0x145: {  	[sflag:s20] =	ssyncset.done $0x0  }
0x146: {  	[sflag:s20] =	ssyncadd.s32 $0xFFFFC000  }
0x147: {  	[tilespmem:s26], [sflag:$0x1] =	stream.indirect.gather [hbm4b:s5+s25], $0x80, s14, s25, $0xb8;
	[tilespmem:$0x18880] =	vst v63  }
0x148: {  	_ =	swait.ge [sflag:s28], $0x4000  }
0x149: {  	[sflag:s28] =	ssyncset.done $0x0  }
0x14a: {  	[sflag:s28] =	ssyncadd.s32 $0xFFFFC000  }
0x14b: {  	[spmem:s2] =	stream.indirect.scatter.add.f32 [tilespmem:s26], [sflag:$0x2], $0x80, s15, s25, $0xb8;
	[tilespmem:$0x18880] =	vst v63  }
0x14c: {  	_ =	swait.ge [sflag:s20], $0x4000  }
0x14d: {  	[sflag:s20] =	ssyncset.done $0x0  }
0x14e: {  	[sflag:s20] =	ssyncadd.s32 $0xFFFFC000  }
0x14f: {  	[tilespmem:s26], [sflag:$0x1] =	stream.indirect.gather [hbm4b:s5+s25], $0x80, s13, s25, $0xb8;
	[tilespmem:$0x18880] =	vst v63  }
0x150: {  	_ =	swait.ge [sflag:s28], $0x4000  }
0x151: {  	[sflag:s28] =	ssyncset.done $0x0  }
0x152: {  	[sflag:s28] =	ssyncadd.s32 $0xFFFFC000  }
0x153: {  	[spmem:s2] =	stream.indirect.scatter.add.f32 [tilespmem:s26], [sflag:$0x2], $0x80, s21, s25, $0xb8;
	[tilespmem:$0x18880] =	vst v63  }
0x154: {  	_ =	swait.ge [sflag:s20], $0x4000  }
0x155: {  	s19 =	simm.s32 $0x80;
	s6 =	simm.s32 $0x100;
	[sflag:s20] =	ssyncset.done $0x0  }
.LBB2_6:
0x156: {  	s10 =	sadd.s32 s19, s17  }
0x157: {  	[sflag:s20] =	ssyncadd.s32 $0xFFFFC000;
	s29 =	smov.u32 s6;
	s22 =	sadd.s32 $0x80, s6  }
0x158: {  	[tilespmem:s23], [sflag:$0x2] =	stream.linear.gather [hbm4b:s10+s3], $0x400, $0x38;
	[tilespmem:$0x18880] =	vst v63  }
0x159: {  	s10 =	simm.s32 $0x14100  }
0x15a: {  	p1 =	sne.s32 s6, $0x480;
	_ =	swait.ge [sflag:s20], $0x400  }
0x15b: {  	[sflag:s20] =	ssyncset.done $0x0  }
0x15c: {  	s6 =	sadd.s32 s19, s16;
	s19 =	smov.u32 s29;
	[sflag:s20] =	ssyncadd.s32 $0xFFFFFC00  }
0x15d: {  	[tilespmem:s24], [sflag:$0x2] =	stream.linear.gather [hbm4b:s6+s3], $0x400, $0x38;
	[tilespmem:$0x18880] =	vst v63  }
0x15e: {  	_ =	swait.ge [sflag:s20], $0x400  }
0x15f: {  	[sflag:s20] =	ssyncset.done $0x0  }
0x160: {  	[sflag:s20] =	ssyncadd.s32 $0xFFFFFC00  }
0x161: {  	[tilespmem:s26], [sflag:$0x1] =	stream.indirect.gather [hbm4b:s5+s25], $0x80, s23, s25, $0xb8;
	[tilespmem:$0x18880] =	vst v63  }
0x162: {  	_ =	swait.ge [sflag:s28], $0x4000  }
0x163: {  	[sflag:s28] =	ssyncset.done $0x0  }
0x164: {  	[sflag:s28] =	ssyncadd.s32 $0xFFFFC000  }
0x165: {  	[spmem:s2] =	stream.indirect.scatter.add.f32 [tilespmem:s26], [sflag:$0x2], $0x80, s24, s25, $0xb8;
	[tilespmem:$0x18880] =	vst v63  }
0x166: {  	_ =	swait.ge [sflag:s20], $0x4000  }
0x167: {  	[sflag:s20] =	ssyncset.done $0x0  }
0x168: {  	[sflag:s20] =	ssyncadd.s32 $0xFFFFC000  }
0x169: {  	[tilespmem:s26], [sflag:$0x1] =	stream.indirect.gather [hbm4b:s5+s25], $0x80, s10, s25, $0xb8;
	[tilespmem:$0x18880] =	vst v63  }
0x16a: {  	_ =	swait.ge [sflag:s28], $0x4000  }
0x16b: {  	[sflag:s28] =	ssyncset.done $0x0  }
0x16c: {  	[sflag:s28] =	ssyncadd.s32 $0xFFFFC000  }
0x16d: {  	[spmem:s2] =	stream.indirect.scatter.add.f32 [tilespmem:s26], [sflag:$0x2], $0x80, s30, s25, $0xb8;
	[tilespmem:$0x18880] =	vst v63  }
0x16e: {  	_ =	swait.ge [sflag:s20], $0x4000  }
0x16f: {  	[sflag:s20] =	ssyncset.done $0x0  }
0x170: {  	[sflag:s20] =	ssyncadd.s32 $0xFFFFC000  }
0x171: {  	[tilespmem:s26], [sflag:$0x1] =	stream.indirect.gather [hbm4b:s5+s25], $0x80, s31, s25, $0xb8;
	[tilespmem:$0x18880] =	vst v63  }
0x172: {  	_ =	swait.ge [sflag:s28], $0x4000  }
0x173: {  	[sflag:s28] =	ssyncset.done $0x0  }
0x174: {  	[sflag:s28] =	ssyncadd.s32 $0xFFFFC000  }
0x175: {  	[spmem:s2] =	stream.indirect.scatter.add.f32 [tilespmem:s26], [sflag:$0x2], $0x80, s0, s25, $0xb8;
	[tilespmem:$0x18880] =	vst v63  }
0x176: {  	_ =	swait.ge [sflag:s20], $0x4000  }
0x177: {  	[sflag:s20] =	ssyncset.done $0x0  }
0x178: {  	[sflag:s20] =	ssyncadd.s32 $0xFFFFC000  }
0x179: {  	[tilespmem:s26], [sflag:$0x1] =	stream.indirect.gather [hbm4b:s5+s25], $0x80, s1, s25, $0xb8;
	[tilespmem:$0x18880] =	vst v63  }
0x17a: {  	_ =	swait.ge [sflag:s28], $0x4000  }
0x17b: {  	[sflag:s28] =	ssyncset.done $0x0  }
0x17c: {  	[sflag:s28] =	ssyncadd.s32 $0xFFFFC000  }
0x17d: {  	[spmem:s2] =	stream.indirect.scatter.add.f32 [tilespmem:s26], [sflag:$0x2], $0x80, s8, s25, $0xb8;
	[tilespmem:$0x18880] =	vst v63  }
0x17e: {  	_ =	swait.ge [sflag:s20], $0x4000  }
0x17f: {  	[sflag:s20] =	ssyncset.done $0x0  }
0x180: {  	[sflag:s20] =	ssyncadd.s32 $0xFFFFC000  }
0x181: {  	[tilespmem:s26], [sflag:$0x1] =	stream.indirect.gather [hbm4b:s5+s25], $0x80, s9, s25, $0xb8;
	[tilespmem:$0x18880] =	vst v63  }
0x182: {  	_ =	swait.ge [sflag:s28], $0x4000  }
0x183: {  	[sflag:s28] =	ssyncset.done $0x0  }
0x184: {  	[sflag:s28] =	ssyncadd.s32 $0xFFFFC000  }
0x185: {  	[spmem:s2] =	stream.indirect.scatter.add.f32 [tilespmem:s26], [sflag:$0x2], $0x80, s7, s25, $0xb8;
	[tilespmem:$0x18880] =	vst v63  }
0x186: {  	_ =	swait.ge [sflag:s20], $0x4000  }
0x187: {  	[sflag:s20] =	ssyncset.done $0x0  }
0x188: {  	[sflag:s20] =	ssyncadd.s32 $0xFFFFC000  }
0x189: {  	[tilespmem:s26], [sflag:$0x1] =	stream.indirect.gather [hbm4b:s5+s25], $0x80, s11, s25, $0xb8;
	[tilespmem:$0x18880] =	vst v63  }
0x18a: {  	_ =	swait.ge [sflag:s28], $0x4000  }
0x18b: {  	[sflag:s28] =	ssyncset.done $0x0  }
0x18c: {  	[sflag:s28] =	ssyncadd.s32 $0xFFFFC000  }
0x18d: {  	[spmem:s2] =	stream.indirect.scatter.add.f32 [tilespmem:s26], [sflag:$0x2], $0x80, s12, s25, $0xb8;
	[tilespmem:$0x18880] =	vst v63  }
0x18e: {  	_ =	swait.ge [sflag:s20], $0x4000  }
0x18f: {  	[sflag:s20] =	ssyncset.done $0x0  }
0x190: {  	[sflag:s20] =	ssyncadd.s32 $0xFFFFC000  }
0x191: {  	[tilespmem:s26], [sflag:$0x1] =	stream.indirect.gather [hbm4b:s5+s25], $0x80, s14, s25, $0xb8;
	[tilespmem:$0x18880] =	vst v63  }
0x192: {  	_ =	swait.ge [sflag:s28], $0x4000  }
0x193: {  	[sflag:s28] =	ssyncset.done $0x0  }
0x194: {  	[sflag:s28] =	ssyncadd.s32 $0xFFFFC000  }
0x195: {  	[spmem:s2] =	stream.indirect.scatter.add.f32 [tilespmem:s26], [sflag:$0x2], $0x80, s15, s25, $0xb8;
	[tilespmem:$0x18880] =	vst v63  }
0x196: {  	_ =	swait.ge [sflag:s20], $0x4000  }
0x197: {  	[sflag:s20] =	ssyncset.done $0x0  }
0x198: {  	[sflag:s20] =	ssyncadd.s32 $0xFFFFC000  }
0x199: {  	[tilespmem:s26], [sflag:$0x1] =	stream.indirect.gather [hbm4b:s5+s25], $0x80, s13, s25, $0xb8;
	[tilespmem:$0x18880] =	vst v63  }
0x19a: {  	_ =	swait.ge [sflag:s28], $0x4000  }
.Ltmp3:
0x19b: {  	[sflag:s28] =	ssyncset.done $0x0;
	(pc) =	sbr.rel @p1 .LBB2_6-.Ltmp3, $4  }
0x19c: {  	[sflag:s28] =	ssyncadd.s32 $0xFFFFC000  }
0x19d: {  	[spmem:s2] =	stream.indirect.scatter.add.f32 [tilespmem:s26], [sflag:$0x2], $0x80, s21, s25, $0xb8;
	[tilespmem:$0x18880] =	vst v63  }
0x19e: {  	_ =	swait.ge [sflag:s20], $0x4000  }
0x19f: {  	s6 =	smov.u32 s22;
	[sflag:s20] =	ssyncset.done $0x0  }
0x1a0: {  	s6 =	sadd.s32 s19, s17;
	[sflag:s20] =	ssyncadd.s32 $0xFFFFC000  }
0x1a1: {  	[tilespmem:s23], [sflag:$0x2] =	stream.linear.gather [hbm4b:s6+s3], $0x400, $0x38;
	[tilespmem:$0x18880] =	vst v63  }
0x1a2: {  	_ =	swait.ge [sflag:s20], $0x400  }
0x1a3: {  	[sflag:s20] =	ssyncset.done $0x0  }
0x1a4: {  	s29 =	sadd.s32 s19, s16;
	[sflag:s20] =	ssyncadd.s32 $0xFFFFFC00  }
0x1a5: {  	[tilespmem:s24], [sflag:$0x2] =	stream.linear.gather [hbm4b:s29+s3], $0x400, $0x38;
	[tilespmem:$0x18880] =	vst v63  }
0x1a6: {  	_ =	swait.ge [sflag:s20], $0x400  }
0x1a7: {  	[sflag:s20] =	ssyncset.done $0x0  }
0x1a8: {  	[sflag:s20] =	ssyncadd.s32 $0xFFFFFC00  }
0x1a9: {  	[tilespmem:s26], [sflag:$0x1] =	stream.indirect.gather [hbm4b:s5+s25], $0x80, s23, s25, $0xb8;
	[tilespmem:$0x18880] =	vst v63  }
0x1aa: {  	_ =	swait.ge [sflag:s28], $0x4000  }
0x1ab: {  	[sflag:s28] =	ssyncset.done $0x0  }
0x1ac: {  	[sflag:s28] =	ssyncadd.s32 $0xFFFFC000  }
0x1ad: {  	[spmem:s2] =	stream.indirect.scatter.add.f32 [tilespmem:s26], [sflag:$0x2], $0x80, s24, s25, $0xb8;
	[tilespmem:$0x18880] =	vst v63  }
0x1ae: {  	_ =	swait.ge [sflag:s20], $0x4000  }
0x1af: {  	[sflag:s20] =	ssyncset.done $0x0  }
0x1b0: {  	[sflag:s20] =	ssyncadd.s32 $0xFFFFC000  }
0x1b1: {  	[tilespmem:s26], [sflag:$0x1] =	stream.indirect.gather [hbm4b:s5+s25], $0x80, s10, s25, $0xb8;
	[tilespmem:$0x18880] =	vst v63  }
0x1b2: {  	_ =	swait.ge [sflag:s28], $0x4000  }
0x1b3: {  	[sflag:s28] =	ssyncset.done $0x0  }
0x1b4: {  	[sflag:s28] =	ssyncadd.s32 $0xFFFFC000  }
0x1b5: {  	[spmem:s2] =	stream.indirect.scatter.add.f32 [tilespmem:s26], [sflag:$0x2], $0x80, s30, s25, $0xb8;
	[tilespmem:$0x18880] =	vst v63  }
0x1b6: {  	_ =	swait.ge [sflag:s20], $0x4000  }
0x1b7: {  	[sflag:s20] =	ssyncset.done $0x0  }
0x1b8: {  	[sflag:s20] =	ssyncadd.s32 $0xFFFFC000  }
0x1b9: {  	[tilespmem:s26], [sflag:$0x1] =	stream.indirect.gather [hbm4b:s5+s25], $0x80, s31, s25, $0xb8;
	[tilespmem:$0x18880] =	vst v63  }
0x1ba: {  	_ =	swait.ge [sflag:s28], $0x4000  }
0x1bb: {  	[sflag:s28] =	ssyncset.done $0x0  }
0x1bc: {  	[sflag:s28] =	ssyncadd.s32 $0xFFFFC000  }
0x1bd: {  	[spmem:s2] =	stream.indirect.scatter.add.f32 [tilespmem:s26], [sflag:$0x2], $0x80, s0, s25, $0xb8;
	[tilespmem:$0x18880] =	vst v63  }
0x1be: {  	_ =	swait.ge [sflag:s20], $0x4000  }
0x1bf: {  	[sflag:s20] =	ssyncset.done $0x0  }
0x1c0: {  	[sflag:s20] =	ssyncadd.s32 $0xFFFFC000  }
0x1c1: {  	[tilespmem:s26], [sflag:$0x1] =	stream.indirect.gather [hbm4b:s5+s25], $0x80, s1, s25, $0xb8;
	[tilespmem:$0x18880] =	vst v63  }
0x1c2: {  	_ =	swait.ge [sflag:s28], $0x4000  }
0x1c3: {  	[sflag:s28] =	ssyncset.done $0x0  }
0x1c4: {  	[sflag:s28] =	ssyncadd.s32 $0xFFFFC000  }
0x1c5: {  	[spmem:s2] =	stream.indirect.scatter.add.f32 [tilespmem:s26], [sflag:$0x2], $0x80, s8, s25, $0xb8;
	[tilespmem:$0x18880] =	vst v63  }
0x1c6: {  	_ =	swait.ge [sflag:s20], $0x4000  }
0x1c7: {  	[sflag:s20] =	ssyncset.done $0x0  }
0x1c8: {  	[sflag:s20] =	ssyncadd.s32 $0xFFFFC000  }
0x1c9: {  	[tilespmem:s26], [sflag:$0x1] =	stream.indirect.gather [hbm4b:s5+s25], $0x80, s9, s25, $0xb8;
	[tilespmem:$0x18880] =	vst v63  }
0x1ca: {  	_ =	swait.ge [sflag:s28], $0x4000  }
0x1cb: {  	[sflag:s28] =	ssyncset.done $0x0  }
0x1cc: {  	[sflag:s28] =	ssyncadd.s32 $0xFFFFC000  }
0x1cd: {  	[spmem:s2] =	stream.indirect.scatter.add.f32 [tilespmem:s26], [sflag:$0x2], $0x80, s7, s25, $0xb8;
	[tilespmem:$0x18880] =	vst v63  }
0x1ce: {  	_ =	swait.ge [sflag:s20], $0x4000  }
0x1cf: {  	[sflag:s20] =	ssyncset.done $0x0  }
0x1d0: {  	[sflag:s20] =	ssyncadd.s32 $0xFFFFC000  }
0x1d1: {  	[tilespmem:s26], [sflag:$0x1] =	stream.indirect.gather [hbm4b:s5+s25], $0x80, s11, s25, $0xb8;
	[tilespmem:$0x18880] =	vst v63  }
0x1d2: {  	_ =	swait.ge [sflag:s28], $0x4000  }
0x1d3: {  	[sflag:s28] =	ssyncset.done $0x0  }
0x1d4: {  	[sflag:s28] =	ssyncadd.s32 $0xFFFFC000  }
0x1d5: {  	[spmem:s2] =	stream.indirect.scatter.add.f32 [tilespmem:s26], [sflag:$0x2], $0x80, s12, s25, $0xb8;
	[tilespmem:$0x18880] =	vst v63  }
0x1d6: {  	_ =	swait.ge [sflag:s20], $0x4000  }
0x1d7: {  	[sflag:s20] =	ssyncset.done $0x0  }
0x1d8: {  	[sflag:s20] =	ssyncadd.s32 $0xFFFFC000  }
0x1d9: {  	[tilespmem:s26], [sflag:$0x1] =	stream.indirect.gather [hbm4b:s5+s25], $0x80, s14, s25, $0xb8;
	[tilespmem:$0x18880] =	vst v63  }
0x1da: {  	_ =	swait.ge [sflag:s28], $0x4000  }
0x1db: {  	[sflag:s28] =	ssyncset.done $0x0  }
0x1dc: {  	[sflag:s28] =	ssyncadd.s32 $0xFFFFC000  }
0x1dd: {  	[spmem:s2] =	stream.indirect.scatter.add.f32 [tilespmem:s26], [sflag:$0x2], $0x80, s15, s25, $0xb8;
	[tilespmem:$0x18880] =	vst v63  }
0x1de: {  	_ =	swait.ge [sflag:s20], $0x4000  }
0x1df: {  	[sflag:s20] =	ssyncset.done $0x0  }
0x1e0: {  	[sflag:s20] =	ssyncadd.s32 $0xFFFFC000  }
0x1e1: {  	[tilespmem:s26], [sflag:$0x1] =	stream.indirect.gather [hbm4b:s5+s25], $0x80, s13, s25, $0xb8;
	[tilespmem:$0x18880] =	vst v63  }
0x1e2: {  	_ =	swait.ge [sflag:s28], $0x4000  }
0x1e3: {  	[sflag:s28] =	ssyncset.done $0x0  }
0x1e4: {  	[sflag:s28] =	ssyncadd.s32 $0xFFFFC000  }
0x1e5: {  	[spmem:s2] =	stream.indirect.scatter.add.f32 [tilespmem:s26], [sflag:$0x2], $0x80, s21, s25, $0xb8;
	[tilespmem:$0x18880] =	vst v63  }
0x1e6: {  	_ =	swait.ge [sflag:s20], $0x4000  }
0x1e7: {  	[sflag:s20] =	ssyncset.done $0x0  }
0x1e8: {  	s6 =	rddreg [dreg:$0x6];
	[sflag:s20] =	ssyncadd.s32 $0xFFFFC000  }
.LBB2_8:
0x1e9: {  	s10 =	rddreg [dreg:$0xa];
	[bflag:$0x0] =	sbarrier.arrive $0xFFFF  }
0x1ea: {  	s6 =	sadd.s32 s6, s10;
	s10 =	rddreg [dreg:$0x7]  }
0x1eb: {  	s19 =	rddreg [dreg:$0xd]  }
0x1ec: {  	[hbm:s6], [sflag:s10] =	dma.local [spmem:s19], $0x2800  }
0x1ed: {  	_ =	swait.ge [sflag:s20], $0x2800  }
0x1ee: {  	[sflag:s20] =	ssyncset.done $0x0  }
0x1ef: {  	s29 =	rddreg [dreg:$0x3];
	[sflag:s20] =	ssyncadd.s32 $0xFFFFD800  }
0x1f0: {  	[spmem:s19], [sflag:s10] =	dma.local [hbm:s29], $0x800  }
0x1f1: {  	_ =	swait.ge [sflag:s20], $0x800  }
0x1f2: {  	[sflag:s20] =	ssyncset.done $0x0  }
0x1f3: {  	s19 =	rddreg [dreg:$0xe];
	[sflag:s20] =	ssyncadd.s32 $0xFFFFF800  }
0x1f4: {  	[spmem:s19], [sflag:s10] =	dma.local [hbm:s29], $0x800  }
0x1f5: {  	_ =	swait.ge [sflag:s20], $0x800  }
0x1f6: {  	[sflag:s20] =	ssyncset.done $0x0  }
0x1f7: {  	s22 =	rddreg [dreg:$0xf];
	[sflag:s20] =	ssyncadd.s32 $0xFFFFF800  }
0x1f8: {  	[spmem:s22], [sflag:s10] =	dma.local [hbm:s29], $0x800  }
0x1f9: {  	_ =	swait.ge [sflag:s20], $0x800  }
0x1fa: {  	[sflag:s20] =	ssyncset.done $0x0  }
0x1fb: {  	s19 =	rddreg [dreg:$0x11];
	[sflag:s20] =	ssyncadd.s32 $0xFFFFF800  }
0x1fc: {  	[spmem:s19], [sflag:s10] =	dma.local [hbm:s29], $0x800  }
0x1fd: {  	_ =	swait.ge [sflag:s20], $0x800  }
0x1fe: {  	[sflag:s20] =	ssyncset.done $0x0  }
0x1ff: {  	s22 =	rddreg [dreg:$0x12];
	[sflag:s20] =	ssyncadd.s32 $0xFFFFF800  }
0x200: {  	[spmem:s22], [sflag:s10] =	dma.local [hbm:s29], $0x800  }
0x201: {  	_ =	swait.ge [sflag:s20], $0x800  }
0x202: {  	[sflag:s20] =	ssyncset.done $0x0  }
0x203: {  	s10 =	simm.s32 $0x0;
	s19 =	rddreg [dreg:$0x4];
	[sflag:s20] =	ssyncadd.s32 $0xFFFFF800  }
0x204: {  	[tilespmem:s26], [sflag:$0x2] =	stream.linear.gather [hbm4b:s19+s10], $0x4000, $0x38;
	[tilespmem:$0x18880] =	vst v63  }
0x205: {  	_ =	swait.ge [sflag:s20], $0x4000  }
0x206: {  	[sflag:s20] =	ssyncset.done $0x0  }
0x207: {  	[sflag:s20] =	ssyncadd.s32 $0xFFFFC000  }
0x208: {  	s22 =	sadd.s32 $0x0, s18;
	[bflag:$0x0] =	sbarrier.arrive $0xFFFF  }
0x209: {  	[tilespmem:s24], [sflag:$0x2] =	stream.linear.gather [hbm4b:s22+s3], $0x400, $0x38;
	[tilespmem:$0x18880] =	vst v63  }
0x20a: {  	_ =	swait.ge [sflag:s20], $0x400  }
0x20b: {  	[sflag:s20] =	ssyncset.done $0x0  }
0x20c: {  	[sflag:s20] =	ssyncadd.s32 $0xFFFFFC00  }
0x20d: {  	[spmem:s2] =	stream.indirect.scatter.add.f32 [tilespmem:s26], [sflag:$0x2], $0x80, s24, s25, $0xb8;
	[tilespmem:$0x18880] =	vst v63  }
0x20e: {  	_ =	swait.ge [sflag:s20], $0x4000  }
0x20f: {  	[sflag:s20] =	ssyncset.done $0x0  }
0x210: {  	[sflag:s20] =	ssyncadd.s32 $0xFFFFC000  }
0x211: {  	[spmem:s2] =	stream.indirect.scatter.add.f32 [tilespmem:s26], [sflag:$0x2], $0x80, s30, s25, $0xb8;
	[tilespmem:$0x18880] =	vst v63  }
0x212: {  	_ =	swait.ge [sflag:s20], $0x4000  }
0x213: {  	[sflag:s20] =	ssyncset.done $0x0  }
0x214: {  	[sflag:s20] =	ssyncadd.s32 $0xFFFFC000  }
0x215: {  	[spmem:s2] =	stream.indirect.scatter.add.f32 [tilespmem:s26], [sflag:$0x2], $0x80, s0, s25, $0xb8;
	[tilespmem:$0x18880] =	vst v63  }
0x216: {  	_ =	swait.ge [sflag:s20], $0x4000  }
0x217: {  	[sflag:s20] =	ssyncset.done $0x0  }
0x218: {  	[sflag:s20] =	ssyncadd.s32 $0xFFFFC000  }
0x219: {  	[spmem:s2] =	stream.indirect.scatter.add.f32 [tilespmem:s26], [sflag:$0x2], $0x80, s8, s25, $0xb8;
	[tilespmem:$0x18880] =	vst v63  }
0x21a: {  	_ =	swait.ge [sflag:s20], $0x4000  }
0x21b: {  	[sflag:s20] =	ssyncset.done $0x0  }
0x21c: {  	[sflag:s20] =	ssyncadd.s32 $0xFFFFC000  }
0x21d: {  	[spmem:s2] =	stream.indirect.scatter.add.f32 [tilespmem:s26], [sflag:$0x2], $0x80, s7, s25, $0xb8;
	[tilespmem:$0x18880] =	vst v63  }
0x21e: {  	_ =	swait.ge [sflag:s20], $0x4000  }
0x21f: {  	[sflag:s20] =	ssyncset.done $0x0  }
0x220: {  	[sflag:s20] =	ssyncadd.s32 $0xFFFFC000  }
0x221: {  	[spmem:s2] =	stream.indirect.scatter.add.f32 [tilespmem:s26], [sflag:$0x2], $0x80, s12, s25, $0xb8;
	[tilespmem:$0x18880] =	vst v63  }
0x222: {  	_ =	swait.ge [sflag:s20], $0x4000  }
0x223: {  	[sflag:s20] =	ssyncset.done $0x0  }
0x224: {  	[sflag:s20] =	ssyncadd.s32 $0xFFFFC000  }
0x225: {  	[spmem:s2] =	stream.indirect.scatter.add.f32 [tilespmem:s26], [sflag:$0x2], $0x80, s15, s25, $0xb8;
	[tilespmem:$0x18880] =	vst v63  }
0x226: {  	_ =	swait.ge [sflag:s20], $0x4000  }
0x227: {  	[sflag:s20] =	ssyncset.done $0x0  }
0x228: {  	[sflag:s20] =	ssyncadd.s32 $0xFFFFC000  }
0x229: {  	[spmem:s2] =	stream.indirect.scatter.add.f32 [tilespmem:s26], [sflag:$0x2], $0x80, s21, s25, $0xb8;
	[tilespmem:$0x18880] =	vst v63  }
0x22a: {  	_ =	swait.ge [sflag:s20], $0x4000  }
0x22b: {  	s6 =	simm.s32 $0x100;
	s19 =	simm.s32 $0x80;
	[sflag:s20] =	ssyncset.done $0x0  }
.LBB2_9:
0x22c: {  	s10 =	sadd.s32 s19, s18  }
0x22d: {  	[sflag:s20] =	ssyncadd.s32 $0xFFFFC000;
	s19 =	smov.u32 s6;
	s22 =	sadd.s32 $0x80, s6  }
0x22e: {  	[tilespmem:s24], [sflag:$0x2] =	stream.linear.gather [hbm4b:s10+s3], $0x400, $0x38;
	[tilespmem:$0x18880] =	vst v63  }
0x22f: {  	p1 =	sne.s32 s6, $0x200;
	_ =	swait.ge [sflag:s20], $0x400  }
0x230: {  	[sflag:s20] =	ssyncset.done $0x0  }
0x231: {  	[sflag:s20] =	ssyncadd.s32 $0xFFFFFC00  }
0x232: {  	[spmem:s2] =	stream.indirect.scatter.add.f32 [tilespmem:s26], [sflag:$0x2], $0x80, s24, s25, $0xb8;
	[tilespmem:$0x18880] =	vst v63  }
0x233: {  	_ =	swait.ge [sflag:s20], $0x4000  }
0x234: {  	[sflag:s20] =	ssyncset.done $0x0  }
0x235: {  	[sflag:s20] =	ssyncadd.s32 $0xFFFFC000  }
0x236: {  	[spmem:s2] =	stream.indirect.scatter.add.f32 [tilespmem:s26], [sflag:$0x2], $0x80, s30, s25, $0xb8;
	[tilespmem:$0x18880] =	vst v63  }
0x237: {  	_ =	swait.ge [sflag:s20], $0x4000  }
0x238: {  	[sflag:s20] =	ssyncset.done $0x0  }
0x239: {  	[sflag:s20] =	ssyncadd.s32 $0xFFFFC000  }
0x23a: {  	[spmem:s2] =	stream.indirect.scatter.add.f32 [tilespmem:s26], [sflag:$0x2], $0x80, s0, s25, $0xb8;
	[tilespmem:$0x18880] =	vst v63  }
0x23b: {  	_ =	swait.ge [sflag:s20], $0x4000  }
0x23c: {  	[sflag:s20] =	ssyncset.done $0x0  }
0x23d: {  	[sflag:s20] =	ssyncadd.s32 $0xFFFFC000  }
0x23e: {  	[spmem:s2] =	stream.indirect.scatter.add.f32 [tilespmem:s26], [sflag:$0x2], $0x80, s8, s25, $0xb8;
	[tilespmem:$0x18880] =	vst v63  }
0x23f: {  	_ =	swait.ge [sflag:s20], $0x4000  }
0x240: {  	[sflag:s20] =	ssyncset.done $0x0  }
0x241: {  	[sflag:s20] =	ssyncadd.s32 $0xFFFFC000  }
0x242: {  	[spmem:s2] =	stream.indirect.scatter.add.f32 [tilespmem:s26], [sflag:$0x2], $0x80, s7, s25, $0xb8;
	[tilespmem:$0x18880] =	vst v63  }
0x243: {  	_ =	swait.ge [sflag:s20], $0x4000  }
0x244: {  	[sflag:s20] =	ssyncset.done $0x0  }
0x245: {  	[sflag:s20] =	ssyncadd.s32 $0xFFFFC000  }
0x246: {  	[spmem:s2] =	stream.indirect.scatter.add.f32 [tilespmem:s26], [sflag:$0x2], $0x80, s12, s25, $0xb8;
	[tilespmem:$0x18880] =	vst v63  }
0x247: {  	_ =	swait.ge [sflag:s20], $0x4000  }
0x248: {  	[sflag:s20] =	ssyncset.done $0x0  }
0x249: {  	[sflag:s20] =	ssyncadd.s32 $0xFFFFC000  }
0x24a: {  	[spmem:s2] =	stream.indirect.scatter.add.f32 [tilespmem:s26], [sflag:$0x2], $0x80, s15, s25, $0xb8;
	[tilespmem:$0x18880] =	vst v63  }
0x24b: {  	_ =	swait.ge [sflag:s20], $0x4000  }
.Ltmp4:
0x24c: {  	[sflag:s20] =	ssyncset.done $0x0;
	(pc) =	sbr.rel @p1 .LBB2_9-.Ltmp4, $4  }
0x24d: {  	[sflag:s20] =	ssyncadd.s32 $0xFFFFC000  }
0x24e: {  	[spmem:s2] =	stream.indirect.scatter.add.f32 [tilespmem:s26], [sflag:$0x2], $0x80, s21, s25, $0xb8;
	[tilespmem:$0x18880] =	vst v63  }
0x24f: {  	_ =	swait.ge [sflag:s20], $0x4000  }
0x250: {  	s6 =	smov.u32 s22;
	[sflag:s20] =	ssyncset.done $0x0  }
0x251: {  	s6 =	sadd.s32 s19, s18;
	[sflag:s20] =	ssyncadd.s32 $0xFFFFC000  }
0x252: {  	[tilespmem:s24], [sflag:$0x2] =	stream.linear.gather [hbm4b:s6+s3], $0x400, $0x38;
	[tilespmem:$0x18880] =	vst v63  }
0x253: {  	_ =	swait.ge [sflag:s20], $0x400  }
0x254: {  	[sflag:s20] =	ssyncset.done $0x0  }
0x255: {  	[sflag:s20] =	ssyncadd.s32 $0xFFFFFC00  }
0x256: {  	[spmem:s2] =	stream.indirect.scatter.add.f32 [tilespmem:s26], [sflag:$0x2], $0x80, s24, s25, $0xb8;
	[tilespmem:$0x18880] =	vst v63  }
0x257: {  	_ =	swait.ge [sflag:s20], $0x4000  }
0x258: {  	[sflag:s20] =	ssyncset.done $0x0  }
0x259: {  	[sflag:s20] =	ssyncadd.s32 $0xFFFFC000  }
0x25a: {  	[spmem:s2] =	stream.indirect.scatter.add.f32 [tilespmem:s26], [sflag:$0x2], $0x80, s30, s25, $0xb8;
	[tilespmem:$0x18880] =	vst v63  }
0x25b: {  	_ =	swait.ge [sflag:s20], $0x4000  }
0x25c: {  	[sflag:s20] =	ssyncset.done $0x0  }
0x25d: {  	[sflag:s20] =	ssyncadd.s32 $0xFFFFC000  }
0x25e: {  	[spmem:s2] =	stream.indirect.scatter.add.f32 [tilespmem:s26], [sflag:$0x2], $0x80, s0, s25, $0xb8;
	[tilespmem:$0x18880] =	vst v63  }
0x25f: {  	_ =	swait.ge [sflag:s20], $0x4000  }
0x260: {  	[sflag:s20] =	ssyncset.done $0x0  }
0x261: {  	[sflag:s20] =	ssyncadd.s32 $0xFFFFC000  }
0x262: {  	[spmem:s2] =	stream.indirect.scatter.add.f32 [tilespmem:s26], [sflag:$0x2], $0x80, s8, s25, $0xb8;
	[tilespmem:$0x18880] =	vst v63  }
0x263: {  	_ =	swait.ge [sflag:s20], $0x4000  }
0x264: {  	[sflag:s20] =	ssyncset.done $0x0  }
0x265: {  	[sflag:s20] =	ssyncadd.s32 $0xFFFFC000  }
0x266: {  	[spmem:s2] =	stream.indirect.scatter.add.f32 [tilespmem:s26], [sflag:$0x2], $0x80, s7, s25, $0xb8;
	[tilespmem:$0x18880] =	vst v63  }
0x267: {  	_ =	swait.ge [sflag:s20], $0x4000  }
0x268: {  	[sflag:s20] =	ssyncset.done $0x0  }
0x269: {  	[sflag:s20] =	ssyncadd.s32 $0xFFFFC000  }
0x26a: {  	[spmem:s2] =	stream.indirect.scatter.add.f32 [tilespmem:s26], [sflag:$0x2], $0x80, s12, s25, $0xb8;
	[tilespmem:$0x18880] =	vst v63  }
0x26b: {  	_ =	swait.ge [sflag:s20], $0x4000  }
0x26c: {  	[sflag:s20] =	ssyncset.done $0x0  }
0x26d: {  	[sflag:s20] =	ssyncadd.s32 $0xFFFFC000  }
0x26e: {  	[spmem:s2] =	stream.indirect.scatter.add.f32 [tilespmem:s26], [sflag:$0x2], $0x80, s15, s25, $0xb8;
	[tilespmem:$0x18880] =	vst v63  }
0x26f: {  	_ =	swait.ge [sflag:s20], $0x4000  }
0x270: {  	[sflag:s20] =	ssyncset.done $0x0  }
0x271: {  	[sflag:s20] =	ssyncadd.s32 $0xFFFFC000  }
0x272: {  	[spmem:s2] =	stream.indirect.scatter.add.f32 [tilespmem:s26], [sflag:$0x2], $0x80, s21, s25, $0xb8;
	[tilespmem:$0x18880] =	vst v63  }
0x273: {  	_ =	swait.ge [sflag:s20], $0x4000  }
0x274: {  	[sflag:s20] =	ssyncset.done $0x0  }
0x275: {  	[sflag:s20] =	ssyncadd.s32 $0xFFFFC000  }
0x276: {  	[bflag:$0x0] =	sbarrier.arrive $0xFFFF  }
0x277: {  	s10 =	rddreg [dreg:$0x7]  }
0x278: {  	s22 =	rddreg [dreg:$0xc]  }
0x279: {  	s19 =	rddreg [dreg:$0xd]  }
0x27a: {  	[hbm:s22], [sflag:s10] =	dma.local [spmem:s19], $0x2800  }
0x27b: {  	_ =	swait.ge [sflag:s20], $0x2800  }
0x27c: {  	s22 =	rddreg [dreg:$0x10]  }
0x27d: {  	s6 =	rddreg [dreg:$0xb];
	s22 =	sadd.s32 $0x1, s22  }
0x27e: {  	p1 =	sne.s32 s22, s6  }
.Ltmp5:
0x27f: {  	_ = 	snop;
	(pc) =	sbr.rel @p1 .LBB2_1-.Ltmp5, $3  }
0x280: {  	_ =	sdelay $0x1  }
0x281: {  	[sflag:s20] =	ssyncset.done $0x0  }
0x282: {  	[sflag:s20] =	ssyncadd.s32 $0xFFFFD800  }
0x283: {  	_ =	sfence.sel $0x180000  }
0x284: {  	[bflag:$0x0] =	sbarrier.arrive $0xFFFF  }
0x285: {  	_ =	strace $0x90000047  }
0x286: {  	s0 =	stileid.u32;
	[bflag:$0x2] =	sbarrier.arrive $0xFFFF  }
0x287: {  	p0 =	sne.s32 s0, $0x0;
	s0 =	rddreg [dreg:$0x2]  }
0x288: {  	s0 =	sadd.s32 @!p0 $0x100000, s0  }
0x289: {  	[sflag:s0] =	ssyncadd.tile.s32 @!p0 $0x1;
	_ =	shalt  }
.Lfunc_end2:
_tile_overlayer_lowered:
.L_overlay_start_2:
0x28a: {  	(tag) =	ssettag $0x2  }
0x28b: {  	s0 =	rddreg [dreg:$0x0];
	s2 =	stileid.u32  }
0x28c: {  	s1 =	rddreg [dreg:$0x1];
	p0 =	sne.s32 s2, $0x0  }
0x28d: {  	s3 =	rddreg [dreg:$0x2];
	[bflag:$0x3] =	sbarrier.arrive $0xFFFF;
	s2 =	simm.s32 @!p0 $0x1C02  }
0x28e: {  	[timem:s3], [sflag:s2] =	dma.local @!p0 [hbm:s0], s1  }
0x28f: {  	s0 =	simm.s32 @!p0 $0x2  }
0x290: {  	_ =	swait.ge @!p0 [sflag:s0], s1  }
0x291: {  	s1 =	ssub.s32 @!p0 $0x0, s1;
	[sflag:s0] =	ssyncset.done @!p0 $0x0  }
0x292: {  	[sflag:s0] =	ssyncadd.s32 @!p0 s1  }
0x293: {  	[bflag:$0x3] =	sbarrier.arrive $0xFFFF  }
0x294: {  	_ =	shalt  }

// kernel: kernel.9.cloned.1.call-start
scs
__scs_entry_jumppad:
0x0: {  	(pc) =	sbr.rel $0x88, $3  }
0x1: {  	(tag) =	ssettag $0x0;
	lr =	simm.s32 $0x1  }
0x2: {  	[smem:$0x3F96] =	sst lr;
	_ =	strace $0xD0000000  }
0x3: {  	_ = 	snop  }
0x4: {  	_ = 	snop  }
0x5: {  	_ = 	snop  }
0x6: {  	_ = 	snop  }
0x7: {  	_ = 	snop  }
__scs_overlays_trampoline_lowered:
0x8: {  	[smem:$0x3FA5] =	sst s0  }
0x9: {  	[smem:$0x3FA6] =	sst s1  }
0xa: {  	[smem:$0x3FA7] =	sst s2  }
0xb: {  	[smem:$0x3FA8] =	sst s3  }
0xc: {  	[smem:$0x3FA9] =	sst s4  }
0xd: {  	[smem:$0x3FAA] =	sst s5  }
0xe: {  	[smem:$0x3FAB] =	sst s6  }
0xf: {  	[smem:$0x3FAC] =	sst s7  }
0x10: {  	[smem:$0x3FAD] =	sst s8  }
0x11: {  	[smem:$0x3FAE] =	sst s9;
	s0 =	simm.s32 @!p0 $0x0  }
0x12: {  	s1 =	sld [smem:$0x3F94];
	s0 =	simm.s32 @p0 $0x1  }
0x13: {  	[smem:$0x3FAF] =	sst s0;
	s0 =	simm.s32 @!p1 $0x0  }
0x14: {  	s2 =	sld [smem:$0x3F93];
	s0 =	simm.s32 @p1 $0x1  }
0x15: {  	[smem:$0x3FB0] =	sst s0;
	s0 =	simm.s32 @!p2 $0x0  }
0x16: {  	s3 =	sld [smem:$0x3FDB];
	s0 =	simm.s32 @p2 $0x1  }
0x17: {  	s4 =	simm.s32 $0x1BF5;
	[smem:$0x3FB2] =	sst s0  }
0x18: {  	s0 =	sld [smem:$0x3F95];
	_ =	swait.ge [sflag:s4], $0x0  }
0x19: {  	s7 =	sld [smem:$0x3F96]  }
0x1a: {  	s8 =	sadd.s32 $0xFFFFE003, lr  }
0x1b: {  	s9 =	sadd.s32 $0xFFFFFEF7, lr;
	s5 =	simm.s32 $0xFFFFFFFF;
	p2 =	slt.u32 s8, $0xFFFFF086  }
0x1c: {  	p1 =	slt.u32 s9, $0xF7A;
	s5 =	simm.s32 @!p2 $0x0  }
0x1d: {  	s5 =	simm.s32 @p1 $0x1;
	p0 =	seq.s32 s7, s2  }
0x1e: {  	s7 =	smul.u32 @!p0 $0xF7A, s2;
	p2 =	seq.s32 @!p0 s5, $0x0  }
0x1f: {  	s9 =	smul.u32 $0xF7A, s1;
	s8 =	simm.s32 @!p0 $0x1BF5;
	p2 =	por !p2, p0  }
0x20: {  	[sflag:s8] =	ssyncset.s32 @!p0 $0xFFFFF086;
	s6 =	sadd.s32 @!p0 s3, s7;
	s7 =	simm.s32 @!p0 $0x108  }
0x21: {  	s3 =	sadd.s32 s3, s9;
	s6 =	sadd.s32 @!p0 $0x88, s6;
	s7 =	simm.s32 @p2 $0x1082  }
0x22: {  	[simem:s7], [sflag:s8] =	dma.local @!p0 [hbm:s6], $0xF7A  }
0x23: {  	s9 =	sor.u32 $0xD0000000, s2;
	s6 =	simm.s32 $0x108;
	_ =	swait.ge @!p0 [sflag:s8], $0x0  }
0x24: {  	s3 =	sadd.s32 $0x88, s3;
	s6 =	simm.s32 @!p1 $0x1082;
	[sflag:s4] =	ssyncset.s32 $0xFFFFF086  }
0x25: {  	[simem:s6], [sflag:s4] =	dma.local [hbm:s3], $0xF7A  }
0x26: {  	[smem:$0x3F96] =	sst s1;
	(tag) =	ssettag s2;
	_ =	strace s9  }
0x27: {  	s1 =	sld [smem:$0x3FA6]  }
0x28: {  	s2 =	sld [smem:$0x3FA7]  }
0x29: {  	s4 =	sld [smem:$0x3FA9]  }
0x2a: {  	p0 =	seq.s32 s5, $0x0;
	s5 =	sld [smem:$0x3FAA]  }
0x2b: {  	s6 =	sld [smem:$0x3FAB]  }
0x2c: {  	s7 =	sld [smem:$0x3FAC]  }
0x2d: {  	s3 =	simm.s32 $0x108;
	s8 =	sld [smem:$0x3FAD]  }
0x2e: {  	s3 =	simm.s32 @!p0 $0x1082;
	s9 =	sld [smem:$0x3FAE]  }
0x2f: {  	lr =	sadd.s32 s0, s3;
	s0 =	sld [smem:$0x3FA5]  }
0x30: {  	s3 =	sld [smem:$0x3FA8]  }
0x31: {  	[smem:$0x3FB1] =	sst s10  }
0x32: {  	s10 =	sld [smem:$0x3FAF];
	_ =	sdelay $0x3  }
0x33: {  	p0 =	seq.s32 s10, $0x1;
	s10 =	sld [smem:$0x3FB1];
	_ =	sdelay $0x3  }
0x34: {  	[smem:$0x3FB1] =	sst s10  }
0x35: {  	s10 =	sld [smem:$0x3FB0];
	_ =	sdelay $0x3  }
0x36: {  	p1 =	seq.s32 s10, $0x1;
	s10 =	sld [smem:$0x3FB1];
	_ =	sdelay $0x3  }
0x37: {  	[smem:$0x3FB1] =	sst s10  }
0x38: {  	s10 =	sld [smem:$0x3FB2]  }
0x39: {  	_ = 	snop;
	(pc) =	sbr.ind lr, $3  }
0x3a: {  	_ = 	snop  }
0x3b: {  	_ = 	snop  }
0x3c: {  	p2 =	seq.s32 s10, $0x1;
	s10 =	sld [smem:$0x3FB1]  }
0x3d: {  	_ =	shalt  }
0x3e: {  	_ =	shalt  }
0x3f: {  	_ =	shalt  }
0x40: {  	_ =	shalt  }
0x41: {  	_ =	shalt  }
0x42: {  	_ =	shalt  }
0x43: {  	_ =	shalt  }
0x44: {  	_ =	shalt  }
0x45: {  	_ =	shalt  }
0x46: {  	_ =	shalt  }
0x47: {  	_ =	shalt  }
0x48: {  	_ =	shalt  }
0x49: {  	_ =	shalt  }
0x4a: {  	_ =	shalt  }
0x4b: {  	_ =	shalt  }
0x4c: {  	_ =	shalt  }
0x4d: {  	_ =	shalt  }
0x4e: {  	_ =	shalt  }
0x4f: {  	_ =	shalt  }
0x50: {  	_ =	shalt  }
0x51: {  	_ =	shalt  }
0x52: {  	_ =	shalt  }
0x53: {  	_ =	shalt  }
0x54: {  	_ =	shalt  }
0x55: {  	_ =	shalt  }
0x56: {  	_ =	shalt  }
0x57: {  	_ =	shalt  }
0x58: {  	_ =	shalt  }
0x59: {  	_ =	shalt  }
0x5a: {  	_ =	shalt  }
0x5b: {  	_ =	shalt  }
0x5c: {  	_ =	shalt  }
0x5d: {  	_ =	shalt  }
0x5e: {  	_ =	shalt  }
0x5f: {  	_ =	shalt  }
0x60: {  	_ =	shalt  }
0x61: {  	_ =	shalt  }
0x62: {  	_ =	shalt  }
0x63: {  	_ =	shalt  }
0x64: {  	_ =	shalt  }
0x65: {  	_ =	shalt  }
0x66: {  	_ =	shalt  }
0x67: {  	_ =	shalt  }
0x68: {  	_ =	shalt  }
0x69: {  	_ =	shalt  }
0x6a: {  	_ =	shalt  }
0x6b: {  	_ =	shalt  }
0x6c: {  	_ =	shalt  }
0x6d: {  	_ =	shalt  }
0x6e: {  	_ =	shalt  }
0x6f: {  	_ =	shalt  }
0x70: {  	_ =	shalt  }
0x71: {  	_ =	shalt  }
0x72: {  	_ =	shalt  }
0x73: {  	_ =	shalt  }
0x74: {  	_ =	shalt  }
0x75: {  	_ =	shalt  }
0x76: {  	_ =	shalt  }
0x77: {  	_ =	shalt  }
0x78: {  	_ =	shalt  }
0x79: {  	_ =	shalt  }
0x7a: {  	_ =	shalt  }
0x7b: {  	_ =	shalt  }
0x7c: {  	_ =	shalt  }
0x7d: {  	_ =	shalt  }
0x7e: {  	_ =	shalt  }
0x7f: {  	_ =	shalt  }
0x80: {  	_ =	shalt  }
0x81: {  	_ =	shalt  }
0x82: {  	_ =	shalt  }
0x83: {  	_ =	shalt  }
0x84: {  	_ =	shalt  }
0x85: {  	_ =	shalt  }
0x86: {  	_ =	shalt  }
0x87: {  	_ =	shalt  }
.Lfunc_end0:
.L_simem_size_0:
called_computation.1_lowered:
.L_overlay_start_0:
0x88: {  	s2 =	sld [smem:$0x3FD9]  }
0x89: {  	s3 =	sld [smem:$0x3FFE];
	_ =	sdelay $0x1  }
0x8a: {  	s1 =	srdreg.scid  }
0x8b: {  	s0 =	sand.u32 $0x1, s1  }
0x8c: {  	s16 =	sshll.u32 s0, $0xA;
	s2 =	sadd.s32 s3, s2  }
0x8d: {  	s2 =	sadd.s32 s2, s16  }
0x8e: {  	[smem:$0x3FBD] =	sst s2  }
0x8f: {  	_ = 	snop  }
0x90: {  	(tm) =	ssettm $0x1  }
0x91: {  	s17 =	sld [smem:$0x3FFB];
	_ =	sdelay $0x3  }
0x92: {  	_ =	strace s17  }
0x93: {  	s2 =	sld [smem:$0x3FFC];
	_ =	sdelay $0x3  }
0x94: {  	_ =	strace s2  }
0x95: {  	s2 =	sld [smem:$0x3FFD];
	_ =	sdelay $0x3  }
0x96: {  	_ =	strace s2  }
0x97: {  	_ =	strace $0x8FFFFFFF  }
0x98: {  	s18 =	sld [smem:$0x3FDB];
	_ =	sdelay $0x1  }
0x99: {  	s19 =	simm.s32 $_scs_section_size  }
0x9a: {  	s4 =	simm.s32 $_size__tile_overlayer_lowered;
	s5 =	simm.s32 $_tile_overlayer_lowered  }
0x9b: {  	s22 =	simm.s32 $0x1BFF;
	s21 =	sshll.u32 s5, $0x1;
	s2 =	sadd.s32 s19, s18  }
0x9c: {  	s6 =	simm.s32 $0x0;
	s20 =	sshll.u32 s4, $0x1;
	s4 =	sadd.s32 s21, s2  }
0x9d: {  	[timem:s6], [sflag:s22] =	dma.local [hbm:s4], s20  }
0x9e: {  	_ =	swait.ge [sflag:s22], s20  }
0x9f: {  	s3 =	ssub.s32 $0x0, s20;
	[sflag:s22] =	ssyncset.done $0x0  }
0xa0: {  	[sflag:s22] =	ssyncadd.s32 s3;
	_ =	sdelay $0x1  }
0xa1: {  	s23 =	simm.s32 $0x1B8B  }
0xa2: {  	_ =	swait.ge [sflag:s23], $0x1  }
0xa3: {  	[sflag:s23] =	ssyncset.done $0x0  }
0xa4: {  	s25 =	simm.s32 $0x1B8E;
	s24 =	sld [smem:$0x3FFE];
	[sflag:s23] =	ssyncadd.s32 $0xFFFFFFFF  }
0xa5: {  	s26 =	simm.s32 $execute0_lowered;
	[smem:$0x3FD2] =	sst s25  }
0xa6: {  	s4 =	sshll.u32 s26, $0x1;
	_ =	strace $0x80000049;
	[dreg:$0x1] =	wrdreg $0xFFFFFFFF  }
0xa7: {  	s28 =	simm.s32 $_size_execute0_lowered;
	s2 =	sadd.s32 s2, s4;
	[dreg:$0x0] =	wrdreg $0x0  }
0xa8: {  	s4 =	sshll.u32 s28, $0x1;
	[dreg:$0x2] =	wrdreg s2  }
0xa9: {  	[dreg:$0x3] =	wrdreg s4  }
0xaa: {  	[dreg:$0x4] =	wrdreg $0xC0  }
0xab: {  	_ =	task [dreg:s6], $0x5FFFF  }
0xac: {  	[dreg:$0x1] =	wrdreg $0xFFFFFFFF  }
0xad: {  	[dreg:$0x0] =	wrdreg $0x60  }
0xae: {  	[dreg:$0x2] =	wrdreg s24  }
0xaf: {  	[dreg:$0x3] =	wrdreg $0x0  }
0xb0: {  	[dreg:$0x4] =	wrdreg $0x9  }
0xb1: {  	_ =	task.clear_ibuf [dreg:s6], $0x5FFFF;
	_ =	strace $0x90000049  }
0xb2: {  	s29 =	simm.s32 $0x9;
	_ =	strace $0x8000004B  }
0xb3: {  	_ =	swait.ge [sflag:s29], $0x1  }
0xb4: {  	[sflag:s29] =	ssyncadd.s32 $0xFFFFFFFF  }
0xb5: {  	_ =	strace $0x9000004B  }
0xb6: {  	_ =	sfence  }
0xb7: {  	s30 =	sld [smem:$0x0];
	_ =	sdelay $0x2  }
0xb8: {  	s31 =	sshll.u32 s1, $0xD;
	s1 =	sshrl.u32 s1, $0x2  }
0xb9: {  	s3 =	sand.u32 $0x4000, s31;
	s1 =	sadd.s32 s1, s30  }
0xba: {  	s0 =	sor.u32 s3, s0;
	s1 =	sshll.u32 s1, $0x11  }
0xbb: {  	s0 =	sor.u32 s1, s0  }
0xbc: {  	s0 =	sadd.s32 $0x8F2B, s0  }
0xbd: {  	[sflag:s0] =	ssyncadd.remote.s32 $0x1  }
0xbe: {  	_ =	sfence.sel $0xFFFF  }
0xbf: {  	[dreg:$0x0] =	wrdreg $0xFFFFFFFF;
	(pc) =	sbr.abs _section_cstart, $3  }
0xc0: {  	[dreg:$0x1] =	wrdreg $0xFFFFFFFF  }
0xc1: {  	_ =	task.clear_ibuf [dreg:s6], $0x2FFFF;
	_ =	strace $0x9FFFFFFF  }
0xc2: {  	(tm) =	ssettm $0x7FFFFFFF  }
0xc3: {  	_ =	shalt  }
tec
execute0_lowered:
.L_overlay_start_1:
0x0: {  	(tag) =	ssettag $0x1  }
0x1: {  	s0 =	rddreg [dreg:$0x0]  }
0x2: {  	s2 =	rddreg [dreg:$0x1]  }
0x3: {  	s3 =	simm.s32 $0x0;
	s12 =	stileid.u32;
	s16 =	srdreg.scid  }
0x4: {  	s21 =	simm.s32 $0x2;
	s28 =	simm.s32 $0x14880;
	s29 =	simm.s32 $0x1  }
0x5: {  	s30 =	simm.s32 $0x14100;
	s31 =	simm.s32 $0x14500;
	[smem:$0x7FF] =	sst s3  }
0x6: {  	s1 =	smul.u32 $0x500, s12;
	s4 =	sadd.s32 $0x3A00, s0;
	s5 =	sadd.s32 $0x5CE00, s0  }
0x7: {  	s6 =	sadd.s32 $0x84E00, s0;
	s7 =	sadd.s32 $0xFCE00, s0;
	s8 =	sadd.s32 $0x5C600, s0  }
0x8: {  	s15 =	sadd.s32 $0x124E00, s0;
	_ =	strace $0x8000004A;
	[dreg:$0x3] =	wrdreg s8  }
0x9: {  	s9 =	sadd.s32 $0x14CE00, s0;
	s17 =	smul.u32 $0x50000, s12;
	[dreg:$0x4] =	wrdreg s15  }
0xa: {  	s10 =	sadd.s32 $0x174E00, s0;
	s11 =	sshll.u32 s12, $0x6;
	[dreg:$0x5] =	wrdreg s9  }
0xb: {  	s12 =	smul.u32 $0x2800, s12;
	s8 =	sand.u32 $0x1, s16;
	[dreg:$0x6] =	wrdreg s10  }
0xc: {  	s13 =	sor.u32 $0x1C02, s11;
	s10 =	simm.s32 $0x14600;
	s11 =	simm.s32 $0x14280  }
0xd: {  	s15 =	simm.s32 $0x14700;
	s16 =	simm.s32 $0x14780;
	s1 =	sadd.s32 s1, s0  }
0xe: {  	s0 =	sadd.s32 $0x19CE00, s0;
	s18 =	ssub.s32 $0x2, s8;
	s9 =	sshrl.u32 s17, $0x2  }
0xf: {  	[dreg:$0xb] =	wrdreg s12;
	p0 =	sne.s32 s8, $0x0;
	s12 =	simm.s32 $0x14680  }
0x10: {  	s17 =	simm.s32 $0x14380;
	[dreg:$0x8] =	wrdreg s13;
	s19 =	sshrl.u32 s18, $0x1  }
0x11: {  	[dreg:$0x7] =	wrdreg s0;
	s9 =	sadd.s32 s9, s2;
	s0 =	ssub.s32 s18, s19  }
0x12: {  	s20 =	sadd.s32 $0x4000, s9;
	s22 =	sadd.s32 $0x8000, s9;
	s14 =	sadd.s32 $0xC000, s9  }
0x13: {  	s23 =	sadd.s32 $0x10000, s9;
	s18 =	sadd.s32 $0x51E00, s1;
	s19 =	sadd.s32 $0x56E00, s1  }
0x14: {  	s24 =	sshrl.u32 s9, $0x3;
	s1 =	simm.s32 $0x14580;
	[dreg:$0x9] =	wrdreg s14  }
0x15: {  	s9 =	simm.s32 $0x14200;
	[dreg:$0xa] =	wrdreg s23;
	s0 =	smax.u32 s0, $0x1  }
.Ltmp0:
0x16: {  	[dreg:$0xd] =	wrdreg s24;
	s25 =	sshrl.u32 s20, $0x3;
	(pc) =	sbr.rel .LBB2_1-.Ltmp0, $4  }
0x17: {  	s26 =	sshrl.u32 s22, $0x3;
	s24 =	simm.s32 $0x14080;
	[dreg:$0xc] =	wrdreg s0  }
0x18: {  	s14 =	simm.s32 $0x14300;
	s22 =	simm.s32 $0x14400;
	[dreg:$0xe] =	wrdreg s25  }
0x19: {  	s23 =	simm.s32 $0x14800;
	s20 =	simm.s32 $0x0;
	[dreg:$0xf] =	wrdreg s26  }
0x1a: {  	s25 =	simm.s32 $0x14480;
	s26 =	simm.s32 $0x80;
	s0 =	simm.s32 $0x14180  }
.LBB2_14:
0x1b: {  	s8 =	sadd.s32 s20, s19;
	[sflag:s21] =	ssyncadd.s32 $0xFFFFC000  }
0x1c: {  	[tilespmem:s24], [sflag:$0x2] =	stream.linear.gather [hbm4b:s8+s3], $0x400, $0x38;
	[tilespmem:$0x18880] =	vst v63  }
0x1d: {  	_ =	swait.ge [sflag:s21], $0x400  }
0x1e: {  	[sflag:s21] =	ssyncset.done $0x0  }
0x1f: {  	s20 =	sadd.s32 s20, s18;
	[sflag:s21] =	ssyncadd.s32 $0xFFFFFC00  }
0x20: {  	[tilespmem:s25], [sflag:$0x2] =	stream.linear.gather [hbm4b:s20+s3], $0x400, $0x38;
	[tilespmem:$0x18880] =	vst v63  }
0x21: {  	_ =	swait.ge [sflag:s21], $0x400  }
0x22: {  	[sflag:s21] =	ssyncset.done $0x0  }
0x23: {  	[sflag:s21] =	ssyncadd.s32 $0xFFFFFC00  }
0x24: {  	[tilespmem:s28], [sflag:$0x1] =	stream.indirect.gather [hbm4b:s7+s26], $0x80, s24, s26, $0xb8;
	[tilespmem:$0x18880] =	vst v63  }
0x25: {  	_ =	swait.ge [sflag:s29], $0x4000  }
0x26: {  	[sflag:s29] =	ssyncset.done $0x0  }
0x27: {  	[sflag:s29] =	ssyncadd.s32 $0xFFFFC000  }
0x28: {  	[spmem:s2] =	stream.indirect.scatter.add.f32 [tilespmem:s28], [sflag:$0x2], $0x80, s25, s26, $0xb8;
	[tilespmem:$0x18880] =	vst v63  }
0x29: {  	_ =	swait.ge [sflag:s21], $0x4000  }
0x2a: {  	[sflag:s21] =	ssyncset.done $0x0  }
0x2b: {  	[sflag:s21] =	ssyncadd.s32 $0xFFFFC000  }
0x2c: {  	[tilespmem:s28], [sflag:$0x1] =	stream.indirect.gather [hbm4b:s7+s26], $0x80, s30, s26, $0xb8;
	[tilespmem:$0x18880] =	vst v63  }
0x2d: {  	_ =	swait.ge [sflag:s29], $0x4000  }
0x2e: {  	[sflag:s29] =	ssyncset.done $0x0  }
0x2f: {  	[sflag:s29] =	ssyncadd.s32 $0xFFFFC000  }
0x30: {  	[spmem:s2] =	stream.indirect.scatter.add.f32 [tilespmem:s28], [sflag:$0x2], $0x80, s31, s26, $0xb8;
	[tilespmem:$0x18880] =	vst v63  }
0x31: {  	_ =	swait.ge [sflag:s21], $0x4000  }
0x32: {  	[sflag:s21] =	ssyncset.done $0x0  }
0x33: {  	[sflag:s21] =	ssyncadd.s32 $0xFFFFC000  }
0x34: {  	[tilespmem:s28], [sflag:$0x1] =	stream.indirect.gather [hbm4b:s7+s26], $0x80, s0, s26, $0xb8;
	[tilespmem:$0x18880] =	vst v63  }
0x35: {  	_ =	swait.ge [sflag:s29], $0x4000  }
0x36: {  	[sflag:s29] =	ssyncset.done $0x0  }
0x37: {  	[sflag:s29] =	ssyncadd.s32 $0xFFFFC000  }
0x38: {  	[spmem:s2] =	stream.indirect.scatter.add.f32 [tilespmem:s28], [sflag:$0x2], $0x80, s1, s26, $0xb8;
	[tilespmem:$0x18880] =	vst v63  }
0x39: {  	_ =	swait.ge [sflag:s21], $0x4000  }
0x3a: {  	[sflag:s21] =	ssyncset.done $0x0  }
0x3b: {  	[sflag:s21] =	ssyncadd.s32 $0xFFFFC000  }
0x3c: {  	[tilespmem:s28], [sflag:$0x1] =	stream.indirect.gather [hbm4b:s7+s26], $0x80, s9, s26, $0xb8;
	[tilespmem:$0x18880] =	vst v63  }
0x3d: {  	_ =	swait.ge [sflag:s29], $0x4000  }
0x3e: {  	[sflag:s29] =	ssyncset.done $0x0  }
0x3f: {  	[sflag:s29] =	ssyncadd.s32 $0xFFFFC000  }
0x40: {  	[spmem:s2] =	stream.indirect.scatter.add.f32 [tilespmem:s28], [sflag:$0x2], $0x80, s10, s26, $0xb8;
	[tilespmem:$0x18880] =	vst v63  }
0x41: {  	_ =	swait.ge [sflag:s21], $0x4000  }
0x42: {  	[sflag:s21] =	ssyncset.done $0x0  }
0x43: {  	[sflag:s21] =	ssyncadd.s32 $0xFFFFC000  }
0x44: {  	[tilespmem:s28], [sflag:$0x1] =	stream.indirect.gather [hbm4b:s7+s26], $0x80, s11, s26, $0xb8;
	[tilespmem:$0x18880] =	vst v63  }
0x45: {  	_ =	swait.ge [sflag:s29], $0x4000  }
0x46: {  	[sflag:s29] =	ssyncset.done $0x0  }
0x47: {  	[sflag:s29] =	ssyncadd.s32 $0xFFFFC000  }
0x48: {  	[spmem:s2] =	stream.indirect.scatter.add.f32 [tilespmem:s28], [sflag:$0x2], $0x80, s12, s26, $0xb8;
	[tilespmem:$0x18880] =	vst v63  }
0x49: {  	_ =	swait.ge [sflag:s21], $0x4000  }
0x4a: {  	[sflag:s21] =	ssyncset.done $0x0  }
0x4b: {  	[sflag:s21] =	ssyncadd.s32 $0xFFFFC000  }
0x4c: {  	[tilespmem:s28], [sflag:$0x1] =	stream.indirect.gather [hbm4b:s7+s26], $0x80, s14, s26, $0xb8;
	[tilespmem:$0x18880] =	vst v63  }
0x4d: {  	_ =	swait.ge [sflag:s29], $0x4000  }
0x4e: {  	[sflag:s29] =	ssyncset.done $0x0  }
0x4f: {  	[sflag:s29] =	ssyncadd.s32 $0xFFFFC000  }
0x50: {  	[spmem:s2] =	stream.indirect.scatter.add.f32 [tilespmem:s28], [sflag:$0x2], $0x80, s15, s26, $0xb8;
	[tilespmem:$0x18880] =	vst v63  }
0x51: {  	_ =	swait.ge [sflag:s21], $0x4000  }
0x52: {  	[sflag:s21] =	ssyncset.done $0x0  }
0x53: {  	[sflag:s21] =	ssyncadd.s32 $0xFFFFC000  }
0x54: {  	[tilespmem:s28], [sflag:$0x1] =	stream.indirect.gather [hbm4b:s7+s26], $0x80, s17, s26, $0xb8;
	[tilespmem:$0x18880] =	vst v63  }
0x55: {  	_ =	swait.ge [sflag:s29], $0x4000  }
0x56: {  	[sflag:s29] =	ssyncset.done $0x0  }
0x57: {  	[sflag:s29] =	ssyncadd.s32 $0xFFFFC000  }
0x58: {  	[spmem:s2] =	stream.indirect.scatter.add.f32 [tilespmem:s28], [sflag:$0x2], $0x80, s16, s26, $0xb8;
	[tilespmem:$0x18880] =	vst v63  }
0x59: {  	_ =	swait.ge [sflag:s21], $0x4000  }
0x5a: {  	[sflag:s21] =	ssyncset.done $0x0  }
0x5b: {  	[sflag:s21] =	ssyncadd.s32 $0xFFFFC000  }
0x5c: {  	[tilespmem:s28], [sflag:$0x1] =	stream.indirect.gather [hbm4b:s7+s26], $0x80, s22, s26, $0xb8;
	[tilespmem:$0x18880] =	vst v63  }
0x5d: {  	_ =	swait.ge [sflag:s29], $0x4000  }
0x5e: {  	[sflag:s29] =	ssyncset.done $0x0  }
0x5f: {  	[sflag:s29] =	ssyncadd.s32 $0xFFFFC000  }
0x60: {  	[spmem:s2] =	stream.indirect.scatter.add.f32 [tilespmem:s28], [sflag:$0x2], $0x80, s23, s26, $0xb8;
	[tilespmem:$0x18880] =	vst v63  }
0x61: {  	_ =	swait.ge [sflag:s21], $0x4000  }
0x62: {  	[sflag:s21] =	ssyncset.done $0x0  }
0x63: {  	s8 =	rddreg [dreg:$0x7];
	[sflag:s21] =	ssyncadd.s32 $0xFFFFC000  }
.LBB2_15:
0x64: {  	s13 =	rddreg [dreg:$0xb]  }
0x65: {  	s8 =	sadd.s32 s8, s13  }
0x66: {  	[dreg:$0x13] =	wrdreg s8  }
0x67: {  	[bflag:$0x0] =	sbarrier.arrive $0xFFFF  }
0x68: {  	s8 =	rddreg [dreg:$0x13]  }
0x69: {  	s13 =	rddreg [dreg:$0xd]  }
0x6a: {  	s20 =	rddreg [dreg:$0x8]  }
0x6b: {  	[hbm:s8], [sflag:s20] =	dma.local [spmem:s13], $0x2800  }
0x6c: {  	s13 =	rddreg [dreg:$0x8];
	_ =	swait.ge [sflag:s21], $0x2800  }
0x6d: {  	s8 =	rddreg [dreg:$0x10]  }
0x6e: {  	s20 =	sadd.s32 $0x1, s8;
	s8 =	rddreg [dreg:$0xc]  }
0x6f: {  	p1 =	sne.s32 s20, s8  }
.Ltmp1:
0x70: {  	_ = 	snop;
	(pc) =	sbr.rel @!p1 .LBB2_16-.Ltmp1, $3  }
0x71: {  	_ =	sdelay $0x1  }
0x72: {  	[sflag:s21] =	ssyncset.done $0x0  }
0x73: {  	[sflag:s21] =	ssyncadd.s32 $0xFFFFD800  }
.LBB2_1:
0x74: {  	[dreg:$0x10] =	wrdreg s20  }
0x75: {  	s8 =	rddreg [dreg:$0x3]  }
0x76: {  	s20 =	rddreg [dreg:$0xd]  }
0x77: {  	[spmem:s20], [sflag:s13] =	dma.local [hbm:s8], $0x800  }
0x78: {  	_ =	swait.ge [sflag:s21], $0x800  }
0x79: {  	[sflag:s21] =	ssyncset.done $0x0  }
0x7a: {  	s20 =	rddreg [dreg:$0xe];
	[sflag:s21] =	ssyncadd.s32 $0xFFFFF800  }
0x7b: {  	[spmem:s20], [sflag:s13] =	dma.local [hbm:s8], $0x800  }
0x7c: {  	_ =	swait.ge [sflag:s21], $0x800  }
0x7d: {  	[sflag:s21] =	ssyncset.done $0x0  }
0x7e: {  	s20 =	rddreg [dreg:$0xf];
	[sflag:s21] =	ssyncadd.s32 $0xFFFFF800  }
0x7f: {  	[spmem:s20], [sflag:s13] =	dma.local [hbm:s8], $0x800  }
0x80: {  	_ =	swait.ge [sflag:s21], $0x800  }
0x81: {  	s20 =	rddreg [dreg:$0x9]  }
0x82: {  	[sflag:s21] =	ssyncset.done $0x0;
	s20 =	sshrl.u32 s20, $0x3  }
0x83: {  	[sflag:s21] =	ssyncadd.s32 $0xFFFFF800;
	[dreg:$0x11] =	wrdreg s20  }
0x84: {  	[spmem:s20], [sflag:s13] =	dma.local [hbm:s8], $0x800  }
0x85: {  	_ =	swait.ge [sflag:s21], $0x800  }
0x86: {  	s20 =	rddreg [dreg:$0xa]  }
0x87: {  	[sflag:s21] =	ssyncset.done $0x0;
	s20 =	sshrl.u32 s20, $0x3  }
0x88: {  	[sflag:s21] =	ssyncadd.s32 $0xFFFFF800;
	[dreg:$0x12] =	wrdreg s20  }
0x89: {  	[spmem:s20], [sflag:s13] =	dma.local [hbm:s8], $0x800  }
.Ltmp2:
0x8a: {  	_ =	swait.ge [sflag:s21], $0x800;
	(pc) =	sbr.rel @p0 .LBB2_5-.Ltmp2, $4  }
0x8b: {  	[sflag:s21] =	ssyncset.done $0x0  }
0x8c: {  	[sflag:s21] =	ssyncadd.s32 $0xFFFFF800  }
0x8d: {  	[bflag:$0x0] =	sbarrier.arrive $0xFFFF  }
0x8e: {  	s8 =	sadd.s32 $0x0, s19  }
0x8f: {  	[tilespmem:s24], [sflag:$0x2] =	stream.linear.gather [hbm4b:s8+s3], $0x400, $0x38;
	[tilespmem:$0x18880] =	vst v63  }
0x90: {  	_ =	swait.ge [sflag:s21], $0x400  }
0x91: {  	[sflag:s21] =	ssyncset.done $0x0  }
0x92: {  	s20 =	sadd.s32 $0x0, s18;
	[sflag:s21] =	ssyncadd.s32 $0xFFFFFC00  }
0x93: {  	[tilespmem:s25], [sflag:$0x2] =	stream.linear.gather [hbm4b:s20+s3], $0x400, $0x38;
	[tilespmem:$0x18880] =	vst v63  }
0x94: {  	_ =	swait.ge [sflag:s21], $0x400  }
0x95: {  	[sflag:s21] =	ssyncset.done $0x0  }
0x96: {  	[sflag:s21] =	ssyncadd.s32 $0xFFFFFC00  }
0x97: {  	[tilespmem:s28], [sflag:$0x1] =	stream.indirect.gather [hbm4b:s4+s26], $0x80, s24, s26, $0xb8;
	[tilespmem:$0x18880] =	vst v63  }
0x98: {  	_ =	swait.ge [sflag:s29], $0x4000  }
0x99: {  	[sflag:s29] =	ssyncset.done $0x0  }
0x9a: {  	[sflag:s29] =	ssyncadd.s32 $0xFFFFC000  }
0x9b: {  	[spmem:s2] =	stream.indirect.scatter.add.f32 [tilespmem:s28], [sflag:$0x2], $0x80, s25, s26, $0xb8;
	[tilespmem:$0x18880] =	vst v63  }
0x9c: {  	_ =	swait.ge [sflag:s21], $0x4000  }
0x9d: {  	[sflag:s21] =	ssyncset.done $0x0  }
0x9e: {  	[sflag:s21] =	ssyncadd.s32 $0xFFFFC000  }
0x9f: {  	[tilespmem:s28], [sflag:$0x1] =	stream.indirect.gather [hbm4b:s4+s26], $0x80, s30, s26, $0xb8;
	[tilespmem:$0x18880] =	vst v63  }
0xa0: {  	_ =	swait.ge [sflag:s29], $0x4000  }
0xa1: {  	[sflag:s29] =	ssyncset.done $0x0  }
0xa2: {  	[sflag:s29] =	ssyncadd.s32 $0xFFFFC000  }
0xa3: {  	[spmem:s2] =	stream.indirect.scatter.add.f32 [tilespmem:s28], [sflag:$0x2], $0x80, s31, s26, $0xb8;
	[tilespmem:$0x18880] =	vst v63  }
0xa4: {  	_ =	swait.ge [sflag:s21], $0x4000  }
0xa5: {  	[sflag:s21] =	ssyncset.done $0x0  }
0xa6: {  	[sflag:s21] =	ssyncadd.s32 $0xFFFFC000  }
0xa7: {  	[tilespmem:s28], [sflag:$0x1] =	stream.indirect.gather [hbm4b:s4+s26], $0x80, s0, s26, $0xb8;
	[tilespmem:$0x18880] =	vst v63  }
0xa8: {  	_ =	swait.ge [sflag:s29], $0x4000  }
0xa9: {  	[sflag:s29] =	ssyncset.done $0x0  }
0xaa: {  	[sflag:s29] =	ssyncadd.s32 $0xFFFFC000  }
0xab: {  	[spmem:s2] =	stream.indirect.scatter.add.f32 [tilespmem:s28], [sflag:$0x2], $0x80, s1, s26, $0xb8;
	[tilespmem:$0x18880] =	vst v63  }
0xac: {  	_ =	swait.ge [sflag:s21], $0x4000  }
0xad: {  	[sflag:s21] =	ssyncset.done $0x0  }
0xae: {  	[sflag:s21] =	ssyncadd.s32 $0xFFFFC000  }
0xaf: {  	[tilespmem:s28], [sflag:$0x1] =	stream.indirect.gather [hbm4b:s4+s26], $0x80, s9, s26, $0xb8;
	[tilespmem:$0x18880] =	vst v63  }
0xb0: {  	_ =	swait.ge [sflag:s29], $0x4000  }
0xb1: {  	[sflag:s29] =	ssyncset.done $0x0  }
0xb2: {  	[sflag:s29] =	ssyncadd.s32 $0xFFFFC000  }
0xb3: {  	[spmem:s2] =	stream.indirect.scatter.add.f32 [tilespmem:s28], [sflag:$0x2], $0x80, s10, s26, $0xb8;
	[tilespmem:$0x18880] =	vst v63  }
0xb4: {  	_ =	swait.ge [sflag:s21], $0x4000  }
0xb5: {  	[sflag:s21] =	ssyncset.done $0x0  }
0xb6: {  	[sflag:s21] =	ssyncadd.s32 $0xFFFFC000  }
0xb7: {  	[tilespmem:s28], [sflag:$0x1] =	stream.indirect.gather [hbm4b:s4+s26], $0x80, s11, s26, $0xb8;
	[tilespmem:$0x18880] =	vst v63  }
0xb8: {  	_ =	swait.ge [sflag:s29], $0x4000  }
0xb9: {  	[sflag:s29] =	ssyncset.done $0x0  }
0xba: {  	[sflag:s29] =	ssyncadd.s32 $0xFFFFC000  }
0xbb: {  	[spmem:s2] =	stream.indirect.scatter.add.f32 [tilespmem:s28], [sflag:$0x2], $0x80, s12, s26, $0xb8;
	[tilespmem:$0x18880] =	vst v63  }
0xbc: {  	_ =	swait.ge [sflag:s21], $0x4000  }
0xbd: {  	[sflag:s21] =	ssyncset.done $0x0  }
0xbe: {  	[sflag:s21] =	ssyncadd.s32 $0xFFFFC000  }
0xbf: {  	[tilespmem:s28], [sflag:$0x1] =	stream.indirect.gather [hbm4b:s4+s26], $0x80, s14, s26, $0xb8;
	[tilespmem:$0x18880] =	vst v63  }
0xc0: {  	_ =	swait.ge [sflag:s29], $0x4000  }
0xc1: {  	[sflag:s29] =	ssyncset.done $0x0  }
0xc2: {  	[sflag:s29] =	ssyncadd.s32 $0xFFFFC000  }
0xc3: {  	[spmem:s2] =	stream.indirect.scatter.add.f32 [tilespmem:s28], [sflag:$0x2], $0x80, s15, s26, $0xb8;
	[tilespmem:$0x18880] =	vst v63  }
0xc4: {  	_ =	swait.ge [sflag:s21], $0x4000  }
0xc5: {  	[sflag:s21] =	ssyncset.done $0x0  }
0xc6: {  	[sflag:s21] =	ssyncadd.s32 $0xFFFFC000  }
0xc7: {  	[tilespmem:s28], [sflag:$0x1] =	stream.indirect.gather [hbm4b:s4+s26], $0x80, s17, s26, $0xb8;
	[tilespmem:$0x18880] =	vst v63  }
0xc8: {  	_ =	swait.ge [sflag:s29], $0x4000  }
0xc9: {  	[sflag:s29] =	ssyncset.done $0x0  }
0xca: {  	[sflag:s29] =	ssyncadd.s32 $0xFFFFC000  }
0xcb: {  	[spmem:s2] =	stream.indirect.scatter.add.f32 [tilespmem:s28], [sflag:$0x2], $0x80, s16, s26, $0xb8;
	[tilespmem:$0x18880] =	vst v63  }
0xcc: {  	_ =	swait.ge [sflag:s21], $0x4000  }
0xcd: {  	[sflag:s21] =	ssyncset.done $0x0  }
0xce: {  	[sflag:s21] =	ssyncadd.s32 $0xFFFFC000  }
0xcf: {  	[tilespmem:s28], [sflag:$0x1] =	stream.indirect.gather [hbm4b:s4+s26], $0x80, s22, s26, $0xb8;
	[tilespmem:$0x18880] =	vst v63  }
0xd0: {  	_ =	swait.ge [sflag:s29], $0x4000  }
0xd1: {  	[sflag:s29] =	ssyncset.done $0x0  }
0xd2: {  	[sflag:s29] =	ssyncadd.s32 $0xFFFFC000  }
0xd3: {  	[spmem:s2] =	stream.indirect.scatter.add.f32 [tilespmem:s28], [sflag:$0x2], $0x80, s23, s26, $0xb8;
	[tilespmem:$0x18880] =	vst v63  }
0xd4: {  	_ =	swait.ge [sflag:s21], $0x4000  }
0xd5: {  	s8 =	simm.s32 $0x100;
	s20 =	simm.s32 $0x80;
	[sflag:s21] =	ssyncset.done $0x0  }
.LBB2_3:
0xd6: {  	s30 =	sadd.s32 s20, s19  }
0xd7: {  	[sflag:s21] =	ssyncadd.s32 $0xFFFFC000;
	s31 =	smov.u32 s8;
	s13 =	sadd.s32 $0x80, s8  }
0xd8: {  	[tilespmem:s24], [sflag:$0x2] =	stream.linear.gather [hbm4b:s30+s3], $0x400, $0x38;
	[tilespmem:$0x18880] =	vst v63  }
0xd9: {  	s30 =	simm.s32 $0x14100  }
0xda: {  	p1 =	seq.s32 s8, $0x480;
	_ =	swait.ge [sflag:s21], $0x400  }
0xdb: {  	s8 =	sadd.s32 s20, s18;
	[sflag:s21] =	ssyncset.done $0x0  }
0xdc: {  	s20 =	smov.u32 s31;
	s31 =	simm.s32 $0x14500;
	[sflag:s21] =	ssyncadd.s32 $0xFFFFFC00  }
0xdd: {  	[tilespmem:s25], [sflag:$0x2] =	stream.linear.gather [hbm4b:s8+s3], $0x400, $0x38;
	[tilespmem:$0x18880] =	vst v63  }
0xde: {  	_ =	swait.ge [sflag:s21], $0x400  }
0xdf: {  	[sflag:s21] =	ssyncset.done $0x0  }
0xe0: {  	[sflag:s21] =	ssyncadd.s32 $0xFFFFFC00  }
0xe1: {  	[tilespmem:s28], [sflag:$0x1] =	stream.indirect.gather [hbm4b:s4+s26], $0x80, s24, s26, $0xb8;
	[tilespmem:$0x18880] =	vst v63  }
0xe2: {  	_ =	swait.ge [sflag:s29], $0x4000  }
0xe3: {  	[sflag:s29] =	ssyncset.done $0x0  }
0xe4: {  	[sflag:s29] =	ssyncadd.s32 $0xFFFFC000  }
0xe5: {  	[spmem:s2] =	stream.indirect.scatter.add.f32 [tilespmem:s28], [sflag:$0x2], $0x80, s25, s26, $0xb8;
	[tilespmem:$0x18880] =	vst v63  }
0xe6: {  	_ =	swait.ge [sflag:s21], $0x4000  }
0xe7: {  	[sflag:s21] =	ssyncset.done $0x0  }
0xe8: {  	[sflag:s21] =	ssyncadd.s32 $0xFFFFC000  }
0xe9: {  	[tilespmem:s28], [sflag:$0x1] =	stream.indirect.gather [hbm4b:s4+s26], $0x80, s30, s26, $0xb8;
	[tilespmem:$0x18880] =	vst v63  }
0xea: {  	_ =	swait.ge [sflag:s29], $0x4000  }
0xeb: {  	[sflag:s29] =	ssyncset.done $0x0  }
0xec: {  	[sflag:s29] =	ssyncadd.s32 $0xFFFFC000  }
0xed: {  	[spmem:s2] =	stream.indirect.scatter.add.f32 [tilespmem:s28], [sflag:$0x2], $0x80, s31, s26, $0xb8;
	[tilespmem:$0x18880] =	vst v63  }
0xee: {  	_ =	swait.ge [sflag:s21], $0x4000  }
0xef: {  	[sflag:s21] =	ssyncset.done $0x0  }
0xf0: {  	[sflag:s21] =	ssyncadd.s32 $0xFFFFC000  }
0xf1: {  	[tilespmem:s28], [sflag:$0x1] =	stream.indirect.gather [hbm4b:s4+s26], $0x80, s0, s26, $0xb8;
	[tilespmem:$0x18880] =	vst v63  }
0xf2: {  	_ =	swait.ge [sflag:s29], $0x4000  }
0xf3: {  	[sflag:s29] =	ssyncset.done $0x0  }
0xf4: {  	[sflag:s29] =	ssyncadd.s32 $0xFFFFC000  }
0xf5: {  	[spmem:s2] =	stream.indirect.scatter.add.f32 [tilespmem:s28], [sflag:$0x2], $0x80, s1, s26, $0xb8;
	[tilespmem:$0x18880] =	vst v63  }
0xf6: {  	_ =	swait.ge [sflag:s21], $0x4000  }
0xf7: {  	[sflag:s21] =	ssyncset.done $0x0  }
0xf8: {  	[sflag:s21] =	ssyncadd.s32 $0xFFFFC000  }
0xf9: {  	[tilespmem:s28], [sflag:$0x1] =	stream.indirect.gather [hbm4b:s4+s26], $0x80, s9, s26, $0xb8;
	[tilespmem:$0x18880] =	vst v63  }
0xfa: {  	_ =	swait.ge [sflag:s29], $0x4000  }
0xfb: {  	[sflag:s29] =	ssyncset.done $0x0  }
0xfc: {  	[sflag:s29] =	ssyncadd.s32 $0xFFFFC000  }
0xfd: {  	[spmem:s2] =	stream.indirect.scatter.add.f32 [tilespmem:s28], [sflag:$0x2], $0x80, s10, s26, $0xb8;
	[tilespmem:$0x18880] =	vst v63  }
0xfe: {  	_ =	swait.ge [sflag:s21], $0x4000  }
0xff: {  	[sflag:s21] =	ssyncset.done $0x0  }
0x100: {  	[sflag:s21] =	ssyncadd.s32 $0xFFFFC000  }
0x101: {  	[tilespmem:s28], [sflag:$0x1] =	stream.indirect.gather [hbm4b:s4+s26], $0x80, s11, s26, $0xb8;
	[tilespmem:$0x18880] =	vst v63  }
0x102: {  	_ =	swait.ge [sflag:s29], $0x4000  }
0x103: {  	[sflag:s29] =	ssyncset.done $0x0  }
0x104: {  	[sflag:s29] =	ssyncadd.s32 $0xFFFFC000  }
0x105: {  	[spmem:s2] =	stream.indirect.scatter.add.f32 [tilespmem:s28], [sflag:$0x2], $0x80, s12, s26, $0xb8;
	[tilespmem:$0x18880] =	vst v63  }
0x106: {  	_ =	swait.ge [sflag:s21], $0x4000  }
0x107: {  	[sflag:s21] =	ssyncset.done $0x0  }
0x108: {  	[sflag:s21] =	ssyncadd.s32 $0xFFFFC000  }
0x109: {  	[tilespmem:s28], [sflag:$0x1] =	stream.indirect.gather [hbm4b:s4+s26], $0x80, s14, s26, $0xb8;
	[tilespmem:$0x18880] =	vst v63  }
0x10a: {  	_ =	swait.ge [sflag:s29], $0x4000  }
0x10b: {  	[sflag:s29] =	ssyncset.done $0x0  }
0x10c: {  	[sflag:s29] =	ssyncadd.s32 $0xFFFFC000  }
0x10d: {  	[spmem:s2] =	stream.indirect.scatter.add.f32 [tilespmem:s28], [sflag:$0x2], $0x80, s15, s26, $0xb8;
	[tilespmem:$0x18880] =	vst v63  }
0x10e: {  	_ =	swait.ge [sflag:s21], $0x4000  }
0x10f: {  	[sflag:s21] =	ssyncset.done $0x0  }
0x110: {  	[sflag:s21] =	ssyncadd.s32 $0xFFFFC000  }
0x111: {  	[tilespmem:s28], [sflag:$0x1] =	stream.indirect.gather [hbm4b:s4+s26], $0x80, s17, s26, $0xb8;
	[tilespmem:$0x18880] =	vst v63  }
0x112: {  	_ =	swait.ge [sflag:s29], $0x4000  }
0x113: {  	[sflag:s29] =	ssyncset.done $0x0  }
0x114: {  	[sflag:s29] =	ssyncadd.s32 $0xFFFFC000  }
0x115: {  	[spmem:s2] =	stream.indirect.scatter.add.f32 [tilespmem:s28], [sflag:$0x2], $0x80, s16, s26, $0xb8;
	[tilespmem:$0x18880] =	vst v63  }
0x116: {  	_ =	swait.ge [sflag:s21], $0x4000  }
0x117: {  	[sflag:s21] =	ssyncset.done $0x0  }
0x118: {  	[sflag:s21] =	ssyncadd.s32 $0xFFFFC000  }
0x119: {  	[tilespmem:s28], [sflag:$0x1] =	stream.indirect.gather [hbm4b:s4+s26], $0x80, s22, s26, $0xb8;
	[tilespmem:$0x18880] =	vst v63  }
0x11a: {  	_ =	swait.ge [sflag:s29], $0x4000  }
.Ltmp3:
0x11b: {  	[sflag:s29] =	ssyncset.done $0x0;
	(pc) =	sbr.rel @!p1 .LBB2_3-.Ltmp3, $4  }
0x11c: {  	[sflag:s29] =	ssyncadd.s32 $0xFFFFC000  }
0x11d: {  	[spmem:s2] =	stream.indirect.scatter.add.f32 [tilespmem:s28], [sflag:$0x2], $0x80, s23, s26, $0xb8;
	[tilespmem:$0x18880] =	vst v63  }
0x11e: {  	_ =	swait.ge [sflag:s21], $0x4000  }
0x11f: {  	s8 =	smov.u32 s13;
	[sflag:s21] =	ssyncset.done $0x0  }
0x120: {  	s8 =	sadd.s32 s20, s19;
	[sflag:s21] =	ssyncadd.s32 $0xFFFFC000  }
0x121: {  	[tilespmem:s24], [sflag:$0x2] =	stream.linear.gather [hbm4b:s8+s3], $0x400, $0x38;
	[tilespmem:$0x18880] =	vst v63  }
0x122: {  	_ =	swait.ge [sflag:s21], $0x400  }
0x123: {  	[sflag:s21] =	ssyncset.done $0x0  }
0x124: {  	s20 =	sadd.s32 s20, s18;
	[sflag:s21] =	ssyncadd.s32 $0xFFFFFC00  }
0x125: {  	[tilespmem:s25], [sflag:$0x2] =	stream.linear.gather [hbm4b:s20+s3], $0x400, $0x38;
	[tilespmem:$0x18880] =	vst v63  }
0x126: {  	_ =	swait.ge [sflag:s21], $0x400  }
0x127: {  	[sflag:s21] =	ssyncset.done $0x0  }
0x128: {  	[sflag:s21] =	ssyncadd.s32 $0xFFFFFC00  }
0x129: {  	[tilespmem:s28], [sflag:$0x1] =	stream.indirect.gather [hbm4b:s4+s26], $0x80, s24, s26, $0xb8;
	[tilespmem:$0x18880] =	vst v63  }
0x12a: {  	_ =	swait.ge [sflag:s29], $0x4000  }
0x12b: {  	[sflag:s29] =	ssyncset.done $0x0  }
0x12c: {  	[sflag:s29] =	ssyncadd.s32 $0xFFFFC000  }
0x12d: {  	[spmem:s2] =	stream.indirect.scatter.add.f32 [tilespmem:s28], [sflag:$0x2], $0x80, s25, s26, $0xb8;
	[tilespmem:$0x18880] =	vst v63  }
0x12e: {  	_ =	swait.ge [sflag:s21], $0x4000  }
0x12f: {  	[sflag:s21] =	ssyncset.done $0x0  }
0x130: {  	[sflag:s21] =	ssyncadd.s32 $0xFFFFC000  }
0x131: {  	[tilespmem:s28], [sflag:$0x1] =	stream.indirect.gather [hbm4b:s4+s26], $0x80, s30, s26, $0xb8;
	[tilespmem:$0x18880] =	vst v63  }
0x132: {  	_ =	swait.ge [sflag:s29], $0x4000  }
0x133: {  	[sflag:s29] =	ssyncset.done $0x0  }
0x134: {  	[sflag:s29] =	ssyncadd.s32 $0xFFFFC000  }
0x135: {  	[spmem:s2] =	stream.indirect.scatter.add.f32 [tilespmem:s28], [sflag:$0x2], $0x80, s31, s26, $0xb8;
	[tilespmem:$0x18880] =	vst v63  }
0x136: {  	_ =	swait.ge [sflag:s21], $0x4000  }
0x137: {  	[sflag:s21] =	ssyncset.done $0x0  }
0x138: {  	[sflag:s21] =	ssyncadd.s32 $0xFFFFC000  }
0x139: {  	[tilespmem:s28], [sflag:$0x1] =	stream.indirect.gather [hbm4b:s4+s26], $0x80, s0, s26, $0xb8;
	[tilespmem:$0x18880] =	vst v63  }
0x13a: {  	_ =	swait.ge [sflag:s29], $0x4000  }
0x13b: {  	[sflag:s29] =	ssyncset.done $0x0  }
0x13c: {  	[sflag:s29] =	ssyncadd.s32 $0xFFFFC000  }
0x13d: {  	[spmem:s2] =	stream.indirect.scatter.add.f32 [tilespmem:s28], [sflag:$0x2], $0x80, s1, s26, $0xb8;
	[tilespmem:$0x18880] =	vst v63  }
0x13e: {  	_ =	swait.ge [sflag:s21], $0x4000  }
0x13f: {  	[sflag:s21] =	ssyncset.done $0x0  }
0x140: {  	[sflag:s21] =	ssyncadd.s32 $0xFFFFC000  }
0x141: {  	[tilespmem:s28], [sflag:$0x1] =	stream.indirect.gather [hbm4b:s4+s26], $0x80, s9, s26, $0xb8;
	[tilespmem:$0x18880] =	vst v63  }
0x142: {  	_ =	swait.ge [sflag:s29], $0x4000  }
0x143: {  	[sflag:s29] =	ssyncset.done $0x0  }
0x144: {  	[sflag:s29] =	ssyncadd.s32 $0xFFFFC000  }
0x145: {  	[spmem:s2] =	stream.indirect.scatter.add.f32 [tilespmem:s28], [sflag:$0x2], $0x80, s10, s26, $0xb8;
	[tilespmem:$0x18880] =	vst v63  }
0x146: {  	_ =	swait.ge [sflag:s21], $0x4000  }
0x147: {  	[sflag:s21] =	ssyncset.done $0x0  }
0x148: {  	[sflag:s21] =	ssyncadd.s32 $0xFFFFC000  }
0x149: {  	[tilespmem:s28], [sflag:$0x1] =	stream.indirect.gather [hbm4b:s4+s26], $0x80, s11, s26, $0xb8;
	[tilespmem:$0x18880] =	vst v63  }
0x14a: {  	_ =	swait.ge [sflag:s29], $0x4000  }
0x14b: {  	[sflag:s29] =	ssyncset.done $0x0  }
0x14c: {  	[sflag:s29] =	ssyncadd.s32 $0xFFFFC000  }
0x14d: {  	[spmem:s2] =	stream.indirect.scatter.add.f32 [tilespmem:s28], [sflag:$0x2], $0x80, s12, s26, $0xb8;
	[tilespmem:$0x18880] =	vst v63  }
0x14e: {  	_ =	swait.ge [sflag:s21], $0x4000  }
0x14f: {  	[sflag:s21] =	ssyncset.done $0x0  }
0x150: {  	[sflag:s21] =	ssyncadd.s32 $0xFFFFC000  }
0x151: {  	[tilespmem:s28], [sflag:$0x1] =	stream.indirect.gather [hbm4b:s4+s26], $0x80, s14, s26, $0xb8;
	[tilespmem:$0x18880] =	vst v63  }
0x152: {  	_ =	swait.ge [sflag:s29], $0x4000  }
0x153: {  	[sflag:s29] =	ssyncset.done $0x0  }
0x154: {  	[sflag:s29] =	ssyncadd.s32 $0xFFFFC000  }
0x155: {  	[spmem:s2] =	stream.indirect.scatter.add.f32 [tilespmem:s28], [sflag:$0x2], $0x80, s15, s26, $0xb8;
	[tilespmem:$0x18880] =	vst v63  }
0x156: {  	_ =	swait.ge [sflag:s21], $0x4000  }
0x157: {  	[sflag:s21] =	ssyncset.done $0x0  }
0x158: {  	[sflag:s21] =	ssyncadd.s32 $0xFFFFC000  }
0x159: {  	[tilespmem:s28], [sflag:$0x1] =	stream.indirect.gather [hbm4b:s4+s26], $0x80, s17, s26, $0xb8;
	[tilespmem:$0x18880] =	vst v63  }
0x15a: {  	_ =	swait.ge [sflag:s29], $0x4000  }
0x15b: {  	[sflag:s29] =	ssyncset.done $0x0  }
0x15c: {  	[sflag:s29] =	ssyncadd.s32 $0xFFFFC000  }
0x15d: {  	[spmem:s2] =	stream.indirect.scatter.add.f32 [tilespmem:s28], [sflag:$0x2], $0x80, s16, s26, $0xb8;
	[tilespmem:$0x18880] =	vst v63  }
0x15e: {  	_ =	swait.ge [sflag:s21], $0x4000  }
0x15f: {  	[sflag:s21] =	ssyncset.done $0x0  }
0x160: {  	[sflag:s21] =	ssyncadd.s32 $0xFFFFC000  }
0x161: {  	[tilespmem:s28], [sflag:$0x1] =	stream.indirect.gather [hbm4b:s4+s26], $0x80, s22, s26, $0xb8;
	[tilespmem:$0x18880] =	vst v63  }
0x162: {  	_ =	swait.ge [sflag:s29], $0x4000  }
0x163: {  	[sflag:s29] =	ssyncset.done $0x0  }
.Ltmp4:
0x164: {  	[sflag:s29] =	ssyncadd.s32 $0xFFFFC000;
	(pc) =	sbr.rel .LBB2_8-.Ltmp4, $4  }
0x165: {  	[spmem:s2] =	stream.indirect.scatter.add.f32 [tilespmem:s28], [sflag:$0x2], $0x80, s23, s26, $0xb8;
	[tilespmem:$0x18880] =	vst v63  }
0x166: {  	_ =	swait.ge [sflag:s21], $0x4000  }
0x167: {  	[sflag:s21] =	ssyncset.done $0x0  }
0x168: {  	s8 =	rddreg [dreg:$0x4];
	[sflag:s21] =	ssyncadd.s32 $0xFFFFC000  }
.LBB2_5:
0x169: {  	[tilespmem:s24], [sflag:$0x2] =	stream.linear.gather [hbm4b:s8+s3], $0x400, $0x38;
	[tilespmem:$0x18880] =	vst v63  }
0x16a: {  	_ =	swait.ge [sflag:s21], $0x400  }
0x16b: {  	[sflag:s21] =	ssyncset.done $0x0  }
0x16c: {  	s20 =	sadd.s32 $0x0, s18;
	[sflag:s21] =	ssyncadd.s32 $0xFFFFFC00  }
0x16d: {  	[tilespmem:s25], [sflag:$0x2] =	stream.linear.gather [hbm4b:s20+s3], $0x400, $0x38;
	[tilespmem:$0x18880] =	vst v63  }
0x16e: {  	_ =	swait.ge [sflag:s21], $0x400  }
0x16f: {  	[sflag:s21] =	ssyncset.done $0x0  }
0x170: {  	[sflag:s21] =	ssyncadd.s32 $0xFFFFFC00  }
0x171: {  	[tilespmem:s28], [sflag:$0x1] =	stream.indirect.gather [hbm4b:s5+s26], $0x80, s24, s26, $0xb8;
	[tilespmem:$0x18880] =	vst v63  }
0x172: {  	_ =	swait.ge [sflag:s29], $0x4000  }
0x173: {  	[sflag:s29] =	ssyncset.done $0x0  }
0x174: {  	[sflag:s29] =	ssyncadd.s32 $0xFFFFC000  }
0x175: {  	[spmem:s2] =	stream.indirect.scatter.add.f32 [tilespmem:s28], [sflag:$0x2], $0x80, s25, s26, $0xb8;
	[tilespmem:$0x18880] =	vst v63  }
0x176: {  	_ =	swait.ge [sflag:s21], $0x4000  }
0x177: {  	[sflag:s21] =	ssyncset.done $0x0  }
0x178: {  	[sflag:s21] =	ssyncadd.s32 $0xFFFFC000  }
0x179: {  	[tilespmem:s28], [sflag:$0x1] =	stream.indirect.gather [hbm4b:s5+s26], $0x80, s30, s26, $0xb8;
	[tilespmem:$0x18880] =	vst v63  }
0x17a: {  	_ =	swait.ge [sflag:s29], $0x4000  }
0x17b: {  	[sflag:s29] =	ssyncset.done $0x0  }
0x17c: {  	[sflag:s29] =	ssyncadd.s32 $0xFFFFC000  }
0x17d: {  	[spmem:s2] =	stream.indirect.scatter.add.f32 [tilespmem:s28], [sflag:$0x2], $0x80, s31, s26, $0xb8;
	[tilespmem:$0x18880] =	vst v63  }
0x17e: {  	_ =	swait.ge [sflag:s21], $0x4000  }
0x17f: {  	[sflag:s21] =	ssyncset.done $0x0  }
0x180: {  	[sflag:s21] =	ssyncadd.s32 $0xFFFFC000  }
0x181: {  	[tilespmem:s28], [sflag:$0x1] =	stream.indirect.gather [hbm4b:s5+s26], $0x80, s0, s26, $0xb8;
	[tilespmem:$0x18880] =	vst v63  }
0x182: {  	_ =	swait.ge [sflag:s29], $0x4000  }
0x183: {  	[sflag:s29] =	ssyncset.done $0x0  }
0x184: {  	[sflag:s29] =	ssyncadd.s32 $0xFFFFC000  }
0x185: {  	[spmem:s2] =	stream.indirect.scatter.add.f32 [tilespmem:s28], [sflag:$0x2], $0x80, s1, s26, $0xb8;
	[tilespmem:$0x18880] =	vst v63  }
0x186: {  	_ =	swait.ge [sflag:s21], $0x4000  }
0x187: {  	[sflag:s21] =	ssyncset.done $0x0  }
0x188: {  	[sflag:s21] =	ssyncadd.s32 $0xFFFFC000  }
0x189: {  	[tilespmem:s28], [sflag:$0x1] =	stream.indirect.gather [hbm4b:s5+s26], $0x80, s9, s26, $0xb8;
	[tilespmem:$0x18880] =	vst v63  }
0x18a: {  	_ =	swait.ge [sflag:s29], $0x4000  }
0x18b: {  	[sflag:s29] =	ssyncset.done $0x0  }
0x18c: {  	[sflag:s29] =	ssyncadd.s32 $0xFFFFC000  }
0x18d: {  	[spmem:s2] =	stream.indirect.scatter.add.f32 [tilespmem:s28], [sflag:$0x2], $0x80, s10, s26, $0xb8;
	[tilespmem:$0x18880] =	vst v63  }
0x18e: {  	_ =	swait.ge [sflag:s21], $0x4000  }
0x18f: {  	[sflag:s21] =	ssyncset.done $0x0  }
0x190: {  	[sflag:s21] =	ssyncadd.s32 $0xFFFFC000  }
0x191: {  	[tilespmem:s28], [sflag:$0x1] =	stream.indirect.gather [hbm4b:s5+s26], $0x80, s11, s26, $0xb8;
	[tilespmem:$0x18880] =	vst v63  }
0x192: {  	_ =	swait.ge [sflag:s29], $0x4000  }
0x193: {  	[sflag:s29] =	ssyncset.done $0x0  }
0x194: {  	[sflag:s29] =	ssyncadd.s32 $0xFFFFC000  }
0x195: {  	[spmem:s2] =	stream.indirect.scatter.add.f32 [tilespmem:s28], [sflag:$0x2], $0x80, s12, s26, $0xb8;
	[tilespmem:$0x18880] =	vst v63  }
0x196: {  	_ =	swait.ge [sflag:s21], $0x4000  }
0x197: {  	[sflag:s21] =	ssyncset.done $0x0  }
0x198: {  	[sflag:s21] =	ssyncadd.s32 $0xFFFFC000  }
0x199: {  	[tilespmem:s28], [sflag:$0x1] =	stream.indirect.gather [hbm4b:s5+s26], $0x80, s14, s26, $0xb8;
	[tilespmem:$0x18880] =	vst v63  }
0x19a: {  	_ =	swait.ge [sflag:s29], $0x4000  }
0x19b: {  	[sflag:s29] =	ssyncset.done $0x0  }
0x19c: {  	[sflag:s29] =	ssyncadd.s32 $0xFFFFC000  }
0x19d: {  	[spmem:s2] =	stream.indirect.scatter.add.f32 [tilespmem:s28], [sflag:$0x2], $0x80, s15, s26, $0xb8;
	[tilespmem:$0x18880] =	vst v63  }
0x19e: {  	_ =	swait.ge [sflag:s21], $0x4000  }
0x19f: {  	[sflag:s21] =	ssyncset.done $0x0  }
0x1a0: {  	[sflag:s21] =	ssyncadd.s32 $0xFFFFC000  }
0x1a1: {  	[tilespmem:s28], [sflag:$0x1] =	stream.indirect.gather [hbm4b:s5+s26], $0x80, s17, s26, $0xb8;
	[tilespmem:$0x18880] =	vst v63  }
0x1a2: {  	_ =	swait.ge [sflag:s29], $0x4000  }
0x1a3: {  	[sflag:s29] =	ssyncset.done $0x0  }
0x1a4: {  	[sflag:s29] =	ssyncadd.s32 $0xFFFFC000  }
0x1a5: {  	[spmem:s2] =	stream.indirect.scatter.add.f32 [tilespmem:s28], [sflag:$0x2], $0x80, s16, s26, $0xb8;
	[tilespmem:$0x18880] =	vst v63  }
0x1a6: {  	_ =	swait.ge [sflag:s21], $0x4000  }
0x1a7: {  	[sflag:s21] =	ssyncset.done $0x0  }
0x1a8: {  	[sflag:s21] =	ssyncadd.s32 $0xFFFFC000  }
0x1a9: {  	[tilespmem:s28], [sflag:$0x1] =	stream.indirect.gather [hbm4b:s5+s26], $0x80, s22, s26, $0xb8;
	[tilespmem:$0x18880] =	vst v63  }
0x1aa: {  	_ =	swait.ge [sflag:s29], $0x4000  }
0x1ab: {  	[sflag:s29] =	ssyncset.done $0x0  }
0x1ac: {  	[sflag:s29] =	ssyncadd.s32 $0xFFFFC000  }
0x1ad: {  	[spmem:s2] =	stream.indirect.scatter.add.f32 [tilespmem:s28], [sflag:$0x2], $0x80, s23, s26, $0xb8;
	[tilespmem:$0x18880] =	vst v63  }
0x1ae: {  	_ =	swait.ge [sflag:s21], $0x4000  }
0x1af: {  	s13 =	simm.s32 $0x100;
	s20 =	simm.s32 $0x80;
	[sflag:s21] =	ssyncset.done $0x0  }
.LBB2_6:
0x1b0: {  	s30 =	sadd.s32 s20, s19  }
0x1b1: {  	[sflag:s21] =	ssyncadd.s32 $0xFFFFC000;
	s31 =	smov.u32 s13;
	s8 =	sadd.s32 $0x80, s13  }
0x1b2: {  	[tilespmem:s24], [sflag:$0x2] =	stream.linear.gather [hbm4b:s30+s3], $0x400, $0x38;
	[tilespmem:$0x18880] =	vst v63  }
0x1b3: {  	s30 =	simm.s32 $0x14100  }
0x1b4: {  	p1 =	sne.s32 s13, $0x480;
	_ =	swait.ge [sflag:s21], $0x400  }
0x1b5: {  	s13 =	sadd.s32 s20, s18;
	[sflag:s21] =	ssyncset.done $0x0  }
0x1b6: {  	s20 =	smov.u32 s31;
	s31 =	simm.s32 $0x14500;
	[sflag:s21] =	ssyncadd.s32 $0xFFFFFC00  }
0x1b7: {  	[tilespmem:s25], [sflag:$0x2] =	stream.linear.gather [hbm4b:s13+s3], $0x400, $0x38;
	[tilespmem:$0x18880] =	vst v63  }
0x1b8: {  	_ =	swait.ge [sflag:s21], $0x400  }
0x1b9: {  	[sflag:s21] =	ssyncset.done $0x0  }
0x1ba: {  	[sflag:s21] =	ssyncadd.s32 $0xFFFFFC00  }
0x1bb: {  	[tilespmem:s28], [sflag:$0x1] =	stream.indirect.gather [hbm4b:s5+s26], $0x80, s24, s26, $0xb8;
	[tilespmem:$0x18880] =	vst v63  }
0x1bc: {  	_ =	swait.ge [sflag:s29], $0x4000  }
0x1bd: {  	[sflag:s29] =	ssyncset.done $0x0  }
0x1be: {  	[sflag:s29] =	ssyncadd.s32 $0xFFFFC000  }
0x1bf: {  	[spmem:s2] =	stream.indirect.scatter.add.f32 [tilespmem:s28], [sflag:$0x2], $0x80, s25, s26, $0xb8;
	[tilespmem:$0x18880] =	vst v63  }
0x1c0: {  	_ =	swait.ge [sflag:s21], $0x4000  }
0x1c1: {  	[sflag:s21] =	ssyncset.done $0x0  }
0x1c2: {  	[sflag:s21] =	ssyncadd.s32 $0xFFFFC000  }
0x1c3: {  	[tilespmem:s28], [sflag:$0x1] =	stream.indirect.gather [hbm4b:s5+s26], $0x80, s30, s26, $0xb8;
	[tilespmem:$0x18880] =	vst v63  }
0x1c4: {  	_ =	swait.ge [sflag:s29], $0x4000  }
0x1c5: {  	[sflag:s29] =	ssyncset.done $0x0  }
0x1c6: {  	[sflag:s29] =	ssyncadd.s32 $0xFFFFC000  }
0x1c7: {  	[spmem:s2] =	stream.indirect.scatter.add.f32 [tilespmem:s28], [sflag:$0x2], $0x80, s31, s26, $0xb8;
	[tilespmem:$0x18880] =	vst v63  }
0x1c8: {  	_ =	swait.ge [sflag:s21], $0x4000  }
0x1c9: {  	[sflag:s21] =	ssyncset.done $0x0  }
0x1ca: {  	[sflag:s21] =	ssyncadd.s32 $0xFFFFC000  }
0x1cb: {  	[tilespmem:s28], [sflag:$0x1] =	stream.indirect.gather [hbm4b:s5+s26], $0x80, s0, s26, $0xb8;
	[tilespmem:$0x18880] =	vst v63  }
0x1cc: {  	_ =	swait.ge [sflag:s29], $0x4000  }
0x1cd: {  	[sflag:s29] =	ssyncset.done $0x0  }
0x1ce: {  	[sflag:s29] =	ssyncadd.s32 $0xFFFFC000  }
0x1cf: {  	[spmem:s2] =	stream.indirect.scatter.add.f32 [tilespmem:s28], [sflag:$0x2], $0x80, s1, s26, $0xb8;
	[tilespmem:$0x18880] =	vst v63  }
0x1d0: {  	_ =	swait.ge [sflag:s21], $0x4000  }
0x1d1: {  	[sflag:s21] =	ssyncset.done $0x0  }
0x1d2: {  	[sflag:s21] =	ssyncadd.s32 $0xFFFFC000  }
0x1d3: {  	[tilespmem:s28], [sflag:$0x1] =	stream.indirect.gather [hbm4b:s5+s26], $0x80, s9, s26, $0xb8;
	[tilespmem:$0x18880] =	vst v63  }
0x1d4: {  	_ =	swait.ge [sflag:s29], $0x4000  }
0x1d5: {  	[sflag:s29] =	ssyncset.done $0x0  }
0x1d6: {  	[sflag:s29] =	ssyncadd.s32 $0xFFFFC000  }
0x1d7: {  	[spmem:s2] =	stream.indirect.scatter.add.f32 [tilespmem:s28], [sflag:$0x2], $0x80, s10, s26, $0xb8;
	[tilespmem:$0x18880] =	vst v63  }
0x1d8: {  	_ =	swait.ge [sflag:s21], $0x4000  }
0x1d9: {  	[sflag:s21] =	ssyncset.done $0x0  }
0x1da: {  	[sflag:s21] =	ssyncadd.s32 $0xFFFFC000  }
0x1db: {  	[tilespmem:s28], [sflag:$0x1] =	stream.indirect.gather [hbm4b:s5+s26], $0x80, s11, s26, $0xb8;
	[tilespmem:$0x18880] =	vst v63  }
0x1dc: {  	_ =	swait.ge [sflag:s29], $0x4000  }
0x1dd: {  	[sflag:s29] =	ssyncset.done $0x0  }
0x1de: {  	[sflag:s29] =	ssyncadd.s32 $0xFFFFC000  }
0x1df: {  	[spmem:s2] =	stream.indirect.scatter.add.f32 [tilespmem:s28], [sflag:$0x2], $0x80, s12, s26, $0xb8;
	[tilespmem:$0x18880] =	vst v63  }
0x1e0: {  	_ =	swait.ge [sflag:s21], $0x4000  }
0x1e1: {  	[sflag:s21] =	ssyncset.done $0x0  }
0x1e2: {  	[sflag:s21] =	ssyncadd.s32 $0xFFFFC000  }
0x1e3: {  	[tilespmem:s28], [sflag:$0x1] =	stream.indirect.gather [hbm4b:s5+s26], $0x80, s14, s26, $0xb8;
	[tilespmem:$0x18880] =	vst v63  }
0x1e4: {  	_ =	swait.ge [sflag:s29], $0x4000  }
0x1e5: {  	[sflag:s29] =	ssyncset.done $0x0  }
0x1e6: {  	[sflag:s29] =	ssyncadd.s32 $0xFFFFC000  }
0x1e7: {  	[spmem:s2] =	stream.indirect.scatter.add.f32 [tilespmem:s28], [sflag:$0x2], $0x80, s15, s26, $0xb8;
	[tilespmem:$0x18880] =	vst v63  }
0x1e8: {  	_ =	swait.ge [sflag:s21], $0x4000  }
0x1e9: {  	[sflag:s21] =	ssyncset.done $0x0  }
0x1ea: {  	[sflag:s21] =	ssyncadd.s32 $0xFFFFC000  }
0x1eb: {  	[tilespmem:s28], [sflag:$0x1] =	stream.indirect.gather [hbm4b:s5+s26], $0x80, s17, s26, $0xb8;
	[tilespmem:$0x18880] =	vst v63  }
0x1ec: {  	_ =	swait.ge [sflag:s29], $0x4000  }
0x1ed: {  	[sflag:s29] =	ssyncset.done $0x0  }
0x1ee: {  	[sflag:s29] =	ssyncadd.s32 $0xFFFFC000  }
0x1ef: {  	[spmem:s2] =	stream.indirect.scatter.add.f32 [tilespmem:s28], [sflag:$0x2], $0x80, s16, s26, $0xb8;
	[tilespmem:$0x18880] =	vst v63  }
0x1f0: {  	_ =	swait.ge [sflag:s21], $0x4000  }
0x1f1: {  	[sflag:s21] =	ssyncset.done $0x0  }
0x1f2: {  	[sflag:s21] =	ssyncadd.s32 $0xFFFFC000  }
0x1f3: {  	[tilespmem:s28], [sflag:$0x1] =	stream.indirect.gather [hbm4b:s5+s26], $0x80, s22, s26, $0xb8;
	[tilespmem:$0x18880] =	vst v63  }
0x1f4: {  	_ =	swait.ge [sflag:s29], $0x4000  }
.Ltmp5:
0x1f5: {  	[sflag:s29] =	ssyncset.done $0x0;
	(pc) =	sbr.rel @p1 .LBB2_6-.Ltmp5, $4  }
0x1f6: {  	[sflag:s29] =	ssyncadd.s32 $0xFFFFC000  }
0x1f7: {  	[spmem:s2] =	stream.indirect.scatter.add.f32 [tilespmem:s28], [sflag:$0x2], $0x80, s23, s26, $0xb8;
	[tilespmem:$0x18880] =	vst v63  }
0x1f8: {  	_ =	swait.ge [sflag:s21], $0x4000  }
0x1f9: {  	s13 =	smov.u32 s8;
	[sflag:s21] =	ssyncset.done $0x0  }
0x1fa: {  	s8 =	sadd.s32 s20, s19;
	[sflag:s21] =	ssyncadd.s32 $0xFFFFC000  }
0x1fb: {  	[tilespmem:s24], [sflag:$0x2] =	stream.linear.gather [hbm4b:s8+s3], $0x400, $0x38;
	[tilespmem:$0x18880] =	vst v63  }
0x1fc: {  	_ =	swait.ge [sflag:s21], $0x400  }
0x1fd: {  	[sflag:s21] =	ssyncset.done $0x0  }
0x1fe: {  	s20 =	sadd.s32 s20, s18;
	[sflag:s21] =	ssyncadd.s32 $0xFFFFFC00  }
0x1ff: {  	[tilespmem:s25], [sflag:$0x2] =	stream.linear.gather [hbm4b:s20+s3], $0x400, $0x38;
	[tilespmem:$0x18880] =	vst v63  }
0x200: {  	_ =	swait.ge [sflag:s21], $0x400  }
0x201: {  	[sflag:s21] =	ssyncset.done $0x0  }
0x202: {  	[sflag:s21] =	ssyncadd.s32 $0xFFFFFC00  }
0x203: {  	[tilespmem:s28], [sflag:$0x1] =	stream.indirect.gather [hbm4b:s5+s26], $0x80, s24, s26, $0xb8;
	[tilespmem:$0x18880] =	vst v63  }
0x204: {  	_ =	swait.ge [sflag:s29], $0x4000  }
0x205: {  	[sflag:s29] =	ssyncset.done $0x0  }
0x206: {  	[sflag:s29] =	ssyncadd.s32 $0xFFFFC000  }
0x207: {  	[spmem:s2] =	stream.indirect.scatter.add.f32 [tilespmem:s28], [sflag:$0x2], $0x80, s25, s26, $0xb8;
	[tilespmem:$0x18880] =	vst v63  }
0x208: {  	_ =	swait.ge [sflag:s21], $0x4000  }
0x209: {  	[sflag:s21] =	ssyncset.done $0x0  }
0x20a: {  	[sflag:s21] =	ssyncadd.s32 $0xFFFFC000  }
0x20b: {  	[tilespmem:s28], [sflag:$0x1] =	stream.indirect.gather [hbm4b:s5+s26], $0x80, s30, s26, $0xb8;
	[tilespmem:$0x18880] =	vst v63  }
0x20c: {  	_ =	swait.ge [sflag:s29], $0x4000  }
0x20d: {  	[sflag:s29] =	ssyncset.done $0x0  }
0x20e: {  	[sflag:s29] =	ssyncadd.s32 $0xFFFFC000  }
0x20f: {  	[spmem:s2] =	stream.indirect.scatter.add.f32 [tilespmem:s28], [sflag:$0x2], $0x80, s31, s26, $0xb8;
	[tilespmem:$0x18880] =	vst v63  }
0x210: {  	_ =	swait.ge [sflag:s21], $0x4000  }
0x211: {  	[sflag:s21] =	ssyncset.done $0x0  }
0x212: {  	[sflag:s21] =	ssyncadd.s32 $0xFFFFC000  }
0x213: {  	[tilespmem:s28], [sflag:$0x1] =	stream.indirect.gather [hbm4b:s5+s26], $0x80, s0, s26, $0xb8;
	[tilespmem:$0x18880] =	vst v63  }
0x214: {  	_ =	swait.ge [sflag:s29], $0x4000  }
0x215: {  	[sflag:s29] =	ssyncset.done $0x0  }
0x216: {  	[sflag:s29] =	ssyncadd.s32 $0xFFFFC000  }
0x217: {  	[spmem:s2] =	stream.indirect.scatter.add.f32 [tilespmem:s28], [sflag:$0x2], $0x80, s1, s26, $0xb8;
	[tilespmem:$0x18880] =	vst v63  }
0x218: {  	_ =	swait.ge [sflag:s21], $0x4000  }
0x219: {  	[sflag:s21] =	ssyncset.done $0x0  }
0x21a: {  	[sflag:s21] =	ssyncadd.s32 $0xFFFFC000  }
0x21b: {  	[tilespmem:s28], [sflag:$0x1] =	stream.indirect.gather [hbm4b:s5+s26], $0x80, s9, s26, $0xb8;
	[tilespmem:$0x18880] =	vst v63  }
0x21c: {  	_ =	swait.ge [sflag:s29], $0x4000  }
0x21d: {  	[sflag:s29] =	ssyncset.done $0x0  }
0x21e: {  	[sflag:s29] =	ssyncadd.s32 $0xFFFFC000  }
0x21f: {  	[spmem:s2] =	stream.indirect.scatter.add.f32 [tilespmem:s28], [sflag:$0x2], $0x80, s10, s26, $0xb8;
	[tilespmem:$0x18880] =	vst v63  }
0x220: {  	_ =	swait.ge [sflag:s21], $0x4000  }
0x221: {  	[sflag:s21] =	ssyncset.done $0x0  }
0x222: {  	[sflag:s21] =	ssyncadd.s32 $0xFFFFC000  }
0x223: {  	[tilespmem:s28], [sflag:$0x1] =	stream.indirect.gather [hbm4b:s5+s26], $0x80, s11, s26, $0xb8;
	[tilespmem:$0x18880] =	vst v63  }
0x224: {  	_ =	swait.ge [sflag:s29], $0x4000  }
0x225: {  	[sflag:s29] =	ssyncset.done $0x0  }
0x226: {  	[sflag:s29] =	ssyncadd.s32 $0xFFFFC000  }
0x227: {  	[spmem:s2] =	stream.indirect.scatter.add.f32 [tilespmem:s28], [sflag:$0x2], $0x80, s12, s26, $0xb8;
	[tilespmem:$0x18880] =	vst v63  }
0x228: {  	_ =	swait.ge [sflag:s21], $0x4000  }
0x229: {  	[sflag:s21] =	ssyncset.done $0x0  }
0x22a: {  	[sflag:s21] =	ssyncadd.s32 $0xFFFFC000  }
0x22b: {  	[tilespmem:s28], [sflag:$0x1] =	stream.indirect.gather [hbm4b:s5+s26], $0x80, s14, s26, $0xb8;
	[tilespmem:$0x18880] =	vst v63  }
0x22c: {  	_ =	swait.ge [sflag:s29], $0x4000  }
0x22d: {  	[sflag:s29] =	ssyncset.done $0x0  }
0x22e: {  	[sflag:s29] =	ssyncadd.s32 $0xFFFFC000  }
0x22f: {  	[spmem:s2] =	stream.indirect.scatter.add.f32 [tilespmem:s28], [sflag:$0x2], $0x80, s15, s26, $0xb8;
	[tilespmem:$0x18880] =	vst v63  }
0x230: {  	_ =	swait.ge [sflag:s21], $0x4000  }
0x231: {  	[sflag:s21] =	ssyncset.done $0x0  }
0x232: {  	[sflag:s21] =	ssyncadd.s32 $0xFFFFC000  }
0x233: {  	[tilespmem:s28], [sflag:$0x1] =	stream.indirect.gather [hbm4b:s5+s26], $0x80, s17, s26, $0xb8;
	[tilespmem:$0x18880] =	vst v63  }
0x234: {  	_ =	swait.ge [sflag:s29], $0x4000  }
0x235: {  	[sflag:s29] =	ssyncset.done $0x0  }
0x236: {  	[sflag:s29] =	ssyncadd.s32 $0xFFFFC000  }
0x237: {  	[spmem:s2] =	stream.indirect.scatter.add.f32 [tilespmem:s28], [sflag:$0x2], $0x80, s16, s26, $0xb8;
	[tilespmem:$0x18880] =	vst v63  }
0x238: {  	_ =	swait.ge [sflag:s21], $0x4000  }
0x239: {  	[sflag:s21] =	ssyncset.done $0x0  }
0x23a: {  	[sflag:s21] =	ssyncadd.s32 $0xFFFFC000  }
0x23b: {  	[tilespmem:s28], [sflag:$0x1] =	stream.indirect.gather [hbm4b:s5+s26], $0x80, s22, s26, $0xb8;
	[tilespmem:$0x18880] =	vst v63  }
0x23c: {  	_ =	swait.ge [sflag:s29], $0x4000  }
0x23d: {  	[sflag:s29] =	ssyncset.done $0x0  }
0x23e: {  	[sflag:s29] =	ssyncadd.s32 $0xFFFFC000  }
0x23f: {  	[spmem:s2] =	stream.indirect.scatter.add.f32 [tilespmem:s28], [sflag:$0x2], $0x80, s23, s26, $0xb8;
	[tilespmem:$0x18880] =	vst v63  }
0x240: {  	_ =	swait.ge [sflag:s21], $0x4000  }
0x241: {  	[sflag:s21] =	ssyncset.done $0x0  }
0x242: {  	s8 =	rddreg [dreg:$0x5];
	[sflag:s21] =	ssyncadd.s32 $0xFFFFC000  }
.LBB2_8:
0x243: {  	s13 =	rddreg [dreg:$0xb];
	[bflag:$0x0] =	sbarrier.arrive $0xFFFF  }
0x244: {  	s8 =	sadd.s32 s8, s13;
	s13 =	rddreg [dreg:$0x8]  }
0x245: {  	s20 =	rddreg [dreg:$0xd]  }
0x246: {  	[hbm:s8], [sflag:s13] =	dma.local [spmem:s20], $0x2800  }
0x247: {  	_ =	swait.ge [sflag:s21], $0x2800  }
0x248: {  	[sflag:s21] =	ssyncset.done $0x0  }
0x249: {  	s8 =	rddreg [dreg:$0x3];
	[sflag:s21] =	ssyncadd.s32 $0xFFFFD800  }
0x24a: {  	[spmem:s20], [sflag:s13] =	dma.local [hbm:s8], $0x800  }
0x24b: {  	_ =	swait.ge [sflag:s21], $0x800  }
0x24c: {  	[sflag:s21] =	ssyncset.done $0x0  }
0x24d: {  	s20 =	rddreg [dreg:$0xe];
	[sflag:s21] =	ssyncadd.s32 $0xFFFFF800  }
0x24e: {  	[spmem:s20], [sflag:s13] =	dma.local [hbm:s8], $0x800  }
0x24f: {  	_ =	swait.ge [sflag:s21], $0x800  }
0x250: {  	[sflag:s21] =	ssyncset.done $0x0  }
0x251: {  	s20 =	rddreg [dreg:$0xf];
	[sflag:s21] =	ssyncadd.s32 $0xFFFFF800  }
0x252: {  	[spmem:s20], [sflag:s13] =	dma.local [hbm:s8], $0x800  }
0x253: {  	_ =	swait.ge [sflag:s21], $0x800  }
0x254: {  	[sflag:s21] =	ssyncset.done $0x0  }
0x255: {  	s20 =	rddreg [dreg:$0x11];
	[sflag:s21] =	ssyncadd.s32 $0xFFFFF800  }
0x256: {  	[spmem:s20], [sflag:s13] =	dma.local [hbm:s8], $0x800  }
0x257: {  	_ =	swait.ge [sflag:s21], $0x800  }
0x258: {  	[sflag:s21] =	ssyncset.done $0x0  }
0x259: {  	s20 =	rddreg [dreg:$0x12];
	[sflag:s21] =	ssyncadd.s32 $0xFFFFF800  }
0x25a: {  	[spmem:s20], [sflag:s13] =	dma.local [hbm:s8], $0x800  }
.Ltmp6:
0x25b: {  	_ =	swait.ge [sflag:s21], $0x800;
	(pc) =	sbr.rel @p0 .LBB2_12-.Ltmp6, $4  }
0x25c: {  	[sflag:s21] =	ssyncset.done $0x0  }
0x25d: {  	[sflag:s21] =	ssyncadd.s32 $0xFFFFF800  }
0x25e: {  	[bflag:$0x0] =	sbarrier.arrive $0xFFFF  }
0x25f: {  	s8 =	sadd.s32 $0x0, s19  }
0x260: {  	[tilespmem:s24], [sflag:$0x2] =	stream.linear.gather [hbm4b:s8+s3], $0x400, $0x38;
	[tilespmem:$0x18880] =	vst v63  }
0x261: {  	_ =	swait.ge [sflag:s21], $0x400  }
0x262: {  	[sflag:s21] =	ssyncset.done $0x0  }
0x263: {  	s20 =	sadd.s32 $0x0, s18;
	[sflag:s21] =	ssyncadd.s32 $0xFFFFFC00  }
0x264: {  	[tilespmem:s25], [sflag:$0x2] =	stream.linear.gather [hbm4b:s20+s3], $0x400, $0x38;
	[tilespmem:$0x18880] =	vst v63  }
0x265: {  	_ =	swait.ge [sflag:s21], $0x400  }
0x266: {  	[sflag:s21] =	ssyncset.done $0x0  }
0x267: {  	[sflag:s21] =	ssyncadd.s32 $0xFFFFFC00  }
0x268: {  	[tilespmem:s28], [sflag:$0x1] =	stream.indirect.gather [hbm4b:s6+s26], $0x80, s24, s26, $0xb8;
	[tilespmem:$0x18880] =	vst v63  }
0x269: {  	_ =	swait.ge [sflag:s29], $0x4000  }
0x26a: {  	[sflag:s29] =	ssyncset.done $0x0  }
0x26b: {  	[sflag:s29] =	ssyncadd.s32 $0xFFFFC000  }
0x26c: {  	[spmem:s2] =	stream.indirect.scatter.add.f32 [tilespmem:s28], [sflag:$0x2], $0x80, s25, s26, $0xb8;
	[tilespmem:$0x18880] =	vst v63  }
0x26d: {  	_ =	swait.ge [sflag:s21], $0x4000  }
0x26e: {  	[sflag:s21] =	ssyncset.done $0x0  }
0x26f: {  	[sflag:s21] =	ssyncadd.s32 $0xFFFFC000  }
0x270: {  	[tilespmem:s28], [sflag:$0x1] =	stream.indirect.gather [hbm4b:s6+s26], $0x80, s30, s26, $0xb8;
	[tilespmem:$0x18880] =	vst v63  }
0x271: {  	_ =	swait.ge [sflag:s29], $0x4000  }
0x272: {  	[sflag:s29] =	ssyncset.done $0x0  }
0x273: {  	[sflag:s29] =	ssyncadd.s32 $0xFFFFC000  }
0x274: {  	[spmem:s2] =	stream.indirect.scatter.add.f32 [tilespmem:s28], [sflag:$0x2], $0x80, s31, s26, $0xb8;
	[tilespmem:$0x18880] =	vst v63  }
0x275: {  	_ =	swait.ge [sflag:s21], $0x4000  }
0x276: {  	[sflag:s21] =	ssyncset.done $0x0  }
0x277: {  	[sflag:s21] =	ssyncadd.s32 $0xFFFFC000  }
0x278: {  	[tilespmem:s28], [sflag:$0x1] =	stream.indirect.gather [hbm4b:s6+s26], $0x80, s0, s26, $0xb8;
	[tilespmem:$0x18880] =	vst v63  }
0x279: {  	_ =	swait.ge [sflag:s29], $0x4000  }
0x27a: {  	[sflag:s29] =	ssyncset.done $0x0  }
0x27b: {  	[sflag:s29] =	ssyncadd.s32 $0xFFFFC000  }
0x27c: {  	[spmem:s2] =	stream.indirect.scatter.add.f32 [tilespmem:s28], [sflag:$0x2], $0x80, s1, s26, $0xb8;
	[tilespmem:$0x18880] =	vst v63  }
0x27d: {  	_ =	swait.ge [sflag:s21], $0x4000  }
0x27e: {  	[sflag:s21] =	ssyncset.done $0x0  }
0x27f: {  	[sflag:s21] =	ssyncadd.s32 $0xFFFFC000  }
0x280: {  	[tilespmem:s28], [sflag:$0x1] =	stream.indirect.gather [hbm4b:s6+s26], $0x80, s9, s26, $0xb8;
	[tilespmem:$0x18880] =	vst v63  }
0x281: {  	_ =	swait.ge [sflag:s29], $0x4000  }
0x282: {  	[sflag:s29] =	ssyncset.done $0x0  }
0x283: {  	[sflag:s29] =	ssyncadd.s32 $0xFFFFC000  }
0x284: {  	[spmem:s2] =	stream.indirect.scatter.add.f32 [tilespmem:s28], [sflag:$0x2], $0x80, s10, s26, $0xb8;
	[tilespmem:$0x18880] =	vst v63  }
0x285: {  	_ =	swait.ge [sflag:s21], $0x4000  }
0x286: {  	[sflag:s21] =	ssyncset.done $0x0  }
0x287: {  	[sflag:s21] =	ssyncadd.s32 $0xFFFFC000  }
0x288: {  	[tilespmem:s28], [sflag:$0x1] =	stream.indirect.gather [hbm4b:s6+s26], $0x80, s11, s26, $0xb8;
	[tilespmem:$0x18880] =	vst v63  }
0x289: {  	_ =	swait.ge [sflag:s29], $0x4000  }
0x28a: {  	[sflag:s29] =	ssyncset.done $0x0  }
0x28b: {  	[sflag:s29] =	ssyncadd.s32 $0xFFFFC000  }
0x28c: {  	[spmem:s2] =	stream.indirect.scatter.add.f32 [tilespmem:s28], [sflag:$0x2], $0x80, s12, s26, $0xb8;
	[tilespmem:$0x18880] =	vst v63  }
0x28d: {  	_ =	swait.ge [sflag:s21], $0x4000  }
0x28e: {  	[sflag:s21] =	ssyncset.done $0x0  }
0x28f: {  	[sflag:s21] =	ssyncadd.s32 $0xFFFFC000  }
0x290: {  	[tilespmem:s28], [sflag:$0x1] =	stream.indirect.gather [hbm4b:s6+s26], $0x80, s14, s26, $0xb8;
	[tilespmem:$0x18880] =	vst v63  }
0x291: {  	_ =	swait.ge [sflag:s29], $0x4000  }
0x292: {  	[sflag:s29] =	ssyncset.done $0x0  }
0x293: {  	[sflag:s29] =	ssyncadd.s32 $0xFFFFC000  }
0x294: {  	[spmem:s2] =	stream.indirect.scatter.add.f32 [tilespmem:s28], [sflag:$0x2], $0x80, s15, s26, $0xb8;
	[tilespmem:$0x18880] =	vst v63  }
0x295: {  	_ =	swait.ge [sflag:s21], $0x4000  }
0x296: {  	[sflag:s21] =	ssyncset.done $0x0  }
0x297: {  	[sflag:s21] =	ssyncadd.s32 $0xFFFFC000  }
0x298: {  	[tilespmem:s28], [sflag:$0x1] =	stream.indirect.gather [hbm4b:s6+s26], $0x80, s17, s26, $0xb8;
	[tilespmem:$0x18880] =	vst v63  }
0x299: {  	_ =	swait.ge [sflag:s29], $0x4000  }
0x29a: {  	[sflag:s29] =	ssyncset.done $0x0  }
0x29b: {  	[sflag:s29] =	ssyncadd.s32 $0xFFFFC000  }
0x29c: {  	[spmem:s2] =	stream.indirect.scatter.add.f32 [tilespmem:s28], [sflag:$0x2], $0x80, s16, s26, $0xb8;
	[tilespmem:$0x18880] =	vst v63  }
0x29d: {  	_ =	swait.ge [sflag:s21], $0x4000  }
0x29e: {  	[sflag:s21] =	ssyncset.done $0x0  }
0x29f: {  	[sflag:s21] =	ssyncadd.s32 $0xFFFFC000  }
0x2a0: {  	[tilespmem:s28], [sflag:$0x1] =	stream.indirect.gather [hbm4b:s6+s26], $0x80, s22, s26, $0xb8;
	[tilespmem:$0x18880] =	vst v63  }
0x2a1: {  	_ =	swait.ge [sflag:s29], $0x4000  }
0x2a2: {  	[sflag:s29] =	ssyncset.done $0x0  }
0x2a3: {  	[sflag:s29] =	ssyncadd.s32 $0xFFFFC000  }
0x2a4: {  	[spmem:s2] =	stream.indirect.scatter.add.f32 [tilespmem:s28], [sflag:$0x2], $0x80, s23, s26, $0xb8;
	[tilespmem:$0x18880] =	vst v63  }
0x2a5: {  	_ =	swait.ge [sflag:s21], $0x4000  }
0x2a6: {  	s13 =	simm.s32 $0x100;
	s20 =	simm.s32 $0x80;
	[sflag:s21] =	ssyncset.done $0x0  }
.LBB2_10:
0x2a7: {  	s30 =	sadd.s32 s20, s19  }
0x2a8: {  	[sflag:s21] =	ssyncadd.s32 $0xFFFFC000;
	s31 =	smov.u32 s13;
	s8 =	sadd.s32 $0x80, s13  }
0x2a9: {  	[tilespmem:s24], [sflag:$0x2] =	stream.linear.gather [hbm4b:s30+s3], $0x400, $0x38;
	[tilespmem:$0x18880] =	vst v63  }
0x2aa: {  	s30 =	simm.s32 $0x14100  }
0x2ab: {  	p1 =	seq.s32 s13, $0x480;
	_ =	swait.ge [sflag:s21], $0x400  }
0x2ac: {  	s13 =	sadd.s32 s20, s18;
	[sflag:s21] =	ssyncset.done $0x0  }
0x2ad: {  	s20 =	smov.u32 s31;
	s31 =	simm.s32 $0x14500;
	[sflag:s21] =	ssyncadd.s32 $0xFFFFFC00  }
0x2ae: {  	[tilespmem:s25], [sflag:$0x2] =	stream.linear.gather [hbm4b:s13+s3], $0x400, $0x38;
	[tilespmem:$0x18880] =	vst v63  }
0x2af: {  	_ =	swait.ge [sflag:s21], $0x400  }
0x2b0: {  	[sflag:s21] =	ssyncset.done $0x0  }
0x2b1: {  	[sflag:s21] =	ssyncadd.s32 $0xFFFFFC00  }
0x2b2: {  	[tilespmem:s28], [sflag:$0x1] =	stream.indirect.gather [hbm4b:s6+s26], $0x80, s24, s26, $0xb8;
	[tilespmem:$0x18880] =	vst v63  }
0x2b3: {  	_ =	swait.ge [sflag:s29], $0x4000  }
0x2b4: {  	[sflag:s29] =	ssyncset.done $0x0  }
0x2b5: {  	[sflag:s29] =	ssyncadd.s32 $0xFFFFC000  }
0x2b6: {  	[spmem:s2] =	stream.indirect.scatter.add.f32 [tilespmem:s28], [sflag:$0x2], $0x80, s25, s26, $0xb8;
	[tilespmem:$0x18880] =	vst v63  }
0x2b7: {  	_ =	swait.ge [sflag:s21], $0x4000  }
0x2b8: {  	[sflag:s21] =	ssyncset.done $0x0  }
0x2b9: {  	[sflag:s21] =	ssyncadd.s32 $0xFFFFC000  }
0x2ba: {  	[tilespmem:s28], [sflag:$0x1] =	stream.indirect.gather [hbm4b:s6+s26], $0x80, s30, s26, $0xb8;
	[tilespmem:$0x18880] =	vst v63  }
0x2bb: {  	_ =	swait.ge [sflag:s29], $0x4000  }
0x2bc: {  	[sflag:s29] =	ssyncset.done $0x0  }
0x2bd: {  	[sflag:s29] =	ssyncadd.s32 $0xFFFFC000  }
0x2be: {  	[spmem:s2] =	stream.indirect.scatter.add.f32 [tilespmem:s28], [sflag:$0x2], $0x80, s31, s26, $0xb8;
	[tilespmem:$0x18880] =	vst v63  }
0x2bf: {  	_ =	swait.ge [sflag:s21], $0x4000  }
0x2c0: {  	[sflag:s21] =	ssyncset.done $0x0  }
0x2c1: {  	[sflag:s21] =	ssyncadd.s32 $0xFFFFC000  }
0x2c2: {  	[tilespmem:s28], [sflag:$0x1] =	stream.indirect.gather [hbm4b:s6+s26], $0x80, s0, s26, $0xb8;
	[tilespmem:$0x18880] =	vst v63  }
0x2c3: {  	_ =	swait.ge [sflag:s29], $0x4000  }
0x2c4: {  	[sflag:s29] =	ssyncset.done $0x0  }
0x2c5: {  	[sflag:s29] =	ssyncadd.s32 $0xFFFFC000  }
0x2c6: {  	[spmem:s2] =	stream.indirect.scatter.add.f32 [tilespmem:s28], [sflag:$0x2], $0x80, s1, s26, $0xb8;
	[tilespmem:$0x18880] =	vst v63  }
0x2c7: {  	_ =	swait.ge [sflag:s21], $0x4000  }
0x2c8: {  	[sflag:s21] =	ssyncset.done $0x0  }
0x2c9: {  	[sflag:s21] =	ssyncadd.s32 $0xFFFFC000  }
0x2ca: {  	[tilespmem:s28], [sflag:$0x1] =	stream.indirect.gather [hbm4b:s6+s26], $0x80, s9, s26, $0xb8;
	[tilespmem:$0x18880] =	vst v63  }
0x2cb: {  	_ =	swait.ge [sflag:s29], $0x4000  }
0x2cc: {  	[sflag:s29] =	ssyncset.done $0x0  }
0x2cd: {  	[sflag:s29] =	ssyncadd.s32 $0xFFFFC000  }
0x2ce: {  	[spmem:s2] =	stream.indirect.scatter.add.f32 [tilespmem:s28], [sflag:$0x2], $0x80, s10, s26, $0xb8;
	[tilespmem:$0x18880] =	vst v63  }
0x2cf: {  	_ =	swait.ge [sflag:s21], $0x4000  }
0x2d0: {  	[sflag:s21] =	ssyncset.done $0x0  }
0x2d1: {  	[sflag:s21] =	ssyncadd.s32 $0xFFFFC000  }
0x2d2: {  	[tilespmem:s28], [sflag:$0x1] =	stream.indirect.gather [hbm4b:s6+s26], $0x80, s11, s26, $0xb8;
	[tilespmem:$0x18880] =	vst v63  }
0x2d3: {  	_ =	swait.ge [sflag:s29], $0x4000  }
0x2d4: {  	[sflag:s29] =	ssyncset.done $0x0  }
0x2d5: {  	[sflag:s29] =	ssyncadd.s32 $0xFFFFC000  }
0x2d6: {  	[spmem:s2] =	stream.indirect.scatter.add.f32 [tilespmem:s28], [sflag:$0x2], $0x80, s12, s26, $0xb8;
	[tilespmem:$0x18880] =	vst v63  }
0x2d7: {  	_ =	swait.ge [sflag:s21], $0x4000  }
0x2d8: {  	[sflag:s21] =	ssyncset.done $0x0  }
0x2d9: {  	[sflag:s21] =	ssyncadd.s32 $0xFFFFC000  }
0x2da: {  	[tilespmem:s28], [sflag:$0x1] =	stream.indirect.gather [hbm4b:s6+s26], $0x80, s14, s26, $0xb8;
	[tilespmem:$0x18880] =	vst v63  }
0x2db: {  	_ =	swait.ge [sflag:s29], $0x4000  }
0x2dc: {  	[sflag:s29] =	ssyncset.done $0x0  }
0x2dd: {  	[sflag:s29] =	ssyncadd.s32 $0xFFFFC000  }
0x2de: {  	[spmem:s2] =	stream.indirect.scatter.add.f32 [tilespmem:s28], [sflag:$0x2], $0x80, s15, s26, $0xb8;
	[tilespmem:$0x18880] =	vst v63  }
0x2df: {  	_ =	swait.ge [sflag:s21], $0x4000  }
0x2e0: {  	[sflag:s21] =	ssyncset.done $0x0  }
0x2e1: {  	[sflag:s21] =	ssyncadd.s32 $0xFFFFC000  }
0x2e2: {  	[tilespmem:s28], [sflag:$0x1] =	stream.indirect.gather [hbm4b:s6+s26], $0x80, s17, s26, $0xb8;
	[tilespmem:$0x18880] =	vst v63  }
0x2e3: {  	_ =	swait.ge [sflag:s29], $0x4000  }
0x2e4: {  	[sflag:s29] =	ssyncset.done $0x0  }
0x2e5: {  	[sflag:s29] =	ssyncadd.s32 $0xFFFFC000  }
0x2e6: {  	[spmem:s2] =	stream.indirect.scatter.add.f32 [tilespmem:s28], [sflag:$0x2], $0x80, s16, s26, $0xb8;
	[tilespmem:$0x18880] =	vst v63  }
0x2e7: {  	_ =	swait.ge [sflag:s21], $0x4000  }
0x2e8: {  	[sflag:s21] =	ssyncset.done $0x0  }
0x2e9: {  	[sflag:s21] =	ssyncadd.s32 $0xFFFFC000  }
0x2ea: {  	[tilespmem:s28], [sflag:$0x1] =	stream.indirect.gather [hbm4b:s6+s26], $0x80, s22, s26, $0xb8;
	[tilespmem:$0x18880] =	vst v63  }
0x2eb: {  	_ =	swait.ge [sflag:s29], $0x4000  }
.Ltmp7:
0x2ec: {  	[sflag:s29] =	ssyncset.done $0x0;
	(pc) =	sbr.rel @!p1 .LBB2_10-.Ltmp7, $4  }
0x2ed: {  	[sflag:s29] =	ssyncadd.s32 $0xFFFFC000  }
0x2ee: {  	[spmem:s2] =	stream.indirect.scatter.add.f32 [tilespmem:s28], [sflag:$0x2], $0x80, s23, s26, $0xb8;
	[tilespmem:$0x18880] =	vst v63  }
0x2ef: {  	_ =	swait.ge [sflag:s21], $0x4000  }
0x2f0: {  	s13 =	smov.u32 s8;
	[sflag:s21] =	ssyncset.done $0x0  }
0x2f1: {  	s8 =	sadd.s32 s20, s19;
	[sflag:s21] =	ssyncadd.s32 $0xFFFFC000  }
0x2f2: {  	[tilespmem:s24], [sflag:$0x2] =	stream.linear.gather [hbm4b:s8+s3], $0x400, $0x38;
	[tilespmem:$0x18880] =	vst v63  }
0x2f3: {  	_ =	swait.ge [sflag:s21], $0x400  }
0x2f4: {  	[sflag:s21] =	ssyncset.done $0x0  }
0x2f5: {  	s20 =	sadd.s32 s20, s18;
	[sflag:s21] =	ssyncadd.s32 $0xFFFFFC00  }
0x2f6: {  	[tilespmem:s25], [sflag:$0x2] =	stream.linear.gather [hbm4b:s20+s3], $0x400, $0x38;
	[tilespmem:$0x18880] =	vst v63  }
0x2f7: {  	_ =	swait.ge [sflag:s21], $0x400  }
0x2f8: {  	[sflag:s21] =	ssyncset.done $0x0  }
0x2f9: {  	[sflag:s21] =	ssyncadd.s32 $0xFFFFFC00  }
0x2fa: {  	[tilespmem:s28], [sflag:$0x1] =	stream.indirect.gather [hbm4b:s6+s26], $0x80, s24, s26, $0xb8;
	[tilespmem:$0x18880] =	vst v63  }
0x2fb: {  	_ =	swait.ge [sflag:s29], $0x4000  }
0x2fc: {  	[sflag:s29] =	ssyncset.done $0x0  }
0x2fd: {  	[sflag:s29] =	ssyncadd.s32 $0xFFFFC000  }
0x2fe: {  	[spmem:s2] =	stream.indirect.scatter.add.f32 [tilespmem:s28], [sflag:$0x2], $0x80, s25, s26, $0xb8;
	[tilespmem:$0x18880] =	vst v63  }
0x2ff: {  	_ =	swait.ge [sflag:s21], $0x4000  }
0x300: {  	[sflag:s21] =	ssyncset.done $0x0  }
0x301: {  	[sflag:s21] =	ssyncadd.s32 $0xFFFFC000  }
0x302: {  	[tilespmem:s28], [sflag:$0x1] =	stream.indirect.gather [hbm4b:s6+s26], $0x80, s30, s26, $0xb8;
	[tilespmem:$0x18880] =	vst v63  }
0x303: {  	_ =	swait.ge [sflag:s29], $0x4000  }
0x304: {  	[sflag:s29] =	ssyncset.done $0x0  }
0x305: {  	[sflag:s29] =	ssyncadd.s32 $0xFFFFC000  }
0x306: {  	[spmem:s2] =	stream.indirect.scatter.add.f32 [tilespmem:s28], [sflag:$0x2], $0x80, s31, s26, $0xb8;
	[tilespmem:$0x18880] =	vst v63  }
0x307: {  	_ =	swait.ge [sflag:s21], $0x4000  }
0x308: {  	[sflag:s21] =	ssyncset.done $0x0  }
0x309: {  	[sflag:s21] =	ssyncadd.s32 $0xFFFFC000  }
0x30a: {  	[tilespmem:s28], [sflag:$0x1] =	stream.indirect.gather [hbm4b:s6+s26], $0x80, s0, s26, $0xb8;
	[tilespmem:$0x18880] =	vst v63  }
0x30b: {  	_ =	swait.ge [sflag:s29], $0x4000  }
0x30c: {  	[sflag:s29] =	ssyncset.done $0x0  }
0x30d: {  	[sflag:s29] =	ssyncadd.s32 $0xFFFFC000  }
0x30e: {  	[spmem:s2] =	stream.indirect.scatter.add.f32 [tilespmem:s28], [sflag:$0x2], $0x80, s1, s26, $0xb8;
	[tilespmem:$0x18880] =	vst v63  }
0x30f: {  	_ =	swait.ge [sflag:s21], $0x4000  }
0x310: {  	[sflag:s21] =	ssyncset.done $0x0  }
0x311: {  	[sflag:s21] =	ssyncadd.s32 $0xFFFFC000  }
0x312: {  	[tilespmem:s28], [sflag:$0x1] =	stream.indirect.gather [hbm4b:s6+s26], $0x80, s9, s26, $0xb8;
	[tilespmem:$0x18880] =	vst v63  }
0x313: {  	_ =	swait.ge [sflag:s29], $0x4000  }
0x314: {  	[sflag:s29] =	ssyncset.done $0x0  }
0x315: {  	[sflag:s29] =	ssyncadd.s32 $0xFFFFC000  }
0x316: {  	[spmem:s2] =	stream.indirect.scatter.add.f32 [tilespmem:s28], [sflag:$0x2], $0x80, s10, s26, $0xb8;
	[tilespmem:$0x18880] =	vst v63  }
0x317: {  	_ =	swait.ge [sflag:s21], $0x4000  }
0x318: {  	[sflag:s21] =	ssyncset.done $0x0  }
0x319: {  	[sflag:s21] =	ssyncadd.s32 $0xFFFFC000  }
0x31a: {  	[tilespmem:s28], [sflag:$0x1] =	stream.indirect.gather [hbm4b:s6+s26], $0x80, s11, s26, $0xb8;
	[tilespmem:$0x18880] =	vst v63  }
0x31b: {  	_ =	swait.ge [sflag:s29], $0x4000  }
0x31c: {  	[sflag:s29] =	ssyncset.done $0x0  }
0x31d: {  	[sflag:s29] =	ssyncadd.s32 $0xFFFFC000  }
0x31e: {  	[spmem:s2] =	stream.indirect.scatter.add.f32 [tilespmem:s28], [sflag:$0x2], $0x80, s12, s26, $0xb8;
	[tilespmem:$0x18880] =	vst v63  }
0x31f: {  	_ =	swait.ge [sflag:s21], $0x4000  }
0x320: {  	[sflag:s21] =	ssyncset.done $0x0  }
0x321: {  	[sflag:s21] =	ssyncadd.s32 $0xFFFFC000  }
0x322: {  	[tilespmem:s28], [sflag:$0x1] =	stream.indirect.gather [hbm4b:s6+s26], $0x80, s14, s26, $0xb8;
	[tilespmem:$0x18880] =	vst v63  }
0x323: {  	_ =	swait.ge [sflag:s29], $0x4000  }
0x324: {  	[sflag:s29] =	ssyncset.done $0x0  }
0x325: {  	[sflag:s29] =	ssyncadd.s32 $0xFFFFC000  }
0x326: {  	[spmem:s2] =	stream.indirect.scatter.add.f32 [tilespmem:s28], [sflag:$0x2], $0x80, s15, s26, $0xb8;
	[tilespmem:$0x18880] =	vst v63  }
0x327: {  	_ =	swait.ge [sflag:s21], $0x4000  }
0x328: {  	[sflag:s21] =	ssyncset.done $0x0  }
0x329: {  	[sflag:s21] =	ssyncadd.s32 $0xFFFFC000  }
0x32a: {  	[tilespmem:s28], [sflag:$0x1] =	stream.indirect.gather [hbm4b:s6+s26], $0x80, s17, s26, $0xb8;
	[tilespmem:$0x18880] =	vst v63  }
0x32b: {  	_ =	swait.ge [sflag:s29], $0x4000  }
0x32c: {  	[sflag:s29] =	ssyncset.done $0x0  }
0x32d: {  	[sflag:s29] =	ssyncadd.s32 $0xFFFFC000  }
0x32e: {  	[spmem:s2] =	stream.indirect.scatter.add.f32 [tilespmem:s28], [sflag:$0x2], $0x80, s16, s26, $0xb8;
	[tilespmem:$0x18880] =	vst v63  }
0x32f: {  	_ =	swait.ge [sflag:s21], $0x4000  }
0x330: {  	[sflag:s21] =	ssyncset.done $0x0  }
0x331: {  	[sflag:s21] =	ssyncadd.s32 $0xFFFFC000  }
0x332: {  	[tilespmem:s28], [sflag:$0x1] =	stream.indirect.gather [hbm4b:s6+s26], $0x80, s22, s26, $0xb8;
	[tilespmem:$0x18880] =	vst v63  }
0x333: {  	_ =	swait.ge [sflag:s29], $0x4000  }
0x334: {  	[sflag:s29] =	ssyncset.done $0x0  }
.Ltmp8:
0x335: {  	[sflag:s29] =	ssyncadd.s32 $0xFFFFC000;
	(pc) =	sbr.rel .LBB2_15-.Ltmp8, $4  }
0x336: {  	[spmem:s2] =	stream.indirect.scatter.add.f32 [tilespmem:s28], [sflag:$0x2], $0x80, s23, s26, $0xb8;
	[tilespmem:$0x18880] =	vst v63  }
0x337: {  	_ =	swait.ge [sflag:s21], $0x4000  }
0x338: {  	[sflag:s21] =	ssyncset.done $0x0  }
0x339: {  	s8 =	rddreg [dreg:$0x6];
	[sflag:s21] =	ssyncadd.s32 $0xFFFFC000  }
.LBB2_12:
0x33a: {  	[tilespmem:s24], [sflag:$0x2] =	stream.linear.gather [hbm4b:s8+s3], $0x400, $0x38;
	[tilespmem:$0x18880] =	vst v63  }
0x33b: {  	_ =	swait.ge [sflag:s21], $0x400  }
0x33c: {  	[sflag:s21] =	ssyncset.done $0x0  }
0x33d: {  	s20 =	sadd.s32 $0x0, s18;
	[sflag:s21] =	ssyncadd.s32 $0xFFFFFC00  }
0x33e: {  	[tilespmem:s25], [sflag:$0x2] =	stream.linear.gather [hbm4b:s20+s3], $0x400, $0x38;
	[tilespmem:$0x18880] =	vst v63  }
0x33f: {  	_ =	swait.ge [sflag:s21], $0x400  }
0x340: {  	[sflag:s21] =	ssyncset.done $0x0  }
0x341: {  	[sflag:s21] =	ssyncadd.s32 $0xFFFFFC00  }
0x342: {  	[tilespmem:s28], [sflag:$0x1] =	stream.indirect.gather [hbm4b:s7+s26], $0x80, s24, s26, $0xb8;
	[tilespmem:$0x18880] =	vst v63  }
0x343: {  	_ =	swait.ge [sflag:s29], $0x4000  }
0x344: {  	[sflag:s29] =	ssyncset.done $0x0  }
0x345: {  	[sflag:s29] =	ssyncadd.s32 $0xFFFFC000  }
0x346: {  	[spmem:s2] =	stream.indirect.scatter.add.f32 [tilespmem:s28], [sflag:$0x2], $0x80, s25, s26, $0xb8;
	[tilespmem:$0x18880] =	vst v63  }
0x347: {  	_ =	swait.ge [sflag:s21], $0x4000  }
0x348: {  	[sflag:s21] =	ssyncset.done $0x0  }
0x349: {  	[sflag:s21] =	ssyncadd.s32 $0xFFFFC000  }
0x34a: {  	[tilespmem:s28], [sflag:$0x1] =	stream.indirect.gather [hbm4b:s7+s26], $0x80, s30, s26, $0xb8;
	[tilespmem:$0x18880] =	vst v63  }
0x34b: {  	_ =	swait.ge [sflag:s29], $0x4000  }
0x34c: {  	[sflag:s29] =	ssyncset.done $0x0  }
0x34d: {  	[sflag:s29] =	ssyncadd.s32 $0xFFFFC000  }
0x34e: {  	[spmem:s2] =	stream.indirect.scatter.add.f32 [tilespmem:s28], [sflag:$0x2], $0x80, s31, s26, $0xb8;
	[tilespmem:$0x18880] =	vst v63  }
0x34f: {  	_ =	swait.ge [sflag:s21], $0x4000  }
0x350: {  	[sflag:s21] =	ssyncset.done $0x0  }
0x351: {  	[sflag:s21] =	ssyncadd.s32 $0xFFFFC000  }
0x352: {  	[tilespmem:s28], [sflag:$0x1] =	stream.indirect.gather [hbm4b:s7+s26], $0x80, s0, s26, $0xb8;
	[tilespmem:$0x18880] =	vst v63  }
0x353: {  	_ =	swait.ge [sflag:s29], $0x4000  }
0x354: {  	[sflag:s29] =	ssyncset.done $0x0  }
0x355: {  	[sflag:s29] =	ssyncadd.s32 $0xFFFFC000  }
0x356: {  	[spmem:s2] =	stream.indirect.scatter.add.f32 [tilespmem:s28], [sflag:$0x2], $0x80, s1, s26, $0xb8;
	[tilespmem:$0x18880] =	vst v63  }
0x357: {  	_ =	swait.ge [sflag:s21], $0x4000  }
0x358: {  	[sflag:s21] =	ssyncset.done $0x0  }
0x359: {  	[sflag:s21] =	ssyncadd.s32 $0xFFFFC000  }
0x35a: {  	[tilespmem:s28], [sflag:$0x1] =	stream.indirect.gather [hbm4b:s7+s26], $0x80, s9, s26, $0xb8;
	[tilespmem:$0x18880] =	vst v63  }
0x35b: {  	_ =	swait.ge [sflag:s29], $0x4000  }
0x35c: {  	[sflag:s29] =	ssyncset.done $0x0  }
0x35d: {  	[sflag:s29] =	ssyncadd.s32 $0xFFFFC000  }
0x35e: {  	[spmem:s2] =	stream.indirect.scatter.add.f32 [tilespmem:s28], [sflag:$0x2], $0x80, s10, s26, $0xb8;
	[tilespmem:$0x18880] =	vst v63  }
0x35f: {  	_ =	swait.ge [sflag:s21], $0x4000  }
0x360: {  	[sflag:s21] =	ssyncset.done $0x0  }
0x361: {  	[sflag:s21] =	ssyncadd.s32 $0xFFFFC000  }
0x362: {  	[tilespmem:s28], [sflag:$0x1] =	stream.indirect.gather [hbm4b:s7+s26], $0x80, s11, s26, $0xb8;
	[tilespmem:$0x18880] =	vst v63  }
0x363: {  	_ =	swait.ge [sflag:s29], $0x4000  }
0x364: {  	[sflag:s29] =	ssyncset.done $0x0  }
0x365: {  	[sflag:s29] =	ssyncadd.s32 $0xFFFFC000  }
0x366: {  	[spmem:s2] =	stream.indirect.scatter.add.f32 [tilespmem:s28], [sflag:$0x2], $0x80, s12, s26, $0xb8;
	[tilespmem:$0x18880] =	vst v63  }
0x367: {  	_ =	swait.ge [sflag:s21], $0x4000  }
0x368: {  	[sflag:s21] =	ssyncset.done $0x0  }
0x369: {  	[sflag:s21] =	ssyncadd.s32 $0xFFFFC000  }
0x36a: {  	[tilespmem:s28], [sflag:$0x1] =	stream.indirect.gather [hbm4b:s7+s26], $0x80, s14, s26, $0xb8;
	[tilespmem:$0x18880] =	vst v63  }
0x36b: {  	_ =	swait.ge [sflag:s29], $0x4000  }
0x36c: {  	[sflag:s29] =	ssyncset.done $0x0  }
0x36d: {  	[sflag:s29] =	ssyncadd.s32 $0xFFFFC000  }
0x36e: {  	[spmem:s2] =	stream.indirect.scatter.add.f32 [tilespmem:s28], [sflag:$0x2], $0x80, s15, s26, $0xb8;
	[tilespmem:$0x18880] =	vst v63  }
0x36f: {  	_ =	swait.ge [sflag:s21], $0x4000  }
0x370: {  	[sflag:s21] =	ssyncset.done $0x0  }
0x371: {  	[sflag:s21] =	ssyncadd.s32 $0xFFFFC000  }
0x372: {  	[tilespmem:s28], [sflag:$0x1] =	stream.indirect.gather [hbm4b:s7+s26], $0x80, s17, s26, $0xb8;
	[tilespmem:$0x18880] =	vst v63  }
0x373: {  	_ =	swait.ge [sflag:s29], $0x4000  }
0x374: {  	[sflag:s29] =	ssyncset.done $0x0  }
0x375: {  	[sflag:s29] =	ssyncadd.s32 $0xFFFFC000  }
0x376: {  	[spmem:s2] =	stream.indirect.scatter.add.f32 [tilespmem:s28], [sflag:$0x2], $0x80, s16, s26, $0xb8;
	[tilespmem:$0x18880] =	vst v63  }
0x377: {  	_ =	swait.ge [sflag:s21], $0x4000  }
0x378: {  	[sflag:s21] =	ssyncset.done $0x0  }
0x379: {  	[sflag:s21] =	ssyncadd.s32 $0xFFFFC000  }
0x37a: {  	[tilespmem:s28], [sflag:$0x1] =	stream.indirect.gather [hbm4b:s7+s26], $0x80, s22, s26, $0xb8;
	[tilespmem:$0x18880] =	vst v63  }
0x37b: {  	_ =	swait.ge [sflag:s29], $0x4000  }
0x37c: {  	[sflag:s29] =	ssyncset.done $0x0  }
0x37d: {  	[sflag:s29] =	ssyncadd.s32 $0xFFFFC000  }
0x37e: {  	[spmem:s2] =	stream.indirect.scatter.add.f32 [tilespmem:s28], [sflag:$0x2], $0x80, s23, s26, $0xb8;
	[tilespmem:$0x18880] =	vst v63  }
0x37f: {  	_ =	swait.ge [sflag:s21], $0x4000  }
0x380: {  	s13 =	simm.s32 $0x100;
	s20 =	simm.s32 $0x80;
	[sflag:s21] =	ssyncset.done $0x0  }
.LBB2_13:
0x381: {  	s30 =	sadd.s32 s20, s19  }
0x382: {  	[sflag:s21] =	ssyncadd.s32 $0xFFFFC000;
	s31 =	smov.u32 s13;
	s8 =	sadd.s32 $0x80, s13  }
0x383: {  	[tilespmem:s24], [sflag:$0x2] =	stream.linear.gather [hbm4b:s30+s3], $0x400, $0x38;
	[tilespmem:$0x18880] =	vst v63  }
0x384: {  	s30 =	simm.s32 $0x14100  }
0x385: {  	p1 =	sne.s32 s13, $0x480;
	_ =	swait.ge [sflag:s21], $0x400  }
0x386: {  	s13 =	sadd.s32 s20, s18;
	[sflag:s21] =	ssyncset.done $0x0  }
0x387: {  	s20 =	smov.u32 s31;
	s31 =	simm.s32 $0x14500;
	[sflag:s21] =	ssyncadd.s32 $0xFFFFFC00  }
0x388: {  	[tilespmem:s25], [sflag:$0x2] =	stream.linear.gather [hbm4b:s13+s3], $0x400, $0x38;
	[tilespmem:$0x18880] =	vst v63  }
0x389: {  	_ =	swait.ge [sflag:s21], $0x400  }
0x38a: {  	[sflag:s21] =	ssyncset.done $0x0  }
0x38b: {  	[sflag:s21] =	ssyncadd.s32 $0xFFFFFC00  }
0x38c: {  	[tilespmem:s28], [sflag:$0x1] =	stream.indirect.gather [hbm4b:s7+s26], $0x80, s24, s26, $0xb8;
	[tilespmem:$0x18880] =	vst v63  }
0x38d: {  	_ =	swait.ge [sflag:s29], $0x4000  }
0x38e: {  	[sflag:s29] =	ssyncset.done $0x0  }
0x38f: {  	[sflag:s29] =	ssyncadd.s32 $0xFFFFC000  }
0x390: {  	[spmem:s2] =	stream.indirect.scatter.add.f32 [tilespmem:s28], [sflag:$0x2], $0x80, s25, s26, $0xb8;
	[tilespmem:$0x18880] =	vst v63  }
0x391: {  	_ =	swait.ge [sflag:s21], $0x4000  }
0x392: {  	[sflag:s21] =	ssyncset.done $0x0  }
0x393: {  	[sflag:s21] =	ssyncadd.s32 $0xFFFFC000  }
0x394: {  	[tilespmem:s28], [sflag:$0x1] =	stream.indirect.gather [hbm4b:s7+s26], $0x80, s30, s26, $0xb8;
	[tilespmem:$0x18880] =	vst v63  }
0x395: {  	_ =	swait.ge [sflag:s29], $0x4000  }
0x396: {  	[sflag:s29] =	ssyncset.done $0x0  }
0x397: {  	[sflag:s29] =	ssyncadd.s32 $0xFFFFC000  }
0x398: {  	[spmem:s2] =	stream.indirect.scatter.add.f32 [tilespmem:s28], [sflag:$0x2], $0x80, s31, s26, $0xb8;
	[tilespmem:$0x18880] =	vst v63  }
0x399: {  	_ =	swait.ge [sflag:s21], $0x4000  }
0x39a: {  	[sflag:s21] =	ssyncset.done $0x0  }
0x39b: {  	[sflag:s21] =	ssyncadd.s32 $0xFFFFC000  }
0x39c: {  	[tilespmem:s28], [sflag:$0x1] =	stream.indirect.gather [hbm4b:s7+s26], $0x80, s0, s26, $0xb8;
	[tilespmem:$0x18880] =	vst v63  }
0x39d: {  	_ =	swait.ge [sflag:s29], $0x4000  }
0x39e: {  	[sflag:s29] =	ssyncset.done $0x0  }
0x39f: {  	[sflag:s29] =	ssyncadd.s32 $0xFFFFC000  }
0x3a0: {  	[spmem:s2] =	stream.indirect.scatter.add.f32 [tilespmem:s28], [sflag:$0x2], $0x80, s1, s26, $0xb8;
	[tilespmem:$0x18880] =	vst v63  }
0x3a1: {  	_ =	swait.ge [sflag:s21], $0x4000  }
0x3a2: {  	[sflag:s21] =	ssyncset.done $0x0  }
0x3a3: {  	[sflag:s21] =	ssyncadd.s32 $0xFFFFC000  }
0x3a4: {  	[tilespmem:s28], [sflag:$0x1] =	stream.indirect.gather [hbm4b:s7+s26], $0x80, s9, s26, $0xb8;
	[tilespmem:$0x18880] =	vst v63  }
0x3a5: {  	_ =	swait.ge [sflag:s29], $0x4000  }
0x3a6: {  	[sflag:s29] =	ssyncset.done $0x0  }
0x3a7: {  	[sflag:s29] =	ssyncadd.s32 $0xFFFFC000  }
0x3a8: {  	[spmem:s2] =	stream.indirect.scatter.add.f32 [tilespmem:s28], [sflag:$0x2], $0x80, s10, s26, $0xb8;
	[tilespmem:$0x18880] =	vst v63  }
0x3a9: {  	_ =	swait.ge [sflag:s21], $0x4000  }
0x3aa: {  	[sflag:s21] =	ssyncset.done $0x0  }
0x3ab: {  	[sflag:s21] =	ssyncadd.s32 $0xFFFFC000  }
0x3ac: {  	[tilespmem:s28], [sflag:$0x1] =	stream.indirect.gather [hbm4b:s7+s26], $0x80, s11, s26, $0xb8;
	[tilespmem:$0x18880] =	vst v63  }
0x3ad: {  	_ =	swait.ge [sflag:s29], $0x4000  }
0x3ae: {  	[sflag:s29] =	ssyncset.done $0x0  }
0x3af: {  	[sflag:s29] =	ssyncadd.s32 $0xFFFFC000  }
0x3b0: {  	[spmem:s2] =	stream.indirect.scatter.add.f32 [tilespmem:s28], [sflag:$0x2], $0x80, s12, s26, $0xb8;
	[tilespmem:$0x18880] =	vst v63  }
0x3b1: {  	_ =	swait.ge [sflag:s21], $0x4000  }
0x3b2: {  	[sflag:s21] =	ssyncset.done $0x0  }
0x3b3: {  	[sflag:s21] =	ssyncadd.s32 $0xFFFFC000  }
0x3b4: {  	[tilespmem:s28], [sflag:$0x1] =	stream.indirect.gather [hbm4b:s7+s26], $0x80, s14, s26, $0xb8;
	[tilespmem:$0x18880] =	vst v63  }
0x3b5: {  	_ =	swait.ge [sflag:s29], $0x4000  }
0x3b6: {  	[sflag:s29] =	ssyncset.done $0x0  }
0x3b7: {  	[sflag:s29] =	ssyncadd.s32 $0xFFFFC000  }
0x3b8: {  	[spmem:s2] =	stream.indirect.scatter.add.f32 [tilespmem:s28], [sflag:$0x2], $0x80, s15, s26, $0xb8;
	[tilespmem:$0x18880] =	vst v63  }
0x3b9: {  	_ =	swait.ge [sflag:s21], $0x4000  }
0x3ba: {  	[sflag:s21] =	ssyncset.done $0x0  }
0x3bb: {  	[sflag:s21] =	ssyncadd.s32 $0xFFFFC000  }
0x3bc: {  	[tilespmem:s28], [sflag:$0x1] =	stream.indirect.gather [hbm4b:s7+s26], $0x80, s17, s26, $0xb8;
	[tilespmem:$0x18880] =	vst v63  }
0x3bd: {  	_ =	swait.ge [sflag:s29], $0x4000  }
0x3be: {  	[sflag:s29] =	ssyncset.done $0x0  }
0x3bf: {  	[sflag:s29] =	ssyncadd.s32 $0xFFFFC000  }
0x3c0: {  	[spmem:s2] =	stream.indirect.scatter.add.f32 [tilespmem:s28], [sflag:$0x2], $0x80, s16, s26, $0xb8;
	[tilespmem:$0x18880] =	vst v63  }
0x3c1: {  	_ =	swait.ge [sflag:s21], $0x4000  }
0x3c2: {  	[sflag:s21] =	ssyncset.done $0x0  }
0x3c3: {  	[sflag:s21] =	ssyncadd.s32 $0xFFFFC000  }
0x3c4: {  	[tilespmem:s28], [sflag:$0x1] =	stream.indirect.gather [hbm4b:s7+s26], $0x80, s22, s26, $0xb8;
	[tilespmem:$0x18880] =	vst v63  }
0x3c5: {  	_ =	swait.ge [sflag:s29], $0x4000  }
.Ltmp9:
0x3c6: {  	[sflag:s29] =	ssyncset.done $0x0;
	(pc) =	sbr.rel @p1 .LBB2_13-.Ltmp9, $4  }
0x3c7: {  	[sflag:s29] =	ssyncadd.s32 $0xFFFFC000  }
0x3c8: {  	[spmem:s2] =	stream.indirect.scatter.add.f32 [tilespmem:s28], [sflag:$0x2], $0x80, s23, s26, $0xb8;
	[tilespmem:$0x18880] =	vst v63  }
0x3c9: {  	_ =	swait.ge [sflag:s21], $0x4000  }
0x3ca: {  	s13 =	smov.u32 s8;
	[sflag:s21] =	ssyncset.done $0x0  }
.Ltmp10:
0x3cb: {  	_ = 	snop;
	(pc) =	sbr.rel .LBB2_14-.Ltmp10, $1  }
0x3cc: {  	_ =	sdelay $0x3  }
.LBB2_16:
0x3cd: {  	_ =	sfence.sel $0x180000  }
0x3ce: {  	[bflag:$0x0] =	sbarrier.arrive $0xFFFF  }
0x3cf: {  	_ =	strace $0x9000004A  }
0x3d0: {  	s0 =	stileid.u32;
	[bflag:$0x2] =	sbarrier.arrive $0xFFFF  }
0x3d1: {  	p0 =	sne.s32 s0, $0x0;
	s0 =	rddreg [dreg:$0x2]  }
0x3d2: {  	s0 =	sadd.s32 @!p0 $0x100000, s0  }
0x3d3: {  	[sflag:s0] =	ssyncadd.tile.s32 @!p0 $0x1;
	_ =	shalt  }
.Lfunc_end2:
_tile_overlayer_lowered:
.L_overlay_start_2:
0x3d4: {  	(tag) =	ssettag $0x2  }
0x3d5: {  	s0 =	rddreg [dreg:$0x0];
	s2 =	stileid.u32  }
0x3d6: {  	s1 =	rddreg [dreg:$0x1];
	p0 =	sne.s32 s2, $0x0  }
0x3d7: {  	s3 =	rddreg [dreg:$0x2];
	[bflag:$0x3] =	sbarrier.arrive $0xFFFF;
	s2 =	simm.s32 @!p0 $0x1C02  }
0x3d8: {  	[timem:s3], [sflag:s2] =	dma.local @!p0 [hbm:s0], s1  }
0x3d9: {  	s0 =	simm.s32 @!p0 $0x2  }
0x3da: {  	_ =	swait.ge @!p0 [sflag:s0], s1  }
0x3db: {  	s1 =	ssub.s32 @!p0 $0x0, s1;
	[sflag:s0] =	ssyncset.done @!p0 $0x0  }
0x3dc: {  	[sflag:s0] =	ssyncadd.s32 @!p0 s1  }
0x3dd: {  	[bflag:$0x3] =	sbarrier.arrive $0xFFFF  }
0x3de: {  	_ =	shalt  }

</sc_bundles>
